<compile_context>
chip_gen: v7x
topology: tpu7x:2x2x1
jax: 0.10.2.dev20260603
libtpu: 0.0.44.dev20260713+nightly
codegen_flags: <defaults>
</compile_context>

<pallas_src>
import jax
import jax.numpy as jnp
from jax import lax
from jax.experimental import pallas as pl
from jax.experimental.pallas import tpu as pltpu
from jax.experimental.pallas import tpu_sc as plsc

N = 10000
NPAD = 10240
E = 320000
D = 128
G = 16
NC = 2
NS = 16
NW = NC * NS
C = 128
CPW = 80
SEG = 40
NSEG = CPW // SEG
ROWS = NW * CPW
RPAD = ROWS + 8
EPAD = ROWS * C
RPT = NPAD // NS

_f32 = jnp.float32
_MESH = plsc.VectorSubcoreMesh(core_axis_name="c", subcore_axis_name="s",
                               num_cores=NC, num_subcores=NS)


def _deg_body(row_hbm, w_hbm, deg_out, widx, wval, zbuf, dsem, shared_deg):
    c = lax.axis_index("c")
    s = lax.axis_index("s")
    wid = s * NC + c

    def zb(i, _):
        zbuf[pl.ds(i * 16, 16)] = jnp.zeros((16,), _f32)
        return 0
    lax.fori_loop(0, RPT // 16, zb, 0)
    pltpu.sync_copy(zbuf, shared_deg.at[pl.ds(s * RPT, RPT)])

    pltpu.sync_copy(row_hbm.at[pl.ds(wid * CPW, CPW)], widx)
    pltpu.sync_copy(w_hbm.at[pl.ds(wid * CPW, CPW)], wval)

    def ab(j, _):
        for k in range(C // 16):
            wval[j, pl.ds(k * 16, 16)] = jnp.abs(wval[j, pl.ds(k * 16, 16)])
        return 0
    lax.fori_loop(0, CPW, ab, 0)

    plsc.subcore_barrier()

    def sc_add(g, _):
        for u in range(8):
            pltpu.async_copy(wval.at[8 * g + u],
                             shared_deg.at[widx.at[8 * g + u]], dsem, add=True)
        for u in range(8):
            pltpu.make_async_copy(w_hbm.at[0], wval.at[0], dsem).wait()
        return 0
    lax.fori_loop(0, CPW // 8, sc_add, 0)

    plsc.subcore_barrier()
    pltpu.sync_copy(shared_deg.at[pl.ds(s * RPT, RPT)],
                    deg_out.at[c, pl.ds(s * RPT, RPT)])


_deg_call = pl.kernel(
    _deg_body,
    out_type=jax.ShapeDtypeStruct((NC, NPAD), _f32),
    mesh=_MESH,
    scratch_types=[
        pltpu.VMEM((CPW, C), jnp.int32),
        pltpu.VMEM((CPW, C), _f32),
        pltpu.VMEM((RPT,), _f32),
        pltpu.SemaphoreType.DMA,
        pltpu.VMEM_SHARED((NPAD,), _f32),
    ],
)


def _spmm_body(y_hbm, row_hbm, col_hbm, out_hbm, ridx, cidx, v0, v1,
               gsem, ssem, shared_out):
    c = lax.axis_index("c")
    s = lax.axis_index("s")
    wid = s * NC + c

    def zb(i, _):
        for k in range(D // 16):
            v0[i, pl.ds(k * 16, 16)] = jnp.zeros((16,), _f32)
        return 0
    lax.fori_loop(0, C, zb, 0)

    for t in range(RPT // C):
        pltpu.async_copy(v0, shared_out.at[pl.ds(s * RPT + t * C, C)], ssem)
    for t in range(RPT // C):
        pltpu.make_async_copy(v0, shared_out.at[pl.ds(s * RPT, C)], ssem).wait()

    def gather(jj, buf):
        pltpu.async_copy(y_hbm.at[ridx.at[jj]], buf, gsem)

    def gwait(buf):
        pltpu.make_async_copy(y_hbm.at[ridx.at[0]], buf, gsem).wait()

    def sscat(jj, buf):
        pltpu.async_copy(buf, shared_out.at[cidx.at[jj]], ssem, add=True)

    def swait(buf):
        pltpu.make_async_copy(y_hbm.at[ridx.at[0]], buf, ssem).wait()

    plsc.subcore_barrier()

    def seg_body(g, _):
        base = wid * CPW + g * SEG
        pltpu.sync_copy(row_hbm.at[pl.ds(base, SEG)], ridx)
        pltpu.sync_copy(col_hbm.at[pl.ds(base, SEG)], cidx)

        gather(0, v0)
        gather(1, v1)
        gwait(v0)
        sscat(0, v0)

        bufs = (v0, v1)

        def step(k, pu):
            swait(bufs[1 - pu])
            gather(k + 1, bufs[1 - pu])
            gwait(bufs[pu])
            sscat(k, bufs[pu])

        def ch(i, _):
            jo = 4 * i
            for u in range(4):
                step(jo + 1 + u, (1 + u) % 2)
            return 0
        lax.fori_loop(0, (SEG - 4) // 4, ch, 0)
        step(SEG - 3, (SEG - 3) % 2)
        step(SEG - 2, (SEG - 2) % 2)

        swait(v0)
        gwait(v1)
        sscat(SEG - 1, v1)
        swait(v1)
        return 0
    lax.fori_loop(0, NSEG, seg_body, 0)

    plsc.subcore_barrier()
    for t in range(RPT // C):
        pltpu.async_copy(shared_out.at[pl.ds(s * RPT + t * C, C)],
                         out_hbm.at[c, pl.ds(s * RPT + t * C, C)], ssem)
    for t in range(RPT // C):
        pltpu.make_async_copy(shared_out.at[pl.ds(s * RPT, C)],
                              out_hbm.at[c, pl.ds(s * RPT, C)], ssem).wait()


_spmm_call = pl.kernel(
    _spmm_body,
    out_type=jax.ShapeDtypeStruct((NC, NPAD, D), _f32),
    mesh=_MESH,
    scratch_types=[
        pltpu.VMEM((SEG, C), jnp.int32),
        pltpu.VMEM((SEG, C), jnp.int32),
        pltpu.VMEM((C, D), _f32),
        pltpu.VMEM((C, D), _f32),
        pltpu.SemaphoreType.DMA,
        pltpu.SemaphoreType.DMA,
        pltpu.VMEM_SHARED((NPAD, D), _f32),
    ],
)


def _dis_of(degt):
    deg = degt[:, 0] + degt[:, 1]
    return jnp.where(deg > 0, lax.rsqrt(jnp.where(deg > 0, deg, 1.0)), 0.0)


def _k1_body(x_ref, wt_ref, degt_ref, y_ref):
    dis = _dis_of(degt_ref[...])
    z = jnp.dot(x_ref[...], wt_ref[...], preferred_element_type=_f32)
    y_ref[...] = dis[:, None] * z


def _k2_body(acc_ref, degt_ref, wt_ref, b_ref, y_ref):
    dis = _dis_of(degt_ref[...])
    a = acc_ref[0] + acc_ref[1]
    h = dis[:, None] * a + b_ref[...][None, :]
    h = jnp.where(h >= 0, h, 0.01 * h)
    z = jnp.dot(h, wt_ref[...], preferred_element_type=_f32)
    y_ref[...] = dis[:, None] * z


def _k3_body(acc_ref, degt_ref, b_ref, batch_ref, wmt_ref, bm_ref, out_ref):
    dis = _dis_of(degt_ref[...])
    a = acc_ref[0] + acc_ref[1]
    h = dis[:, None] * a + b_ref[...][None, :]
    h = jnp.where(h >= 0, h, 0.01 * h)
    gids = lax.broadcasted_iota(jnp.int32, (G, NPAD), 0)
    P = (batch_ref[...] == gids).astype(_f32)
    sums = jnp.dot(P, h, preferred_element_type=_f32)
    counts = jnp.sum(P, axis=1)
    pooled = sums / jnp.maximum(counts, 1.0)[:, None]
    out_ref[...] = (jnp.dot(pooled, wmt_ref[...], preferred_element_type=_f32)
                    + bm_ref[...][None, :])


_BLK = 512

_k1_call = pl.pallas_call(
    _k1_body,
    grid=(NPAD // _BLK,),
    in_specs=[
        pl.BlockSpec((_BLK, D), lambda i: (i, 0)),
        pl.BlockSpec((D, D), lambda i: (0, 0)),
        pl.BlockSpec((_BLK, 2), lambda i: (i, 0)),
    ],
    out_specs=pl.BlockSpec((_BLK, D), lambda i: (i, 0)),
    out_shape=jax.ShapeDtypeStruct((NPAD, D), _f32),
)

_k2_call = pl.pallas_call(
    _k2_body,
    grid=(NPAD // _BLK,),
    in_specs=[
        pl.BlockSpec((NC, _BLK, D), lambda i: (0, i, 0)),
        pl.BlockSpec((_BLK, 2), lambda i: (i, 0)),
        pl.BlockSpec((D, D), lambda i: (0, 0)),
        pl.BlockSpec((D,), lambda i: (0,)),
    ],
    out_specs=pl.BlockSpec((_BLK, D), lambda i: (i, 0)),
    out_shape=jax.ShapeDtypeStruct((NPAD, D), _f32),
)

_k3_call = pl.pallas_call(
    _k3_body,
    out_shape=jax.ShapeDtypeStruct((G, 2), _f32),
)


def kernel(x, edge_index, edge_weights, batch, W1, b1, W2, b2, Wm, bm):
    r = edge_index[0].astype(jnp.int32)
    co = edge_index[1].astype(jnp.int32)
    w = edge_weights.astype(_f32)
    pad_n = EPAD - E
    tail_n = (RPAD - ROWS) * C
    pidx = N + (lax.iota(jnp.int32, pad_n) % (NPAD - N))
    tail = jnp.zeros((tail_n,), jnp.int32)
    rp = jnp.concatenate([r, pidx, tail]).reshape(RPAD, C)
    cp = jnp.concatenate([co, pidx, tail]).reshape(RPAD, C)
    wp = jnp.concatenate([w, jnp.zeros((pad_n + tail_n,), _f32)]).reshape(RPAD, C)
    xp = jnp.zeros((NPAD, D), _f32).at[:N].set(x)
    batch2 = jnp.full((1, NPAD), G, jnp.int32).at[0, :N].set(batch.astype(jnp.int32))

    deg_parts = _deg_call(rp, wp)
    degt = deg_parts.T

    y1 = _k1_call(xp, W1.T, degt)
    acc1 = _spmm_call(y1, rp, cp)
    y2 = _k2_call(acc1, degt, W2.T, b1)
    acc2 = _spmm_call(y2, rp, cp)
    return _k3_call(acc2, degt, b2, batch2, Wm.T, bm)

# --- scband reference (transcript-rebuilt; emitter-appended) ---
"""Pipeline reference for scband-signed-gcn-11227044512441 (READ-ONLY COPY).

The authoritative reference and input builder live on the scoring server;
editing this copy changes nothing except your own understanding.
"""

import jax, jax.numpy as jnp
import numpy as np

N_NODES = 10000
N_EDGES = 320000
D_IN = 128
D_HID = 128
D_OUT = 128
N_GRAPHS = 16


def setup_inputs(seed: int = 0) -> dict:
    key = jax.random.key(seed)
    ks = jax.random.split(key, 10)
    x = jax.random.normal(ks[0], (N_NODES, D_IN), dtype=jnp.float32)
    edge_index = jax.random.randint(ks[1], (2, N_EDGES), 0, N_NODES, dtype=jnp.int64)
    edge_weights = jax.random.normal(ks[2], (N_EDGES,), dtype=jnp.float32)
    batch = jnp.sort(jax.random.randint(ks[3], (N_NODES,), 0, N_GRAPHS, dtype=jnp.int64))
    s1 = 1.0 / np.sqrt(D_IN)
    s2 = 1.0 / np.sqrt(D_HID)
    s3 = 1.0 / np.sqrt(D_OUT)
    W1 = jax.random.uniform(ks[4], (D_HID, D_IN), dtype=jnp.float32, minval=-s1, maxval=s1)
    b1 = jnp.zeros((D_HID,), dtype=jnp.float32)
    W2 = jax.random.uniform(ks[5], (D_OUT, D_HID), dtype=jnp.float32, minval=-s2, maxval=s2)
    b2 = jnp.zeros((D_OUT,), dtype=jnp.float32)
    Wm = jax.random.uniform(ks[6], (2, D_OUT), dtype=jnp.float32, minval=-s3, maxval=s3)
    bm = jax.random.uniform(ks[7], (2,), dtype=jnp.float32, minval=-s3, maxval=s3)
    return {"x": x, "edge_index": edge_index, "edge_weights": edge_weights,
            "batch": batch, "W1": W1, "b1": b1, "W2": W2, "b2": b2,
            "Wm": Wm, "bm": bm}


def _gcn_conv(x, W, b, edge_index, edge_weight):
    # x = self.lin(x)
    x = x @ W.T
    row = edge_index[0]
    col = edge_index[1]
    # deg = scatter(edge_weight.abs(), edge_index[0], reduce='sum')
    deg = jax.ops.segment_sum(jnp.abs(edge_weight), row, num_segments=N_NODES)
    # deg_inv_sqrt with inf -> 0
    safe = jnp.where(deg > 0, deg, 1.0)
    deg_inv_sqrt = jnp.where(deg > 0, safe ** -0.5, 0.0)
    norm = deg_inv_sqrt[row] * deg_inv_sqrt[col]
    # message: norm * x_j, aggregate (add) at target nodes
    msg = norm[:, None] * x[row]
    out = jax.ops.segment_sum(msg, col, num_segments=N_NODES)
    return out + b


def reference(x, edge_index, edge_weights, batch, W1, b1, W2, b2, Wm, bm):
    h = _gcn_conv(x, W1, b1, edge_index, edge_weights)
    h = jax.nn.leaky_relu(h, negative_slope=0.01)
    h = _gcn_conv(h, W2, b2, edge_index, edge_weights)
    h = jax.nn.leaky_relu(h, negative_slope=0.01)
    # global_mean_pool over batch ids
    sums = jax.ops.segment_sum(h, batch, num_segments=N_GRAPHS)
    counts = jax.ops.segment_sum(jnp.ones((h.shape[0],), dtype=h.dtype), batch,
                                 num_segments=N_GRAPHS)
    pooled = sums / jnp.maximum(counts, 1.0)[:, None]
    return pooled @ Wm.T + bm

if __name__ == "__main__":
    import jax
    _d = setup_inputs()
    print(jax.jit(kernel)(*tuple(_d.values())))

</pallas_src>

<mosaic_0001>
#map = affine_map<(d0, d1) -> (0, 0)>
#map1 = affine_map<(d0, d1) -> (0, 0, 0)>
module attributes {stable_mosaic.version = 14 : i64} {
  func.func @_spmm_body(%arg0: i32, %arg1: i32, %arg2: memref<10240x128xf32, #tpu.memory_space<hbm>>, %arg3: memref<2568x128xi32, #tpu.memory_space<hbm>>, %arg4: memref<2568x128xi32, #tpu.memory_space<hbm>>, %arg5: memref<2x10240x128xf32, #tpu.memory_space<hbm>>, %arg6: memref<40x128xi32, #tpu.memory_space<vmem>>, %arg7: memref<40x128xi32, #tpu.memory_space<vmem>>, %arg8: memref<128x128xf32, #tpu.memory_space<vmem>>, %arg9: memref<128x128xf32, #tpu.memory_space<vmem>>, %arg10: memref<!tpu.dma_semaphore, #tpu.memory_space<semaphore_mem>>, %arg11: memref<!tpu.dma_semaphore, #tpu.memory_space<semaphore_mem>>, %arg12: memref<10240x128xf32, #tpu.memory_space<vmem_shared>>) attributes {dimension_semantics = [#tpu.dimension_semantics<core_parallel>, #tpu.dimension_semantics<subcore_parallel>], iteration_bounds = array<i64: 2, 16>, scalar_prefetch = 0 : i64, scratch_operands = 7 : i64, tpu.core_type = #tpu.core_type<sc_vector_subcore>, window_params = [{transform_indices = #map}, {transform_indices = #map}, {transform_indices = #map}, {transform_indices = #map1}]} {
    %mul3A = arith.constant 2 : i32
    %mul3A_0 = arith.muli %arg1, %mul3A : i32
    %add3A = arith.addi %mul3A_0, %arg0 : i32
    %scan3A = arith.constant 0 : i32
    %scan3A_1 = arith.constant 0 : i32
    %scan3A_2 = arith.constant 128 : i32
    %scan3A_3 = arith.addi %scan3A_1, %scan3A_2 : i32
    %scan3A_4 = arith.constant 1 : i32
    %scan3A_5 = scf.for %scan3A_193 = %scan3A_1 to %scan3A_3 step %scan3A_4 iter_args(%scan3A_194 = %scan3A) -> (i32)  : i32 {
      %broadcast_in_dim3A = arith.constant 0.000000e+00 : f32
      %broadcast_in_dim3A_195 = vector.broadcast %broadcast_in_dim3A : f32 to vector<16xf32>
      %swap3A = arith.index_cast %scan3A_193 : i32 to index
      %swap3A_196 = arith.constant 0 : index
      %swap3A_197 = tpu.vector_load %arg8[%swap3A, %swap3A_196] {strides = array<i32>} : memref<128x128xf32, #tpu.memory_space<vmem>>, vector<1x16xf32>,
      %swap3A_198 = vector.shape_cast %swap3A_197 : vector<1x16xf32> to vector<16xf32>
      %swap3A_199 = vector.shape_cast %broadcast_in_dim3A_195 : vector<16xf32> to vector<1x16xf32>
      tpu.vector_store %arg8[%swap3A, %swap3A_196], %swap3A_199 {strides = array<i32>} : memref<128x128xf32, #tpu.memory_space<vmem>>, vector<1x16xf32>,
      %broadcast_in_dim3A_200 = arith.constant 0.000000e+00 : f32
      %broadcast_in_dim3A_201 = vector.broadcast %broadcast_in_dim3A_200 : f32 to vector<16xf32>
      %swap3A_202 = arith.index_cast %scan3A_193 : i32 to index
      %swap3A_203 = arith.constant 16 : index
      %swap3A_204 = tpu.vector_load %arg8[%swap3A_202, %swap3A_203] {strides = array<i32>} : memref<128x128xf32, #tpu.memory_space<vmem>>, vector<1x16xf32>,
      %swap3A_205 = vector.shape_cast %swap3A_204 : vector<1x16xf32> to vector<16xf32>
      %swap3A_206 = vector.shape_cast %broadcast_in_dim3A_201 : vector<16xf32> to vector<1x16xf32>
      tpu.vector_store %arg8[%swap3A_202, %swap3A_203], %swap3A_206 {strides = array<i32>} : memref<128x128xf32, #tpu.memory_space<vmem>>, vector<1x16xf32>,
      %broadcast_in_dim3A_207 = arith.constant 0.000000e+00 : f32
      %broadcast_in_dim3A_208 = vector.broadcast %broadcast_in_dim3A_207 : f32 to vector<16xf32>
      %swap3A_209 = arith.index_cast %scan3A_193 : i32 to index
      %swap3A_210 = arith.constant 32 : index
      %swap3A_211 = tpu.vector_load %arg8[%swap3A_209, %swap3A_210] {strides = array<i32>} : memref<128x128xf32, #tpu.memory_space<vmem>>, vector<1x16xf32>,
      %swap3A_212 = vector.shape_cast %swap3A_211 : vector<1x16xf32> to vector<16xf32>
      %swap3A_213 = vector.shape_cast %broadcast_in_dim3A_208 : vector<16xf32> to vector<1x16xf32>
      tpu.vector_store %arg8[%swap3A_209, %swap3A_210], %swap3A_213 {strides = array<i32>} : memref<128x128xf32, #tpu.memory_space<vmem>>, vector<1x16xf32>,
      %broadcast_in_dim3A_214 = arith.constant 0.000000e+00 : f32
      %broadcast_in_dim3A_215 = vector.broadcast %broadcast_in_dim3A_214 : f32 to vector<16xf32>
      %swap3A_216 = arith.index_cast %scan3A_193 : i32 to index
      %swap3A_217 = arith.constant 48 : index
      %swap3A_218 = tpu.vector_load %arg8[%swap3A_216, %swap3A_217] {strides = array<i32>} : memref<128x128xf32, #tpu.memory_space<vmem>>, vector<1x16xf32>,
      %swap3A_219 = vector.shape_cast %swap3A_218 : vector<1x16xf32> to vector<16xf32>
      %swap3A_220 = vector.shape_cast %broadcast_in_dim3A_215 : vector<16xf32> to vector<1x16xf32>
      tpu.vector_store %arg8[%swap3A_216, %swap3A_217], %swap3A_220 {strides = array<i32>} : memref<128x128xf32, #tpu.memory_space<vmem>>, vector<1x16xf32>,
      %broadcast_in_dim3A_221 = arith.constant 0.000000e+00 : f32
      %broadcast_in_dim3A_222 = vector.broadcast %broadcast_in_dim3A_221 : f32 to vector<16xf32>
      %swap3A_223 = arith.index_cast %scan3A_193 : i32 to index
      %swap3A_224 = arith.constant 64 : index
      %swap3A_225 = tpu.vector_load %arg8[%swap3A_223, %swap3A_224] {strides = array<i32>} : memref<128x128xf32, #tpu.memory_space<vmem>>, vector<1x16xf32>,
      %swap3A_226 = vector.shape_cast %swap3A_225 : vector<1x16xf32> to vector<16xf32>
      %swap3A_227 = vector.shape_cast %broadcast_in_dim3A_222 : vector<16xf32> to vector<1x16xf32>
      tpu.vector_store %arg8[%swap3A_223, %swap3A_224], %swap3A_227 {strides = array<i32>} : memref<128x128xf32, #tpu.memory_space<vmem>>, vector<1x16xf32>,
      %broadcast_in_dim3A_228 = arith.constant 0.000000e+00 : f32
      %broadcast_in_dim3A_229 = vector.broadcast %broadcast_in_dim3A_228 : f32 to vector<16xf32>
      %swap3A_230 = arith.index_cast %scan3A_193 : i32 to index
      %swap3A_231 = arith.constant 80 : index
      %swap3A_232 = tpu.vector_load %arg8[%swap3A_230, %swap3A_231] {strides = array<i32>} : memref<128x128xf32, #tpu.memory_space<vmem>>, vector<1x16xf32>,
      %swap3A_233 = vector.shape_cast %swap3A_232 : vector<1x16xf32> to vector<16xf32>
      %swap3A_234 = vector.shape_cast %broadcast_in_dim3A_229 : vector<16xf32> to vector<1x16xf32>
      tpu.vector_store %arg8[%swap3A_230, %swap3A_231], %swap3A_234 {strides = array<i32>} : memref<128x128xf32, #tpu.memory_space<vmem>>, vector<1x16xf32>,
      %broadcast_in_dim3A_235 = arith.constant 0.000000e+00 : f32
      %broadcast_in_dim3A_236 = vector.broadcast %broadcast_in_dim3A_235 : f32 to vector<16xf32>
      %swap3A_237 = arith.index_cast %scan3A_193 : i32 to index
      %swap3A_238 = arith.constant 96 : index
      %swap3A_239 = tpu.vector_load %arg8[%swap3A_237, %swap3A_238] {strides = array<i32>} : memref<128x128xf32, #tpu.memory_space<vmem>>, vector<1x16xf32>,
      %swap3A_240 = vector.shape_cast %swap3A_239 : vector<1x16xf32> to vector<16xf32>
      %swap3A_241 = vector.shape_cast %broadcast_in_dim3A_236 : vector<16xf32> to vector<1x16xf32>
      tpu.vector_store %arg8[%swap3A_237, %swap3A_238], %swap3A_241 {strides = array<i32>} : memref<128x128xf32, #tpu.memory_space<vmem>>, vector<1x16xf32>,
      %broadcast_in_dim3A_242 = arith.constant 0.000000e+00 : f32
      %broadcast_in_dim3A_243 = vector.broadcast %broadcast_in_dim3A_242 : f32 to vector<16xf32>
      %swap3A_244 = arith.index_cast %scan3A_193 : i32 to index
      %swap3A_245 = arith.constant 112 : index
      %swap3A_246 = tpu.vector_load %arg8[%swap3A_244, %swap3A_245] {strides = array<i32>} : memref<128x128xf32, #tpu.memory_space<vmem>>, vector<1x16xf32>,
      %swap3A_247 = vector.shape_cast %swap3A_246 : vector<1x16xf32> to vector<16xf32>
      %swap3A_248 = vector.shape_cast %broadcast_in_dim3A_243 : vector<16xf32> to vector<1x16xf32>
      tpu.vector_store %arg8[%swap3A_244, %swap3A_245], %swap3A_248 {strides = array<i32>} : memref<128x128xf32, #tpu.memory_space<vmem>>, vector<1x16xf32>,
      %scan3A_249 = arith.constant 0 : i32
      scf.yield %scan3A_249 : i32
    }
    %scan3A_6 = arith.constant 128 : i32
    %mul3A_7 = arith.constant 640 : i32
    %mul3A_8 = arith.muli %arg1, %mul3A_7 : i32
    %add3A_9 = arith.constant 0 : i32
    %add3A_10 = arith.addi %mul3A_8, %add3A_9 : i32
    %dma_start3A = arith.constant 0 : i32
    %dma_start3A_11 = tpu.memref_slice %arg12[%add3A_10, %dma_start3A] : memref<10240x128xf32, #tpu.memory_space<vmem_shared>> -> memref<128x128xf32, #tpu.memory_space<vmem_shared>>
    %dma_start3A_12 = arith.constant 0 : i32
    %dma_start3A_13 = tpu.memref_slice %arg12[%add3A_10, %dma_start3A_12] : memref<10240x128xf32, #tpu.memory_space<vmem_shared>> -> memref<128x128xf32, #tpu.memory_space<vmem_shared>>
    tpu.enqueue_dma source(%arg8 : memref<128x128xf32, #tpu.memory_space<vmem>>) target(%dma_start3A_13 : memref<128x128xf32, #tpu.memory_space<vmem_shared>>) target_semaphore(%arg11 : memref<!tpu.dma_semaphore, #tpu.memory_space<semaphore_mem>>)
    %mul3A_14 = arith.constant 640 : i32
    %mul3A_15 = arith.muli %arg1, %mul3A_14 : i32
    %add3A_16 = arith.constant 128 : i32
    %add3A_17 = arith.addi %mul3A_15, %add3A_16 : i32
    %dma_start3A_18 = arith.constant 0 : i32
    %dma_start3A_19 = tpu.memref_slice %arg12[%add3A_17, %dma_start3A_18] : memref<10240x128xf32, #tpu.memory_space<vmem_shared>> -> memref<128x128xf32, #tpu.memory_space<vmem_shared>>
    %dma_start3A_20 = arith.constant 0 : i32
    %dma_start3A_21 = tpu.memref_slice %arg12[%add3A_17, %dma_start3A_20] : memref<10240x128xf32, #tpu.memory_space<vmem_shared>> -> memref<128x128xf32, #tpu.memory_space<vmem_shared>>
    tpu.enqueue_dma source(%arg8 : memref<128x128xf32, #tpu.memory_space<vmem>>) target(%dma_start3A_21 : memref<128x128xf32, #tpu.memory_space<vmem_shared>>) target_semaphore(%arg11 : memref<!tpu.dma_semaphore, #tpu.memory_space<semaphore_mem>>)
    %mul3A_22 = arith.constant 640 : i32
    %mul3A_23 = arith.muli %arg1, %mul3A_22 : i32
    %add3A_24 = arith.constant 256 : i32
    %add3A_25 = arith.addi %mul3A_23, %add3A_24 : i32
    %dma_start3A_26 = arith.constant 0 : i32
    %dma_start3A_27 = tpu.memref_slice %arg12[%add3A_25, %dma_start3A_26] : memref<10240x128xf32, #tpu.memory_space<vmem_shared>> -> memref<128x128xf32, #tpu.memory_space<vmem_shared>>
    %dma_start3A_28 = arith.constant 0 : i32
    %dma_start3A_29 = tpu.memref_slice %arg12[%add3A_25, %dma_start3A_28] : memref<10240x128xf32, #tpu.memory_space<vmem_shared>> -> memref<128x128xf32, #tpu.memory_space<vmem_shared>>
    tpu.enqueue_dma source(%arg8 : memref<128x128xf32, #tpu.memory_space<vmem>>) target(%dma_start3A_29 : memref<128x128xf32, #tpu.memory_space<vmem_shared>>) target_semaphore(%arg11 : memref<!tpu.dma_semaphore, #tpu.memory_space<semaphore_mem>>)
    %mul3A_30 = arith.constant 640 : i32
    %mul3A_31 = arith.muli %arg1, %mul3A_30 : i32
    %add3A_32 = arith.constant 384 : i32
    %add3A_33 = arith.addi %mul3A_31, %add3A_32 : i32
    %dma_start3A_34 = arith.constant 0 : i32
    %dma_start3A_35 = tpu.memref_slice %arg12[%add3A_33, %dma_start3A_34] : memref<10240x128xf32, #tpu.memory_space<vmem_shared>> -> memref<128x128xf32, #tpu.memory_space<vmem_shared>>
    %dma_start3A_36 = arith.constant 0 : i32
    %dma_start3A_37 = tpu.memref_slice %arg12[%add3A_33, %dma_start3A_36] : memref<10240x128xf32, #tpu.memory_space<vmem_shared>> -> memref<128x128xf32, #tpu.memory_space<vmem_shared>>
    tpu.enqueue_dma source(%arg8 : memref<128x128xf32, #tpu.memory_space<vmem>>) target(%dma_start3A_37 : memref<128x128xf32, #tpu.memory_space<vmem_shared>>) target_semaphore(%arg11 : memref<!tpu.dma_semaphore, #tpu.memory_space<semaphore_mem>>)
    %mul3A_38 = arith.constant 640 : i32
    %mul3A_39 = arith.muli %arg1, %mul3A_38 : i32
    %add3A_40 = arith.constant 512 : i32
    %add3A_41 = arith.addi %mul3A_39, %add3A_40 : i32
    %dma_start3A_42 = arith.constant 0 : i32
    %dma_start3A_43 = tpu.memref_slice %arg12[%add3A_41, %dma_start3A_42] : memref<10240x128xf32, #tpu.memory_space<vmem_shared>> -> memref<128x128xf32, #tpu.memory_space<vmem_shared>>
    %dma_start3A_44 = arith.constant 0 : i32
    %dma_start3A_45 = tpu.memref_slice %arg12[%add3A_41, %dma_start3A_44] : memref<10240x128xf32, #tpu.memory_space<vmem_shared>> -> memref<128x128xf32, #tpu.memory_space<vmem_shared>>
    tpu.enqueue_dma source(%arg8 : memref<128x128xf32, #tpu.memory_space<vmem>>) target(%dma_start3A_45 : memref<128x128xf32, #tpu.memory_space<vmem_shared>>) target_semaphore(%arg11 : memref<!tpu.dma_semaphore, #tpu.memory_space<semaphore_mem>>)
    %mul3A_46 = arith.constant 640 : i32
    %mul3A_47 = arith.muli %arg1, %mul3A_46 : i32
    %dma_wait3A = arith.constant 0 : i32
    %dma_wait3A_48 = tpu.memref_slice %arg12[%mul3A_47, %dma_wait3A] : memref<10240x128xf32, #tpu.memory_space<vmem_shared>> -> memref<128x128xf32, #tpu.memory_space<vmem_shared>>
    %dma_wait3A_49 = arith.constant 0 : i32
    %dma_wait3A_50 = tpu.memref_slice %arg12[%mul3A_47, %dma_wait3A_49] : memref<10240x128xf32, #tpu.memory_space<vmem_shared>> -> memref<128x128xf32, #tpu.memory_space<vmem_shared>>
    tpu.wait_dma2 semaphore(%arg11 : memref<!tpu.dma_semaphore, #tpu.memory_space<semaphore_mem>>) src(%arg8 : memref<128x128xf32, #tpu.memory_space<vmem>>) dst(%dma_wait3A_50 : memref<128x128xf32, #tpu.memory_space<vmem_shared>>)
    %mul3A_51 = arith.constant 640 : i32
    %mul3A_52 = arith.muli %arg1, %mul3A_51 : i32
    %dma_wait3A_53 = arith.constant 0 : i32
    %dma_wait3A_54 = tpu.memref_slice %arg12[%mul3A_52, %dma_wait3A_53] : memref<10240x128xf32, #tpu.memory_space<vmem_shared>> -> memref<128x128xf32, #tpu.memory_space<vmem_shared>>
    %dma_wait3A_55 = arith.constant 0 : i32
    %dma_wait3A_56 = tpu.memref_slice %arg12[%mul3A_52, %dma_wait3A_55] : memref<10240x128xf32, #tpu.memory_space<vmem_shared>> -> memref<128x128xf32, #tpu.memory_space<vmem_shared>>
    tpu.wait_dma2 semaphore(%arg11 : memref<!tpu.dma_semaphore, #tpu.memory_space<semaphore_mem>>) src(%arg8 : memref<128x128xf32, #tpu.memory_space<vmem>>) dst(%dma_wait3A_56 : memref<128x128xf32, #tpu.memory_space<vmem_shared>>)
    %mul3A_57 = arith.constant 640 : i32
    %mul3A_58 = arith.muli %arg1, %mul3A_57 : i32
    %dma_wait3A_59 = arith.constant 0 : i32
    %dma_wait3A_60 = tpu.memref_slice %arg12[%mul3A_58, %dma_wait3A_59] : memref<10240x128xf32, #tpu.memory_space<vmem_shared>> -> memref<128x128xf32, #tpu.memory_space<vmem_shared>>
    %dma_wait3A_61 = arith.constant 0 : i32
    %dma_wait3A_62 = tpu.memref_slice %arg12[%mul3A_58, %dma_wait3A_61] : memref<10240x128xf32, #tpu.memory_space<vmem_shared>> -> memref<128x128xf32, #tpu.memory_space<vmem_shared>>
    tpu.wait_dma2 semaphore(%arg11 : memref<!tpu.dma_semaphore, #tpu.memory_space<semaphore_mem>>) src(%arg8 : memref<128x128xf32, #tpu.memory_space<vmem>>) dst(%dma_wait3A_62 : memref<128x128xf32, #tpu.memory_space<vmem_shared>>)
    %mul3A_63 = arith.constant 640 : i32
    %mul3A_64 = arith.muli %arg1, %mul3A_63 : i32
    %dma_wait3A_65 = arith.constant 0 : i32
    %dma_wait3A_66 = tpu.memref_slice %arg12[%mul3A_64, %dma_wait3A_65] : memref<10240x128xf32, #tpu.memory_space<vmem_shared>> -> memref<128x128xf32, #tpu.memory_space<vmem_shared>>
    %dma_wait3A_67 = arith.constant 0 : i32
    %dma_wait3A_68 = tpu.memref_slice %arg12[%mul3A_64, %dma_wait3A_67] : memref<10240x128xf32, #tpu.memory_space<vmem_shared>> -> memref<128x128xf32, #tpu.memory_space<vmem_shared>>
    tpu.wait_dma2 semaphore(%arg11 : memref<!tpu.dma_semaphore, #tpu.memory_space<semaphore_mem>>) src(%arg8 : memref<128x128xf32, #tpu.memory_space<vmem>>) dst(%dma_wait3A_68 : memref<128x128xf32, #tpu.memory_space<vmem_shared>>)
    %mul3A_69 = arith.constant 640 : i32
    %mul3A_70 = arith.muli %arg1, %mul3A_69 : i32
    %dma_wait3A_71 = arith.constant 0 : i32
    %dma_wait3A_72 = tpu.memref_slice %arg12[%mul3A_70, %dma_wait3A_71] : memref<10240x128xf32, #tpu.memory_space<vmem_shared>> -> memref<128x128xf32, #tpu.memory_space<vmem_shared>>
    %dma_wait3A_73 = arith.constant 0 : i32
    %dma_wait3A_74 = tpu.memref_slice %arg12[%mul3A_70, %dma_wait3A_73] : memref<10240x128xf32, #tpu.memory_space<vmem_shared>> -> memref<128x128xf32, #tpu.memory_space<vmem_shared>>
    tpu.wait_dma2 semaphore(%arg11 : memref<!tpu.dma_semaphore, #tpu.memory_space<semaphore_mem>>) src(%arg8 : memref<128x128xf32, #tpu.memory_space<vmem>>) dst(%dma_wait3A_74 : memref<128x128xf32, #tpu.memory_space<vmem_shared>>)
    %barrier3A = arith.constant 0 : index
    tpu.barrier barrier_id(%barrier3A)
    %scan3A_75 = arith.constant 0 : i32
    %scan3A_76 = arith.constant 0 : i32
    %scan3A_77 = arith.constant 2 : i32
    %scan3A_78 = arith.addi %scan3A_76, %scan3A_77 : i32
    %scan3A_79 = arith.constant 1 : i32
    %scan3A_80 = scf.for %scan3A_193 = %scan3A_76 to %scan3A_78 step %scan3A_79 iter_args(%scan3A_194 = %scan3A_75) -> (i32)  : i32 {
      %mul3A_195 = arith.constant 80 : i32
      %mul3A_196 = arith.muli %add3A, %mul3A_195 : i32
      %mul3A_197 = arith.constant 40 : i32
      %mul3A_198 = arith.muli %scan3A_193, %mul3A_197 : i32
      %add3A_199 = arith.addi %mul3A_196, %mul3A_198 : i32
      "tpu.region"() ({
        %run_scoped3A = tpu.sem_alloc : memref<!tpu.dma_semaphore, #tpu.memory_space<semaphore_mem>>
        %dma_start3A_320 = arith.constant 0 : i32
        %dma_start3A_321 = tpu.memref_slice %arg3[%add3A_199, %dma_start3A_320] : memref<2568x128xi32, #tpu.memory_space<hbm>> -> memref<40x128xi32, #tpu.memory_space<hbm>>
        %dma_start3A_322 = arith.constant 0 : i32
        %dma_start3A_323 = tpu.memref_slice %arg3[%add3A_199, %dma_start3A_322] : memref<2568x128xi32, #tpu.memory_space<hbm>> -> memref<40x128xi32, #tpu.memory_space<hbm>>
        tpu.enqueue_dma source(%dma_start3A_323 : memref<40x128xi32, #tpu.memory_space<hbm>>) target(%arg6 : memref<40x128xi32, #tpu.memory_space<vmem>>) target_semaphore(%run_scoped3A : memref<!tpu.dma_semaphore, #tpu.memory_space<semaphore_mem>>)
        %dma_wait3A_324 = arith.constant 0 : i32
        %dma_wait3A_325 = tpu.memref_slice %arg3[%add3A_199, %dma_wait3A_324] : memref<2568x128xi32, #tpu.memory_space<hbm>> -> memref<40x128xi32, #tpu.memory_space<hbm>>
        %dma_wait3A_326 = arith.constant 0 : i32
        %dma_wait3A_327 = tpu.memref_slice %arg3[%add3A_199, %dma_wait3A_326] : memref<2568x128xi32, #tpu.memory_space<hbm>> -> memref<40x128xi32, #tpu.memory_space<hbm>>
        tpu.wait_dma2 semaphore(%run_scoped3A : memref<!tpu.dma_semaphore, #tpu.memory_space<semaphore_mem>>) src(%dma_wait3A_327 : memref<40x128xi32, #tpu.memory_space<hbm>>) dst(%arg6 : memref<40x128xi32, #tpu.memory_space<vmem>>)
        tpu.yield
      }) : () -> ()
      "tpu.region"() ({
        %run_scoped3A = tpu.sem_alloc : memref<!tpu.dma_semaphore, #tpu.memory_space<semaphore_mem>>
        %dma_start3A_320 = arith.constant 0 : i32
        %dma_start3A_321 = tpu.memref_slice %arg4[%add3A_199, %dma_start3A_320] : memref<2568x128xi32, #tpu.memory_space<hbm>> -> memref<40x128xi32, #tpu.memory_space<hbm>>
        %dma_start3A_322 = arith.constant 0 : i32
        %dma_start3A_323 = tpu.memref_slice %arg4[%add3A_199, %dma_start3A_322] : memref<2568x128xi32, #tpu.memory_space<hbm>> -> memref<40x128xi32, #tpu.memory_space<hbm>>
        tpu.enqueue_dma source(%dma_start3A_323 : memref<40x128xi32, #tpu.memory_space<hbm>>) target(%arg7 : memref<40x128xi32, #tpu.memory_space<vmem>>) target_semaphore(%run_scoped3A : memref<!tpu.dma_semaphore, #tpu.memory_space<semaphore_mem>>)
        %dma_wait3A_324 = arith.constant 0 : i32
        %dma_wait3A_325 = tpu.memref_slice %arg4[%add3A_199, %dma_wait3A_324] : memref<2568x128xi32, #tpu.memory_space<hbm>> -> memref<40x128xi32, #tpu.memory_space<hbm>>
        %dma_wait3A_326 = arith.constant 0 : i32
        %dma_wait3A_327 = tpu.memref_slice %arg4[%add3A_199, %dma_wait3A_326] : memref<2568x128xi32, #tpu.memory_space<hbm>> -> memref<40x128xi32, #tpu.memory_space<hbm>>
        tpu.wait_dma2 semaphore(%run_scoped3A : memref<!tpu.dma_semaphore, #tpu.memory_space<semaphore_mem>>) src(%dma_wait3A_327 : memref<40x128xi32, #tpu.memory_space<hbm>>) dst(%arg7 : memref<40x128xi32, #tpu.memory_space<vmem>>)
        tpu.yield
      }) : () -> ()
      %dma_start3A_200 = arith.constant 0 : i32
      %dma_start3A_201 = arith.constant 0 : i32
      %dma_start3A_202 = tpu.memref_slice %arg6[%dma_start3A_200, %dma_start3A_201] : memref<40x128xi32, #tpu.memory_space<vmem>> -> memref<1x128xi32, #tpu.memory_space<vmem>>
      %dma_start3A_203 = tpu.memref_squeeze %dma_start3A_202 : memref<1x128xi32, #tpu.memory_space<vmem>> -> memref<128xi32, #tpu.memory_space<vmem>>
      %dma_start3A_204 = arith.constant 0 : i32
      %dma_start3A_205 = arith.constant 0 : i32
      %dma_start3A_206 = tpu.memref_slice %arg2[%dma_start3A_204, %dma_start3A_205] : memref<10240x128xf32, #tpu.memory_space<hbm>> -> memref<10240x128xf32, #tpu.memory_space<hbm>>
      tpu.enqueue_indirect_dma source(%dma_start3A_206 : memref<10240x128xf32, #tpu.memory_space<hbm>>) target(%arg8 : memref<128x128xf32, #tpu.memory_space<vmem>>) offsets(%dma_start3A_203 : memref<128xi32, #tpu.memory_space<vmem>>) semaphore(%arg10 : memref<!tpu.dma_semaphore, #tpu.memory_space<semaphore_mem>>)
      %dma_start3A_207 = arith.constant 1 : i32
      %dma_start3A_208 = arith.constant 0 : i32
      %dma_start3A_209 = tpu.memref_slice %arg6[%dma_start3A_207, %dma_start3A_208] : memref<40x128xi32, #tpu.memory_space<vmem>> -> memref<1x128xi32, #tpu.memory_space<vmem>>
      %dma_start3A_210 = tpu.memref_squeeze %dma_start3A_209 : memref<1x128xi32, #tpu.memory_space<vmem>> -> memref<128xi32, #tpu.memory_space<vmem>>
      %dma_start3A_211 = arith.constant 0 : i32
      %dma_start3A_212 = arith.constant 0 : i32
      %dma_start3A_213 = tpu.memref_slice %arg2[%dma_start3A_211, %dma_start3A_212] : memref<10240x128xf32, #tpu.memory_space<hbm>> -> memref<10240x128xf32, #tpu.memory_space<hbm>>
      tpu.enqueue_indirect_dma source(%dma_start3A_213 : memref<10240x128xf32, #tpu.memory_space<hbm>>) target(%arg9 : memref<128x128xf32, #tpu.memory_space<vmem>>) offsets(%dma_start3A_210 : memref<128xi32, #tpu.memory_space<vmem>>) semaphore(%arg10 : memref<!tpu.dma_semaphore, #tpu.memory_space<semaphore_mem>>)
      %dma_wait3A_214 = arith.constant 0 : i32
      %dma_wait3A_215 = arith.constant 0 : i32
      %dma_wait3A_216 = tpu.memref_slice %arg6[%dma_wait3A_214, %dma_wait3A_215] : memref<40x128xi32, #tpu.memory_space<vmem>> -> memref<1x128xi32, #tpu.memory_space<vmem>>
      %dma_wait3A_217 = tpu.memref_squeeze %dma_wait3A_216 : memref<1x128xi32, #tpu.memory_space<vmem>> -> memref<128xi32, #tpu.memory_space<vmem>>
      %dma_wait3A_218 = arith.constant 0 : i32
      %dma_wait3A_219 = arith.constant 0 : i32
      %dma_wait3A_220 = tpu.memref_slice %arg2[%dma_wait3A_218, %dma_wait3A_219] : memref<10240x128xf32, #tpu.memory_space<hbm>> -> memref<10240x128xf32, #tpu.memory_space<hbm>>
      tpu.wait_indirect_dma semaphore(%arg10 : memref<!tpu.dma_semaphore, #tpu.memory_space<semaphore_mem>>) src(%dma_wait3A_220 : memref<10240x128xf32, #tpu.memory_space<hbm>>) dst(%arg8 : memref<128x128xf32, #tpu.memory_space<vmem>>)
      %dma_start3A_221 = arith.constant 0 : i32
      %dma_start3A_222 = arith.constant 0 : i32
      %dma_start3A_223 = tpu.memref_slice %arg7[%dma_start3A_221, %dma_start3A_222] : memref<40x128xi32, #tpu.memory_space<vmem>> -> memref<1x128xi32, #tpu.memory_space<vmem>>
      %dma_start3A_224 = tpu.memref_squeeze %dma_start3A_223 : memref<1x128xi32, #tpu.memory_space<vmem>> -> memref<128xi32, #tpu.memory_space<vmem>>
      %dma_start3A_225 = arith.constant 0 : i32
      %dma_start3A_226 = arith.constant 0 : i32
      %dma_start3A_227 = tpu.memref_slice %arg12[%dma_start3A_225, %dma_start3A_226] : memref<10240x128xf32, #tpu.memory_space<vmem_shared>> -> memref<10240x128xf32, #tpu.memory_space<vmem_shared>>
      tpu.enqueue_indirect_dma source(%arg8 : memref<128x128xf32, #tpu.memory_space<vmem>>) target(%dma_start3A_227 : memref<10240x128xf32, #tpu.memory_space<vmem_shared>>) offsets(%dma_start3A_224 : memref<128xi32, #tpu.memory_space<vmem>>) semaphore(%arg11 : memref<!tpu.dma_semaphore, #tpu.memory_space<semaphore_mem>>) {add = true}
      %scan3A_228 = arith.constant 0 : i32
      %scan3A_229 = arith.constant 0 : i32
      %scan3A_230 = arith.constant 9 : i32
      %scan3A_231 = arith.addi %scan3A_229, %scan3A_230 : i32
      %scan3A_232 = arith.constant 1 : i32
      %scan3A_233 = scf.for %scan3A_320 = %scan3A_229 to %scan3A_231 step %scan3A_232 iter_args(%scan3A_321 = %scan3A_228) -> (i32)  : i32 {
        %mul3A_322 = arith.constant 4 : i32
        %mul3A_323 = arith.muli %mul3A_322, %scan3A_320 : i32
        %add3A_324 = arith.constant 1 : i32
        %add3A_325 = arith.addi %mul3A_323, %add3A_324 : i32
        %add3A_326 = arith.constant 0 : i32
        %add3A_327 = arith.addi %add3A_325, %add3A_326 : i32
        %dma_wait3A_328 = arith.constant 0 : i32
        %dma_wait3A_329 = arith.constant 0 : i32
        %dma_wait3A_330 = tpu.memref_slice %arg6[%dma_wait3A_328, %dma_wait3A_329] : memref<40x128xi32, #tpu.memory_space<vmem>> -> memref<1x128xi32, #tpu.memory_space<vmem>>
        %dma_wait3A_331 = tpu.memref_squeeze %dma_wait3A_330 : memref<1x128xi32, #tpu.memory_space<vmem>> -> memref<128xi32, #tpu.memory_space<vmem>>
        %dma_wait3A_332 = arith.constant 0 : i32
        %dma_wait3A_333 = arith.constant 0 : i32
        %dma_wait3A_334 = tpu.memref_slice %arg2[%dma_wait3A_332, %dma_wait3A_333] : memref<10240x128xf32, #tpu.memory_space<hbm>> -> memref<10240x128xf32, #tpu.memory_space<hbm>>
        tpu.wait_indirect_dma semaphore(%arg11 : memref<!tpu.dma_semaphore, #tpu.memory_space<semaphore_mem>>) src(%dma_wait3A_334 : memref<10240x128xf32, #tpu.memory_space<hbm>>) dst(%arg8 : memref<128x128xf32, #tpu.memory_space<vmem>>)
        %add3A_335 = arith.constant 1 : i32
        %add3A_336 = arith.addi %add3A_327, %add3A_335 : i32
        %dma_start3A_337 = arith.constant 0 : i32
        %dma_start3A_338 = tpu.memref_slice %arg6[%add3A_336, %dma_start3A_337] : memref<40x128xi32, #tpu.memory_space<vmem>> -> memref<1x128xi32, #tpu.memory_space<vmem>>
        %dma_start3A_339 = tpu.memref_squeeze %dma_start3A_338 : memref<1x128xi32, #tpu.memory_space<vmem>> -> memref<128xi32, #tpu.memory_space<vmem>>
        %dma_start3A_340 = arith.constant 0 : i32
        %dma_start3A_341 = arith.constant 0 : i32
        %dma_start3A_342 = tpu.memref_slice %arg2[%dma_start3A_340, %dma_start3A_341] : memref<10240x128xf32, #tpu.memory_space<hbm>> -> memref<10240x128xf32, #tpu.memory_space<hbm>>
        tpu.enqueue_indirect_dma source(%dma_start3A_342 : memref<10240x128xf32, #tpu.memory_space<hbm>>) target(%arg8 : memref<128x128xf32, #tpu.memory_space<vmem>>) offsets(%dma_start3A_339 : memref<128xi32, #tpu.memory_space<vmem>>) semaphore(%arg10 : memref<!tpu.dma_semaphore, #tpu.memory_space<semaphore_mem>>)
        %dma_wait3A_343 = arith.constant 0 : i32
        %dma_wait3A_344 = arith.constant 0 : i32
        %dma_wait3A_345 = tpu.memref_slice %arg6[%dma_wait3A_343, %dma_wait3A_344] : memref<40x128xi32, #tpu.memory_space<vmem>> -> memref<1x128xi32, #tpu.memory_space<vmem>>
        %dma_wait3A_346 = tpu.memref_squeeze %dma_wait3A_345 : memref<1x128xi32, #tpu.memory_space<vmem>> -> memref<128xi32, #tpu.memory_space<vmem>>
        %dma_wait3A_347 = arith.constant 0 : i32
        %dma_wait3A_348 = arith.constant 0 : i32
        %dma_wait3A_349 = tpu.memref_slice %arg2[%dma_wait3A_347, %dma_wait3A_348] : memref<10240x128xf32, #tpu.memory_space<hbm>> -> memref<10240x128xf32, #tpu.memory_space<hbm>>
        tpu.wait_indirect_dma semaphore(%arg10 : memref<!tpu.dma_semaphore, #tpu.memory_space<semaphore_mem>>) src(%dma_wait3A_349 : memref<10240x128xf32, #tpu.memory_space<hbm>>) dst(%arg9 : memref<128x128xf32, #tpu.memory_space<vmem>>)
        %dma_start3A_350 = arith.constant 0 : i32
        %dma_start3A_351 = tpu.memref_slice %arg7[%add3A_327, %dma_start3A_350] : memref<40x128xi32, #tpu.memory_space<vmem>> -> memref<1x128xi32, #tpu.memory_space<vmem>>
        %dma_start3A_352 = tpu.memref_squeeze %dma_start3A_351 : memref<1x128xi32, #tpu.memory_space<vmem>> -> memref<128xi32, #tpu.memory_space<vmem>>
        %dma_start3A_353 = arith.constant 0 : i32
        %dma_start3A_354 = arith.constant 0 : i32
        %dma_start3A_355 = tpu.memref_slice %arg12[%dma_start3A_353, %dma_start3A_354] : memref<10240x128xf32, #tpu.memory_space<vmem_shared>> -> memref<10240x128xf32, #tpu.memory_space<vmem_shared>>
        tpu.enqueue_indirect_dma source(%arg9 : memref<128x128xf32, #tpu.memory_space<vmem>>) target(%dma_start3A_355 : memref<10240x128xf32, #tpu.memory_space<vmem_shared>>) offsets(%dma_start3A_352 : memref<128xi32, #tpu.memory_space<vmem>>) semaphore(%arg11 : memref<!tpu.dma_semaphore, #tpu.memory_space<semaphore_mem>>) {add = true}
        %add3A_356 = arith.constant 1 : i32
        %add3A_357 = arith.addi %mul3A_323, %add3A_356 : i32
        %add3A_358 = arith.constant 1 : i32
        %add3A_359 = arith.addi %add3A_357, %add3A_358 : i32
        %dma_wait3A_360 = arith.constant 0 : i32
        %dma_wait3A_361 = arith.constant 0 : i32
        %dma_wait3A_362 = tpu.memref_slice %arg6[%dma_wait3A_360, %dma_wait3A_361] : memref<40x128xi32, #tpu.memory_space<vmem>> -> memref<1x128xi32, #tpu.memory_space<vmem>>
        %dma_wait3A_363 = tpu.memref_squeeze %dma_wait3A_362 : memref<1x128xi32, #tpu.memory_space<vmem>> -> memref<128xi32, #tpu.memory_space<vmem>>
        %dma_wait3A_364 = arith.constant 0 : i32
        %dma_wait3A_365 = arith.constant 0 : i32
        %dma_wait3A_366 = tpu.memref_slice %arg2[%dma_wait3A_364, %dma_wait3A_365] : memref<10240x128xf32, #tpu.memory_space<hbm>> -> memref<10240x128xf32, #tpu.memory_space<hbm>>
        tpu.wait_indirect_dma semaphore(%arg11 : memref<!tpu.dma_semaphore, #tpu.memory_space<semaphore_mem>>) src(%dma_wait3A_366 : memref<10240x128xf32, #tpu.memory_space<hbm>>) dst(%arg9 : memref<128x128xf32, #tpu.memory_space<vmem>>)
        %add3A_367 = arith.constant 1 : i32
        %add3A_368 = arith.addi %add3A_359, %add3A_367 : i32
        %dma_start3A_369 = arith.constant 0 : i32
        %dma_start3A_370 = tpu.memref_slice %arg6[%add3A_368, %dma_start3A_369] : memref<40x128xi32, #tpu.memory_space<vmem>> -> memref<1x128xi32, #tpu.memory_space<vmem>>
        %dma_start3A_371 = tpu.memref_squeeze %dma_start3A_370 : memref<1x128xi32, #tpu.memory_space<vmem>> -> memref<128xi32, #tpu.memory_space<vmem>>
        %dma_start3A_372 = arith.constant 0 : i32
        %dma_start3A_373 = arith.constant 0 : i32
        %dma_start3A_374 = tpu.memref_slice %arg2[%dma_start3A_372, %dma_start3A_373] : memref<10240x128xf32, #tpu.memory_space<hbm>> -> memref<10240x128xf32, #tpu.memory_space<hbm>>
        tpu.enqueue_indirect_dma source(%dma_start3A_374 : memref<10240x128xf32, #tpu.memory_space<hbm>>) target(%arg9 : memref<128x128xf32, #tpu.memory_space<vmem>>) offsets(%dma_start3A_371 : memref<128xi32, #tpu.memory_space<vmem>>) semaphore(%arg10 : memref<!tpu.dma_semaphore, #tpu.memory_space<semaphore_mem>>)
        %dma_wait3A_375 = arith.constant 0 : i32
        %dma_wait3A_376 = arith.constant 0 : i32
        %dma_wait3A_377 = tpu.memref_slice %arg6[%dma_wait3A_375, %dma_wait3A_376] : memref<40x128xi32, #tpu.memory_space<vmem>> -> memref<1x128xi32, #tpu.memory_space<vmem>>
        %dma_wait3A_378 = tpu.memref_squeeze %dma_wait3A_377 : memref<1x128xi32, #tpu.memory_space<vmem>> -> memref<128xi32, #tpu.memory_space<vmem>>
        %dma_wait3A_379 = arith.constant 0 : i32
        %dma_wait3A_380 = arith.constant 0 : i32
        %dma_wait3A_381 = tpu.memref_slice %arg2[%dma_wait3A_379, %dma_wait3A_380] : memref<10240x128xf32, #tpu.memory_space<hbm>> -> memref<10240x128xf32, #tpu.memory_space<hbm>>
        tpu.wait_indirect_dma semaphore(%arg10 : memref<!tpu.dma_semaphore, #tpu.memory_space<semaphore_mem>>) src(%dma_wait3A_381 : memref<10240x128xf32, #tpu.memory_space<hbm>>) dst(%arg8 : memref<128x128xf32, #tpu.memory_space<vmem>>)
        %dma_start3A_382 = arith.constant 0 : i32
        %dma_start3A_383 = tpu.memref_slice %arg7[%add3A_359, %dma_start3A_382] : memref<40x128xi32, #tpu.memory_space<vmem>> -> memref<1x128xi32, #tpu.memory_space<vmem>>
        %dma_start3A_384 = tpu.memref_squeeze %dma_start3A_383 : memref<1x128xi32, #tpu.memory_space<vmem>> -> memref<128xi32, #tpu.memory_space<vmem>>
        %dma_start3A_385 = arith.constant 0 : i32
        %dma_start3A_386 = arith.constant 0 : i32
        %dma_start3A_387 = tpu.memref_slice %arg12[%dma_start3A_385, %dma_start3A_386] : memref<10240x128xf32, #tpu.memory_space<vmem_shared>> -> memref<10240x128xf32, #tpu.memory_space<vmem_shared>>
        tpu.enqueue_indirect_dma source(%arg8 : memref<128x128xf32, #tpu.memory_space<vmem>>) target(%dma_start3A_387 : memref<10240x128xf32, #tpu.memory_space<vmem_shared>>) offsets(%dma_start3A_384 : memref<128xi32, #tpu.memory_space<vmem>>) semaphore(%arg11 : memref<!tpu.dma_semaphore, #tpu.memory_space<semaphore_mem>>) {add = true}
        %add3A_388 = arith.constant 1 : i32
        %add3A_389 = arith.addi %mul3A_323, %add3A_388 : i32
        %add3A_390 = arith.constant 2 : i32
        %add3A_391 = arith.addi %add3A_389, %add3A_390 : i32
        %dma_wait3A_392 = arith.constant 0 : i32
        %dma_wait3A_393 = arith.constant 0 : i32
        %dma_wait3A_394 = tpu.memref_slice %arg6[%dma_wait3A_392, %dma_wait3A_393] : memref<40x128xi32, #tpu.memory_space<vmem>> -> memref<1x128xi32, #tpu.memory_space<vmem>>
        %dma_wait3A_395 = tpu.memref_squeeze %dma_wait3A_394 : memref<1x128xi32, #tpu.memory_space<vmem>> -> memref<128xi32, #tpu.memory_space<vmem>>
        %dma_wait3A_396 = arith.constant 0 : i32
        %dma_wait3A_397 = arith.constant 0 : i32
        %dma_wait3A_398 = tpu.memref_slice %arg2[%dma_wait3A_396, %dma_wait3A_397] : memref<10240x128xf32, #tpu.memory_space<hbm>> -> memref<10240x128xf32, #tpu.memory_space<hbm>>
        tpu.wait_indirect_dma semaphore(%arg11 : memref<!tpu.dma_semaphore, #tpu.memory_space<semaphore_mem>>) src(%dma_wait3A_398 : memref<10240x128xf32, #tpu.memory_space<hbm>>) dst(%arg8 : memref<128x128xf32, #tpu.memory_space<vmem>>)
        %add3A_399 = arith.constant 1 : i32
        %add3A_400 = arith.addi %add3A_391, %add3A_399 : i32
        %dma_start3A_401 = arith.constant 0 : i32
        %dma_start3A_402 = tpu.memref_slice %arg6[%add3A_400, %dma_start3A_401] : memref<40x128xi32, #tpu.memory_space<vmem>> -> memref<1x128xi32, #tpu.memory_space<vmem>>
        %dma_start3A_403 = tpu.memref_squeeze %dma_start3A_402 : memref<1x128xi32, #tpu.memory_space<vmem>> -> memref<128xi32, #tpu.memory_space<vmem>>
        %dma_start3A_404 = arith.constant 0 : i32
        %dma_start3A_405 = arith.constant 0 : i32
        %dma_start3A_406 = tpu.memref_slice %arg2[%dma_start3A_404, %dma_start3A_405] : memref<10240x128xf32, #tpu.memory_space<hbm>> -> memref<10240x128xf32, #tpu.memory_space<hbm>>
        tpu.enqueue_indirect_dma source(%dma_start3A_406 : memref<10240x128xf32, #tpu.memory_space<hbm>>) target(%arg8 : memref<128x128xf32, #tpu.memory_space<vmem>>) offsets(%dma_start3A_403 : memref<128xi32, #tpu.memory_space<vmem>>) semaphore(%arg10 : memref<!tpu.dma_semaphore, #tpu.memory_space<semaphore_mem>>)
        %dma_wait3A_407 = arith.constant 0 : i32
        %dma_wait3A_408 = arith.constant 0 : i32
        %dma_wait3A_409 = tpu.memref_slice %arg6[%dma_wait3A_407, %dma_wait3A_408] : memref<40x128xi32, #tpu.memory_space<vmem>> -> memref<1x128xi32, #tpu.memory_space<vmem>>
        %dma_wait3A_410 = tpu.memref_squeeze %dma_wait3A_409 : memref<1x128xi32, #tpu.memory_space<vmem>> -> memref<128xi32, #tpu.memory_space<vmem>>
        %dma_wait3A_411 = arith.constant 0 : i32
        %dma_wait3A_412 = arith.constant 0 : i32
        %dma_wait3A_413 = tpu.memref_slice %arg2[%dma_wait3A_411, %dma_wait3A_412] : memref<10240x128xf32, #tpu.memory_space<hbm>> -> memref<10240x128xf32, #tpu.memory_space<hbm>>
        tpu.wait_indirect_dma semaphore(%arg10 : memref<!tpu.dma_semaphore, #tpu.memory_space<semaphore_mem>>) src(%dma_wait3A_413 : memref<10240x128xf32, #tpu.memory_space<hbm>>) dst(%arg9 : memref<128x128xf32, #tpu.memory_space<vmem>>)
        %dma_start3A_414 = arith.constant 0 : i32
        %dma_start3A_415 = tpu.memref_slice %arg7[%add3A_391, %dma_start3A_414] : memref<40x128xi32, #tpu.memory_space<vmem>> -> memref<1x128xi32, #tpu.memory_space<vmem>>
        %dma_start3A_416 = tpu.memref_squeeze %dma_start3A_415 : memref<1x128xi32, #tpu.memory_space<vmem>> -> memref<128xi32, #tpu.memory_space<vmem>>
        %dma_start3A_417 = arith.constant 0 : i32
        %dma_start3A_418 = arith.constant 0 : i32
        %dma_start3A_419 = tpu.memref_slice %arg12[%dma_start3A_417, %dma_start3A_418] : memref<10240x128xf32, #tpu.memory_space<vmem_shared>> -> memref<10240x128xf32, #tpu.memory_space<vmem_shared>>
        tpu.enqueue_indirect_dma source(%arg9 : memref<128x128xf32, #tpu.memory_space<vmem>>) target(%dma_start3A_419 : memref<10240x128xf32, #tpu.memory_space<vmem_shared>>) offsets(%dma_start3A_416 : memref<128xi32, #tpu.memory_space<vmem>>) semaphore(%arg11 : memref<!tpu.dma_semaphore, #tpu.memory_space<semaphore_mem>>) {add = true}
        %add3A_420 = arith.constant 1 : i32
        %add3A_421 = arith.addi %mul3A_323, %add3A_420 : i32
        %add3A_422 = arith.constant 3 : i32
        %add3A_423 = arith.addi %add3A_421, %add3A_422 : i32
        %dma_wait3A_424 = arith.constant 0 : i32
        %dma_wait3A_425 = arith.constant 0 : i32
        %dma_wait3A_426 = tpu.memref_slice %arg6[%dma_wait3A_424, %dma_wait3A_425] : memref<40x128xi32, #tpu.memory_space<vmem>> -> memref<1x128xi32, #tpu.memory_space<vmem>>
        %dma_wait3A_427 = tpu.memref_squeeze %dma_wait3A_426 : memref<1x128xi32, #tpu.memory_space<vmem>> -> memref<128xi32, #tpu.memory_space<vmem>>
        %dma_wait3A_428 = arith.constant 0 : i32
        %dma_wait3A_429 = arith.constant 0 : i32
        %dma_wait3A_430 = tpu.memref_slice %arg2[%dma_wait3A_428, %dma_wait3A_429] : memref<10240x128xf32, #tpu.memory_space<hbm>> -> memref<10240x128xf32, #tpu.memory_space<hbm>>
        tpu.wait_indirect_dma semaphore(%arg11 : memref<!tpu.dma_semaphore, #tpu.memory_space<semaphore_mem>>) src(%dma_wait3A_430 : memref<10240x128xf32, #tpu.memory_space<hbm>>) dst(%arg9 : memref<128x128xf32, #tpu.memory_space<vmem>>)
        %add3A_431 = arith.constant 1 : i32
        %add3A_432 = arith.addi %add3A_423, %add3A_431 : i32
        %dma_start3A_433 = arith.constant 0 : i32
        %dma_start3A_434 = tpu.memref_slice %arg6[%add3A_432, %dma_start3A_433] : memref<40x128xi32, #tpu.memory_space<vmem>> -> memref<1x128xi32, #tpu.memory_space<vmem>>
        %dma_start3A_435 = tpu.memref_squeeze %dma_start3A_434 : memref<1x128xi32, #tpu.memory_space<vmem>> -> memref<128xi32, #tpu.memory_space<vmem>>
        %dma_start3A_436 = arith.constant 0 : i32
        %dma_start3A_437 = arith.constant 0 : i32
        %dma_start3A_438 = tpu.memref_slice %arg2[%dma_start3A_436, %dma_start3A_437] : memref<10240x128xf32, #tpu.memory_space<hbm>> -> memref<10240x128xf32, #tpu.memory_space<hbm>>
        tpu.enqueue_indirect_dma source(%dma_start3A_438 : memref<10240x128xf32, #tpu.memory_space<hbm>>) target(%arg9 : memref<128x128xf32, #tpu.memory_space<vmem>>) offsets(%dma_start3A_435 : memref<128xi32, #tpu.memory_space<vmem>>) semaphore(%arg10 : memref<!tpu.dma_semaphore, #tpu.memory_space<semaphore_mem>>)
        %dma_wait3A_439 = arith.constant 0 : i32
        %dma_wait3A_440 = arith.constant 0 : i32
        %dma_wait3A_441 = tpu.memref_slice %arg6[%dma_wait3A_439, %dma_wait3A_440] : memref<40x128xi32, #tpu.memory_space<vmem>> -> memref<1x128xi32, #tpu.memory_space<vmem>>
        %dma_wait3A_442 = tpu.memref_squeeze %dma_wait3A_441 : memref<1x128xi32, #tpu.memory_space<vmem>> -> memref<128xi32, #tpu.memory_space<vmem>>
        %dma_wait3A_443 = arith.constant 0 : i32
        %dma_wait3A_444 = arith.constant 0 : i32
        %dma_wait3A_445 = tpu.memref_slice %arg2[%dma_wait3A_443, %dma_wait3A_444] : memref<10240x128xf32, #tpu.memory_space<hbm>> -> memref<10240x128xf32, #tpu.memory_space<hbm>>
        tpu.wait_indirect_dma semaphore(%arg10 : memref<!tpu.dma_semaphore, #tpu.memory_space<semaphore_mem>>) src(%dma_wait3A_445 : memref<10240x128xf32, #tpu.memory_space<hbm>>) dst(%arg8 : memref<128x128xf32, #tpu.memory_space<vmem>>)
        %dma_start3A_446 = arith.constant 0 : i32
        %dma_start3A_447 = tpu.memref_slice %arg7[%add3A_423, %dma_start3A_446] : memref<40x128xi32, #tpu.memory_space<vmem>> -> memref<1x128xi32, #tpu.memory_space<vmem>>
        %dma_start3A_448 = tpu.memref_squeeze %dma_start3A_447 : memref<1x128xi32, #tpu.memory_space<vmem>> -> memref<128xi32, #tpu.memory_space<vmem>>
        %dma_start3A_449 = arith.constant 0 : i32
        %dma_start3A_450 = arith.constant 0 : i32
        %dma_start3A_451 = tpu.memref_slice %arg12[%dma_start3A_449, %dma_start3A_450] : memref<10240x128xf32, #tpu.memory_space<vmem_shared>> -> memref<10240x128xf32, #tpu.memory_space<vmem_shared>>
        tpu.enqueue_indirect_dma source(%arg8 : memref<128x128xf32, #tpu.memory_space<vmem>>) target(%dma_start3A_451 : memref<10240x128xf32, #tpu.memory_space<vmem_shared>>) offsets(%dma_start3A_448 : memref<128xi32, #tpu.memory_space<vmem>>) semaphore(%arg11 : memref<!tpu.dma_semaphore, #tpu.memory_space<semaphore_mem>>) {add = true}
        %scan3A_452 = arith.constant 0 : i32
        scf.yield %scan3A_452 : i32
      }
      %scan3A_234 = arith.constant 9 : i32
      %dma_wait3A_235 = arith.constant 0 : i32
      %dma_wait3A_236 = arith.constant 0 : i32
      %dma_wait3A_237 = tpu.memref_slice %arg6[%dma_wait3A_235, %dma_wait3A_236] : memref<40x128xi32, #tpu.memory_space<vmem>> -> memref<1x128xi32, #tpu.memory_space<vmem>>
      %dma_wait3A_238 = tpu.memref_squeeze %dma_wait3A_237 : memref<1x128xi32, #tpu.memory_space<vmem>> -> memref<128xi32, #tpu.memory_space<vmem>>
      %dma_wait3A_239 = arith.constant 0 : i32
      %dma_wait3A_240 = arith.constant 0 : i32
      %dma_wait3A_241 = tpu.memref_slice %arg2[%dma_wait3A_239, %dma_wait3A_240] : memref<10240x128xf32, #tpu.memory_space<hbm>> -> memref<10240x128xf32, #tpu.memory_space<hbm>>
      tpu.wait_indirect_dma semaphore(%arg11 : memref<!tpu.dma_semaphore, #tpu.memory_space<semaphore_mem>>) src(%dma_wait3A_241 : memref<10240x128xf32, #tpu.memory_space<hbm>>) dst(%arg8 : memref<128x128xf32, #tpu.memory_space<vmem>>)
      %dma_start3A_242 = arith.constant 38 : i32
      %dma_start3A_243 = arith.constant 0 : i32
      %dma_start3A_244 = tpu.memref_slice %arg6[%dma_start3A_242, %dma_start3A_243] : memref<40x128xi32, #tpu.memory_space<vmem>> -> memref<1x128xi32, #tpu.memory_space<vmem>>
      %dma_start3A_245 = tpu.memref_squeeze %dma_start3A_244 : memref<1x128xi32, #tpu.memory_space<vmem>> -> memref<128xi32, #tpu.memory_space<vmem>>
      %dma_start3A_246 = arith.constant 0 : i32
      %dma_start3A_247 = arith.constant 0 : i32
      %dma_start3A_248 = tpu.memref_slice %arg2[%dma_start3A_246, %dma_start3A_247] : memref<10240x128xf32, #tpu.memory_space<hbm>> -> memref<10240x128xf32, #tpu.memory_space<hbm>>
      tpu.enqueue_indirect_dma source(%dma_start3A_248 : memref<10240x128xf32, #tpu.memory_space<hbm>>) target(%arg8 : memref<128x128xf32, #tpu.memory_space<vmem>>) offsets(%dma_start3A_245 : memref<128xi32, #tpu.memory_space<vmem>>) semaphore(%arg10 : memref<!tpu.dma_semaphore, #tpu.memory_space<semaphore_mem>>)
      %dma_wait3A_249 = arith.constant 0 : i32
      %dma_wait3A_250 = arith.constant 0 : i32
      %dma_wait3A_251 = tpu.memref_slice %arg6[%dma_wait3A_249, %dma_wait3A_250] : memref<40x128xi32, #tpu.memory_space<vmem>> -> memref<1x128xi32, #tpu.memory_space<vmem>>
      %dma_wait3A_252 = tpu.memref_squeeze %dma_wait3A_251 : memref<1x128xi32, #tpu.memory_space<vmem>> -> memref<128xi32, #tpu.memory_space<vmem>>
      %dma_wait3A_253 = arith.constant 0 : i32
      %dma_wait3A_254 = arith.constant 0 : i32
      %dma_wait3A_255 = tpu.memref_slice %arg2[%dma_wait3A_253, %dma_wait3A_254] : memref<10240x128xf32, #tpu.memory_space<hbm>> -> memref<10240x128xf32, #tpu.memory_space<hbm>>
      tpu.wait_indirect_dma semaphore(%arg10 : memref<!tpu.dma_semaphore, #tpu.memory_space<semaphore_mem>>) src(%dma_wait3A_255 : memref<10240x128xf32, #tpu.memory_space<hbm>>) dst(%arg9 : memref<128x128xf32, #tpu.memory_space<vmem>>)
      %dma_start3A_256 = arith.constant 37 : i32
      %dma_start3A_257 = arith.constant 0 : i32
      %dma_start3A_258 = tpu.memref_slice %arg7[%dma_start3A_256, %dma_start3A_257] : memref<40x128xi32, #tpu.memory_space<vmem>> -> memref<1x128xi32, #tpu.memory_space<vmem>>
      %dma_start3A_259 = tpu.memref_squeeze %dma_start3A_258 : memref<1x128xi32, #tpu.memory_space<vmem>> -> memref<128xi32, #tpu.memory_space<vmem>>
      %dma_start3A_260 = arith.constant 0 : i32
      %dma_start3A_261 = arith.constant 0 : i32
      %dma_start3A_262 = tpu.memref_slice %arg12[%dma_start3A_260, %dma_start3A_261] : memref<10240x128xf32, #tpu.memory_space<vmem_shared>> -> memref<10240x128xf32, #tpu.memory_space<vmem_shared>>
      tpu.enqueue_indirect_dma source(%arg9 : memref<128x128xf32, #tpu.memory_space<vmem>>) target(%dma_start3A_262 : memref<10240x128xf32, #tpu.memory_space<vmem_shared>>) offsets(%dma_start3A_259 : memref<128xi32, #tpu.memory_space<vmem>>) semaphore(%arg11 : memref<!tpu.dma_semaphore, #tpu.memory_space<semaphore_mem>>) {add = true}
      %dma_wait3A_263 = arith.constant 0 : i32
      %dma_wait3A_264 = arith.constant 0 : i32
      %dma_wait3A_265 = tpu.memref_slice %arg6[%dma_wait3A_263, %dma_wait3A_264] : memref<40x128xi32, #tpu.memory_space<vmem>> -> memref<1x128xi32, #tpu.memory_space<vmem>>
      %dma_wait3A_266 = tpu.memref_squeeze %dma_wait3A_265 : memref<1x128xi32, #tpu.memory_space<vmem>> -> memref<128xi32, #tpu.memory_space<vmem>>
      %dma_wait3A_267 = arith.constant 0 : i32
      %dma_wait3A_268 = arith.constant 0 : i32
      %dma_wait3A_269 = tpu.memref_slice %arg2[%dma_wait3A_267, %dma_wait3A_268] : memref<10240x128xf32, #tpu.memory_space<hbm>> -> memref<10240x128xf32, #tpu.memory_space<hbm>>
      tpu.wait_indirect_dma semaphore(%arg11 : memref<!tpu.dma_semaphore, #tpu.memory_space<semaphore_mem>>) src(%dma_wait3A_269 : memref<10240x128xf32, #tpu.memory_space<hbm>>) dst(%arg9 : memref<128x128xf32, #tpu.memory_space<vmem>>)
      %dma_start3A_270 = arith.constant 39 : i32
      %dma_start3A_271 = arith.constant 0 : i32
      %dma_start3A_272 = tpu.memref_slice %arg6[%dma_start3A_270, %dma_start3A_271] : memref<40x128xi32, #tpu.memory_space<vmem>> -> memref<1x128xi32, #tpu.memory_space<vmem>>
      %dma_start3A_273 = tpu.memref_squeeze %dma_start3A_272 : memref<1x128xi32, #tpu.memory_space<vmem>> -> memref<128xi32, #tpu.memory_space<vmem>>
      %dma_start3A_274 = arith.constant 0 : i32
      %dma_start3A_275 = arith.constant 0 : i32
      %dma_start3A_276 = tpu.memref_slice %arg2[%dma_start3A_274, %dma_start3A_275] : memref<10240x128xf32, #tpu.memory_space<hbm>> -> memref<10240x128xf32, #tpu.memory_space<hbm>>
      tpu.enqueue_indirect_dma source(%dma_start3A_276 : memref<10240x128xf32, #tpu.memory_space<hbm>>) target(%arg9 : memref<128x128xf32, #tpu.memory_space<vmem>>) offsets(%dma_start3A_273 : memref<128xi32, #tpu.memory_space<vmem>>) semaphore(%arg10 : memref<!tpu.dma_semaphore, #tpu.memory_space<semaphore_mem>>)
      %dma_wait3A_277 = arith.constant 0 : i32
      %dma_wait3A_278 = arith.constant 0 : i32
      %dma_wait3A_279 = tpu.memref_slice %arg6[%dma_wait3A_277, %dma_wait3A_278] : memref<40x128xi32, #tpu.memory_space<vmem>> -> memref<1x128xi32, #tpu.memory_space<vmem>>
      %dma_wait3A_280 = tpu.memref_squeeze %dma_wait3A_279 : memref<1x128xi32, #tpu.memory_space<vmem>> -> memref<128xi32, #tpu.memory_space<vmem>>
      %dma_wait3A_281 = arith.constant 0 : i32
      %dma_wait3A_282 = arith.constant 0 : i32
      %dma_wait3A_283 = tpu.memref_slice %arg2[%dma_wait3A_281, %dma_wait3A_282] : memref<10240x128xf32, #tpu.memory_space<hbm>> -> memref<10240x128xf32, #tpu.memory_space<hbm>>
      tpu.wait_indirect_dma semaphore(%arg10 : memref<!tpu.dma_semaphore, #tpu.memory_space<semaphore_mem>>) src(%dma_wait3A_283 : memref<10240x128xf32, #tpu.memory_space<hbm>>) dst(%arg8 : memref<128x128xf32, #tpu.memory_space<vmem>>)
      %dma_start3A_284 = arith.constant 38 : i32
      %dma_start3A_285 = arith.constant 0 : i32
      %dma_start3A_286 = tpu.memref_slice %arg7[%dma_start3A_284, %dma_start3A_285] : memref<40x128xi32, #tpu.memory_space<vmem>> -> memref<1x128xi32, #tpu.memory_space<vmem>>
      %dma_start3A_287 = tpu.memref_squeeze %dma_start3A_286 : memref<1x128xi32, #tpu.memory_space<vmem>> -> memref<128xi32, #tpu.memory_space<vmem>>
      %dma_start3A_288 = arith.constant 0 : i32
      %dma_start3A_289 = arith.constant 0 : i32
      %dma_start3A_290 = tpu.memref_slice %arg12[%dma_start3A_288, %dma_start3A_289] : memref<10240x128xf32, #tpu.memory_space<vmem_shared>> -> memref<10240x128xf32, #tpu.memory_space<vmem_shared>>
      tpu.enqueue_indirect_dma source(%arg8 : memref<128x128xf32, #tpu.memory_space<vmem>>) target(%dma_start3A_290 : memref<10240x128xf32, #tpu.memory_space<vmem_shared>>) offsets(%dma_start3A_287 : memref<128xi32, #tpu.memory_space<vmem>>) semaphore(%arg11 : memref<!tpu.dma_semaphore, #tpu.memory_space<semaphore_mem>>) {add = true}
      %dma_wait3A_291 = arith.constant 0 : i32
      %dma_wait3A_292 = arith.constant 0 : i32
      %dma_wait3A_293 = tpu.memref_slice %arg6[%dma_wait3A_291, %dma_wait3A_292] : memref<40x128xi32, #tpu.memory_space<vmem>> -> memref<1x128xi32, #tpu.memory_space<vmem>>
      %dma_wait3A_294 = tpu.memref_squeeze %dma_wait3A_293 : memref<1x128xi32, #tpu.memory_space<vmem>> -> memref<128xi32, #tpu.memory_space<vmem>>
      %dma_wait3A_295 = arith.constant 0 : i32
      %dma_wait3A_296 = arith.constant 0 : i32
      %dma_wait3A_297 = tpu.memref_slice %arg2[%dma_wait3A_295, %dma_wait3A_296] : memref<10240x128xf32, #tpu.memory_space<hbm>> -> memref<10240x128xf32, #tpu.memory_space<hbm>>
      tpu.wait_indirect_dma semaphore(%arg11 : memref<!tpu.dma_semaphore, #tpu.memory_space<semaphore_mem>>) src(%dma_wait3A_297 : memref<10240x128xf32, #tpu.memory_space<hbm>>) dst(%arg8 : memref<128x128xf32, #tpu.memory_space<vmem>>)
      %dma_wait3A_298 = arith.constant 0 : i32
      %dma_wait3A_299 = arith.constant 0 : i32
      %dma_wait3A_300 = tpu.memref_slice %arg6[%dma_wait3A_298, %dma_wait3A_299] : memref<40x128xi32, #tpu.memory_space<vmem>> -> memref<1x128xi32, #tpu.memory_space<vmem>>
      %dma_wait3A_301 = tpu.memref_squeeze %dma_wait3A_300 : memref<1x128xi32, #tpu.memory_space<vmem>> -> memref<128xi32, #tpu.memory_space<vmem>>
      %dma_wait3A_302 = arith.constant 0 : i32
      %dma_wait3A_303 = arith.constant 0 : i32
      %dma_wait3A_304 = tpu.memref_slice %arg2[%dma_wait3A_302, %dma_wait3A_303] : memref<10240x128xf32, #tpu.memory_space<hbm>> -> memref<10240x128xf32, #tpu.memory_space<hbm>>
      tpu.wait_indirect_dma semaphore(%arg10 : memref<!tpu.dma_semaphore, #tpu.memory_space<semaphore_mem>>) src(%dma_wait3A_304 : memref<10240x128xf32, #tpu.memory_space<hbm>>) dst(%arg9 : memref<128x128xf32, #tpu.memory_space<vmem>>)
      %dma_start3A_305 = arith.constant 39 : i32
      %dma_start3A_306 = arith.constant 0 : i32
      %dma_start3A_307 = tpu.memref_slice %arg7[%dma_start3A_305, %dma_start3A_306] : memref<40x128xi32, #tpu.memory_space<vmem>> -> memref<1x128xi32, #tpu.memory_space<vmem>>
      %dma_start3A_308 = tpu.memref_squeeze %dma_start3A_307 : memref<1x128xi32, #tpu.memory_space<vmem>> -> memref<128xi32, #tpu.memory_space<vmem>>
      %dma_start3A_309 = arith.constant 0 : i32
      %dma_start3A_310 = arith.constant 0 : i32
      %dma_start3A_311 = tpu.memref_slice %arg12[%dma_start3A_309, %dma_start3A_310] : memref<10240x128xf32, #tpu.memory_space<vmem_shared>> -> memref<10240x128xf32, #tpu.memory_space<vmem_shared>>
      tpu.enqueue_indirect_dma source(%arg9 : memref<128x128xf32, #tpu.memory_space<vmem>>) target(%dma_start3A_311 : memref<10240x128xf32, #tpu.memory_space<vmem_shared>>) offsets(%dma_start3A_308 : memref<128xi32, #tpu.memory_space<vmem>>) semaphore(%arg11 : memref<!tpu.dma_semaphore, #tpu.memory_space<semaphore_mem>>) {add = true}
      %dma_wait3A_312 = arith.constant 0 : i32
      %dma_wait3A_313 = arith.constant 0 : i32
      %dma_wait3A_314 = tpu.memref_slice %arg6[%dma_wait3A_312, %dma_wait3A_313] : memref<40x128xi32, #tpu.memory_space<vmem>> -> memref<1x128xi32, #tpu.memory_space<vmem>>
      %dma_wait3A_315 = tpu.memref_squeeze %dma_wait3A_314 : memref<1x128xi32, #tpu.memory_space<vmem>> -> memref<128xi32, #tpu.memory_space<vmem>>
      %dma_wait3A_316 = arith.constant 0 : i32
      %dma_wait3A_317 = arith.constant 0 : i32
      %dma_wait3A_318 = tpu.memref_slice %arg2[%dma_wait3A_316, %dma_wait3A_317] : memref<10240x128xf32, #tpu.memory_space<hbm>> -> memref<10240x128xf32, #tpu.memory_space<hbm>>
      tpu.wait_indirect_dma semaphore(%arg11 : memref<!tpu.dma_semaphore, #tpu.memory_space<semaphore_mem>>) src(%dma_wait3A_318 : memref<10240x128xf32, #tpu.memory_space<hbm>>) dst(%arg9 : memref<128x128xf32, #tpu.memory_space<vmem>>)
      %scan3A_319 = arith.constant 0 : i32
      scf.yield %scan3A_319 : i32
    }
    %scan3A_81 = arith.constant 2 : i32
    %barrier3A_82 = arith.constant 0 : index
    tpu.barrier barrier_id(%barrier3A_82)
    %mul3A_83 = arith.constant 640 : i32
    %mul3A_84 = arith.muli %arg1, %mul3A_83 : i32
    %add3A_85 = arith.constant 0 : i32
    %add3A_86 = arith.addi %mul3A_84, %add3A_85 : i32
    %mul3A_87 = arith.constant 640 : i32
    %mul3A_88 = arith.muli %arg1, %mul3A_87 : i32
    %add3A_89 = arith.constant 0 : i32
    %add3A_90 = arith.addi %mul3A_88, %add3A_89 : i32
    %dma_start3A_91 = arith.constant 0 : i32
    %dma_start3A_92 = tpu.memref_slice %arg5[%arg0, %add3A_90, %dma_start3A_91] : memref<2x10240x128xf32, #tpu.memory_space<hbm>> -> memref<1x128x128xf32, #tpu.memory_space<hbm>>
    %dma_start3A_93 = tpu.memref_squeeze %dma_start3A_92 : memref<1x128x128xf32, #tpu.memory_space<hbm>> -> memref<128x128xf32, #tpu.memory_space<hbm>>
    %dma_start3A_94 = arith.constant 0 : i32
    %dma_start3A_95 = tpu.memref_slice %arg12[%add3A_86, %dma_start3A_94] : memref<10240x128xf32, #tpu.memory_space<vmem_shared>> -> memref<128x128xf32, #tpu.memory_space<vmem_shared>>
    tpu.enqueue_dma source(%dma_start3A_95 : memref<128x128xf32, #tpu.memory_space<vmem_shared>>) target(%dma_start3A_93 : memref<128x128xf32, #tpu.memory_space<hbm>>) target_semaphore(%arg11 : memref<!tpu.dma_semaphore, #tpu.memory_space<semaphore_mem>>)
    %mul3A_96 = arith.constant 640 : i32
    %mul3A_97 = arith.muli %arg1, %mul3A_96 : i32
    %add3A_98 = arith.constant 128 : i32
    %add3A_99 = arith.addi %mul3A_97, %add3A_98 : i32
    %mul3A_100 = arith.constant 640 : i32
    %mul3A_101 = arith.muli %arg1, %mul3A_100 : i32
    %add3A_102 = arith.constant 128 : i32
    %add3A_103 = arith.addi %mul3A_101, %add3A_102 : i32
    %dma_start3A_104 = arith.constant 0 : i32
    %dma_start3A_105 = tpu.memref_slice %arg5[%arg0, %add3A_103, %dma_start3A_104] : memref<2x10240x128xf32, #tpu.memory_space<hbm>> -> memref<1x128x128xf32, #tpu.memory_space<hbm>>
    %dma_start3A_106 = tpu.memref_squeeze %dma_start3A_105 : memref<1x128x128xf32, #tpu.memory_space<hbm>> -> memref<128x128xf32, #tpu.memory_space<hbm>>
    %dma_start3A_107 = arith.constant 0 : i32
    %dma_start3A_108 = tpu.memref_slice %arg12[%add3A_99, %dma_start3A_107] : memref<10240x128xf32, #tpu.memory_space<vmem_shared>> -> memref<128x128xf32, #tpu.memory_space<vmem_shared>>
    tpu.enqueue_dma source(%dma_start3A_108 : memref<128x128xf32, #tpu.memory_space<vmem_shared>>) target(%dma_start3A_106 : memref<128x128xf32, #tpu.memory_space<hbm>>) target_semaphore(%arg11 : memref<!tpu.dma_semaphore, #tpu.memory_space<semaphore_mem>>)
    %mul3A_109 = arith.constant 640 : i32
    %mul3A_110 = arith.muli %arg1, %mul3A_109 : i32
    %add3A_111 = arith.constant 256 : i32
    %add3A_112 = arith.addi %mul3A_110, %add3A_111 : i32
    %mul3A_113 = arith.constant 640 : i32
    %mul3A_114 = arith.muli %arg1, %mul3A_113 : i32
    %add3A_115 = arith.constant 256 : i32
    %add3A_116 = arith.addi %mul3A_114, %add3A_115 : i32
    %dma_start3A_117 = arith.constant 0 : i32
    %dma_start3A_118 = tpu.memref_slice %arg5[%arg0, %add3A_116, %dma_start3A_117] : memref<2x10240x128xf32, #tpu.memory_space<hbm>> -> memref<1x128x128xf32, #tpu.memory_space<hbm>>
    %dma_start3A_119 = tpu.memref_squeeze %dma_start3A_118 : memref<1x128x128xf32, #tpu.memory_space<hbm>> -> memref<128x128xf32, #tpu.memory_space<hbm>>
    %dma_start3A_120 = arith.constant 0 : i32
    %dma_start3A_121 = tpu.memref_slice %arg12[%add3A_112, %dma_start3A_120] : memref<10240x128xf32, #tpu.memory_space<vmem_shared>> -> memref<128x128xf32, #tpu.memory_space<vmem_shared>>
    tpu.enqueue_dma source(%dma_start3A_121 : memref<128x128xf32, #tpu.memory_space<vmem_shared>>) target(%dma_start3A_119 : memref<128x128xf32, #tpu.memory_space<hbm>>) target_semaphore(%arg11 : memref<!tpu.dma_semaphore, #tpu.memory_space<semaphore_mem>>)
    %mul3A_122 = arith.constant 640 : i32
    %mul3A_123 = arith.muli %arg1, %mul3A_122 : i32
    %add3A_124 = arith.constant 384 : i32
    %add3A_125 = arith.addi %mul3A_123, %add3A_124 : i32
    %mul3A_126 = arith.constant 640 : i32
    %mul3A_127 = arith.muli %arg1, %mul3A_126 : i32
    %add3A_128 = arith.constant 384 : i32
    %add3A_129 = arith.addi %mul3A_127, %add3A_128 : i32
    %dma_start3A_130 = arith.constant 0 : i32
    %dma_start3A_131 = tpu.memref_slice %arg5[%arg0, %add3A_129, %dma_start3A_130] : memref<2x10240x128xf32, #tpu.memory_space<hbm>> -> memref<1x128x128xf32, #tpu.memory_space<hbm>>
    %dma_start3A_132 = tpu.memref_squeeze %dma_start3A_131 : memref<1x128x128xf32, #tpu.memory_space<hbm>> -> memref<128x128xf32, #tpu.memory_space<hbm>>
    %dma_start3A_133 = arith.constant 0 : i32
    %dma_start3A_134 = tpu.memref_slice %arg12[%add3A_125, %dma_start3A_133] : memref<10240x128xf32, #tpu.memory_space<vmem_shared>> -> memref<128x128xf32, #tpu.memory_space<vmem_shared>>
    tpu.enqueue_dma source(%dma_start3A_134 : memref<128x128xf32, #tpu.memory_space<vmem_shared>>) target(%dma_start3A_132 : memref<128x128xf32, #tpu.memory_space<hbm>>) target_semaphore(%arg11 : memref<!tpu.dma_semaphore, #tpu.memory_space<semaphore_mem>>)
    %mul3A_135 = arith.constant 640 : i32
    %mul3A_136 = arith.muli %arg1, %mul3A_135 : i32
    %add3A_137 = arith.constant 512 : i32
    %add3A_138 = arith.addi %mul3A_136, %add3A_137 : i32
    %mul3A_139 = arith.constant 640 : i32
    %mul3A_140 = arith.muli %arg1, %mul3A_139 : i32
    %add3A_141 = arith.constant 512 : i32
    %add3A_142 = arith.addi %mul3A_140, %add3A_141 : i32
    %dma_start3A_143 = arith.constant 0 : i32
    %dma_start3A_144 = tpu.memref_slice %arg5[%arg0, %add3A_142, %dma_start3A_143] : memref<2x10240x128xf32, #tpu.memory_space<hbm>> -> memref<1x128x128xf32, #tpu.memory_space<hbm>>
    %dma_start3A_145 = tpu.memref_squeeze %dma_start3A_144 : memref<1x128x128xf32, #tpu.memory_space<hbm>> -> memref<128x128xf32, #tpu.memory_space<hbm>>
    %dma_start3A_146 = arith.constant 0 : i32
    %dma_start3A_147 = tpu.memref_slice %arg12[%add3A_138, %dma_start3A_146] : memref<10240x128xf32, #tpu.memory_space<vmem_shared>> -> memref<128x128xf32, #tpu.memory_space<vmem_shared>>
    tpu.enqueue_dma source(%dma_start3A_147 : memref<128x128xf32, #tpu.memory_space<vmem_shared>>) target(%dma_start3A_145 : memref<128x128xf32, #tpu.memory_space<hbm>>) target_semaphore(%arg11 : memref<!tpu.dma_semaphore, #tpu.memory_space<semaphore_mem>>)
    %mul3A_148 = arith.constant 640 : i32
    %mul3A_149 = arith.muli %arg1, %mul3A_148 : i32
    %mul3A_150 = arith.constant 640 : i32
    %mul3A_151 = arith.muli %arg1, %mul3A_150 : i32
    %dma_wait3A_152 = arith.constant 0 : i32
    %dma_wait3A_153 = tpu.memref_slice %arg5[%arg0, %mul3A_151, %dma_wait3A_152] : memref<2x10240x128xf32, #tpu.memory_space<hbm>> -> memref<1x128x128xf32, #tpu.memory_space<hbm>>
    %dma_wait3A_154 = tpu.memref_squeeze %dma_wait3A_153 : memref<1x128x128xf32, #tpu.memory_space<hbm>> -> memref<128x128xf32, #tpu.memory_space<hbm>>
    %dma_wait3A_155 = arith.constant 0 : i32
    %dma_wait3A_156 = tpu.memref_slice %arg12[%mul3A_149, %dma_wait3A_155] : memref<10240x128xf32, #tpu.memory_space<vmem_shared>> -> memref<128x128xf32, #tpu.memory_space<vmem_shared>>
    tpu.wait_dma2 semaphore(%arg11 : memref<!tpu.dma_semaphore, #tpu.memory_space<semaphore_mem>>) src(%dma_wait3A_156 : memref<128x128xf32, #tpu.memory_space<vmem_shared>>) dst(%dma_wait3A_154 : memref<128x128xf32, #tpu.memory_space<hbm>>)
    %mul3A_157 = arith.constant 640 : i32
    %mul3A_158 = arith.muli %arg1, %mul3A_157 : i32
    %mul3A_159 = arith.constant 640 : i32
    %mul3A_160 = arith.muli %arg1, %mul3A_159 : i32
    %dma_wait3A_161 = arith.constant 0 : i32
    %dma_wait3A_162 = tpu.memref_slice %arg5[%arg0, %mul3A_160, %dma_wait3A_161] : memref<2x10240x128xf32, #tpu.memory_space<hbm>> -> memref<1x128x128xf32, #tpu.memory_space<hbm>>
    %dma_wait3A_163 = tpu.memref_squeeze %dma_wait3A_162 : memref<1x128x128xf32, #tpu.memory_space<hbm>> -> memref<128x128xf32, #tpu.memory_space<hbm>>
    %dma_wait3A_164 = arith.constant 0 : i32
    %dma_wait3A_165 = tpu.memref_slice %arg12[%mul3A_158, %dma_wait3A_164] : memref<10240x128xf32, #tpu.memory_space<vmem_shared>> -> memref<128x128xf32, #tpu.memory_space<vmem_shared>>
    tpu.wait_dma2 semaphore(%arg11 : memref<!tpu.dma_semaphore, #tpu.memory_space<semaphore_mem>>) src(%dma_wait3A_165 : memref<128x128xf32, #tpu.memory_space<vmem_shared>>) dst(%dma_wait3A_163 : memref<128x128xf32, #tpu.memory_space<hbm>>)
    %mul3A_166 = arith.constant 640 : i32
    %mul3A_167 = arith.muli %arg1, %mul3A_166 : i32
    %mul3A_168 = arith.constant 640 : i32
    %mul3A_169 = arith.muli %arg1, %mul3A_168 : i32
    %dma_wait3A_170 = arith.constant 0 : i32
    %dma_wait3A_171 = tpu.memref_slice %arg5[%arg0, %mul3A_169, %dma_wait3A_170] : memref<2x10240x128xf32, #tpu.memory_space<hbm>> -> memref<1x128x128xf32, #tpu.memory_space<hbm>>
    %dma_wait3A_172 = tpu.memref_squeeze %dma_wait3A_171 : memref<1x128x128xf32, #tpu.memory_space<hbm>> -> memref<128x128xf32, #tpu.memory_space<hbm>>
    %dma_wait3A_173 = arith.constant 0 : i32
    %dma_wait3A_174 = tpu.memref_slice %arg12[%mul3A_167, %dma_wait3A_173] : memref<10240x128xf32, #tpu.memory_space<vmem_shared>> -> memref<128x128xf32, #tpu.memory_space<vmem_shared>>
    tpu.wait_dma2 semaphore(%arg11 : memref<!tpu.dma_semaphore, #tpu.memory_space<semaphore_mem>>) src(%dma_wait3A_174 : memref<128x128xf32, #tpu.memory_space<vmem_shared>>) dst(%dma_wait3A_172 : memref<128x128xf32, #tpu.memory_space<hbm>>)
    %mul3A_175 = arith.constant 640 : i32
    %mul3A_176 = arith.muli %arg1, %mul3A_175 : i32
    %mul3A_177 = arith.constant 640 : i32
    %mul3A_178 = arith.muli %arg1, %mul3A_177 : i32
    %dma_wait3A_179 = arith.constant 0 : i32
    %dma_wait3A_180 = tpu.memref_slice %arg5[%arg0, %mul3A_178, %dma_wait3A_179] : memref<2x10240x128xf32, #tpu.memory_space<hbm>> -> memref<1x128x128xf32, #tpu.memory_space<hbm>>
    %dma_wait3A_181 = tpu.memref_squeeze %dma_wait3A_180 : memref<1x128x128xf32, #tpu.memory_space<hbm>> -> memref<128x128xf32, #tpu.memory_space<hbm>>
    %dma_wait3A_182 = arith.constant 0 : i32
    %dma_wait3A_183 = tpu.memref_slice %arg12[%mul3A_176, %dma_wait3A_182] : memref<10240x128xf32, #tpu.memory_space<vmem_shared>> -> memref<128x128xf32, #tpu.memory_space<vmem_shared>>
    tpu.wait_dma2 semaphore(%arg11 : memref<!tpu.dma_semaphore, #tpu.memory_space<semaphore_mem>>) src(%dma_wait3A_183 : memref<128x128xf32, #tpu.memory_space<vmem_shared>>) dst(%dma_wait3A_181 : memref<128x128xf32, #tpu.memory_space<hbm>>)
    %mul3A_184 = arith.constant 640 : i32
    %mul3A_185 = arith.muli %arg1, %mul3A_184 : i32
    %mul3A_186 = arith.constant 640 : i32
    %mul3A_187 = arith.muli %arg1, %mul3A_186 : i32
    %dma_wait3A_188 = arith.constant 0 : i32
    %dma_wait3A_189 = tpu.memref_slice %arg5[%arg0, %mul3A_187, %dma_wait3A_188] : memref<2x10240x128xf32, #tpu.memory_space<hbm>> -> memref<1x128x128xf32, #tpu.memory_space<hbm>>
    %dma_wait3A_190 = tpu.memref_squeeze %dma_wait3A_189 : memref<1x128x128xf32, #tpu.memory_space<hbm>> -> memref<128x128xf32, #tpu.memory_space<hbm>>
    %dma_wait3A_191 = arith.constant 0 : i32
    %dma_wait3A_192 = tpu.memref_slice %arg12[%mul3A_185, %dma_wait3A_191] : memref<10240x128xf32, #tpu.memory_space<vmem_shared>> -> memref<128x128xf32, #tpu.memory_space<vmem_shared>>
    tpu.wait_dma2 semaphore(%arg11 : memref<!tpu.dma_semaphore, #tpu.memory_space<semaphore_mem>>) src(%dma_wait3A_192 : memref<128x128xf32, #tpu.memory_space<vmem_shared>>) dst(%dma_wait3A_190 : memref<128x128xf32, #tpu.memory_space<hbm>>)
    return
  }
}

#map = affine_map<(d0, d1) -> (0, 0)>
#map1 = affine_map<(d0, d1) -> (0, 0, 0)>
module attributes {stable_mosaic.version = 14 : i64} {
  func.func @_spmm_body(%arg0: i32, %arg1: i32, %arg2: memref<10240x128xf32, #tpu.memory_space<hbm>>, %arg3: memref<2568x128xi32, #tpu.memory_space<hbm>>, %arg4: memref<2568x128xi32, #tpu.memory_space<hbm>>, %arg5: memref<2x10240x128xf32, #tpu.memory_space<hbm>>, %arg6: memref<40x128xi32, #tpu.memory_space<vmem>>, %arg7: memref<40x128xi32, #tpu.memory_space<vmem>>, %arg8: memref<128x128xf32, #tpu.memory_space<vmem>>, %arg9: memref<128x128xf32, #tpu.memory_space<vmem>>, %arg10: memref<!tpu.dma_semaphore, #tpu.memory_space<semaphore_mem>>, %arg11: memref<!tpu.dma_semaphore, #tpu.memory_space<semaphore_mem>>, %arg12: memref<10240x128xf32, #tpu.memory_space<vmem_shared>>) attributes {dimension_semantics = [#tpu.dimension_semantics<core_parallel>, #tpu.dimension_semantics<subcore_parallel>], iteration_bounds = array<i64: 2, 16>, scalar_prefetch = 0 : i64, scratch_operands = 7 : i64, tpu.core_type = #tpu.core_type<sc_vector_subcore>, window_params = [{transform_indices = #map}, {transform_indices = #map}, {transform_indices = #map}, {transform_indices = #map1}]} {
    %mul3A = arith.constant 2 : i32
    %mul3A_0 = arith.muli %arg1, %mul3A : i32
    %add3A = arith.addi %mul3A_0, %arg0 : i32
    %scan3A = arith.constant 0 : i32
    %scan3A_1 = arith.constant 0 : i32
    %scan3A_2 = arith.constant 128 : i32
    %scan3A_3 = arith.addi %scan3A_1, %scan3A_2 : i32
    %scan3A_4 = arith.constant 1 : i32
    %scan3A_5 = scf.for %scan3A_193 = %scan3A_1 to %scan3A_3 step %scan3A_4 iter_args(%scan3A_194 = %scan3A) -> (i32)  : i32 {
      %broadcast_in_dim3A = arith.constant 0.000000e+00 : f32
      %broadcast_in_dim3A_195 = vector.broadcast %broadcast_in_dim3A : f32 to vector<16xf32>
      %swap3A = arith.index_cast %scan3A_193 : i32 to index
      %swap3A_196 = arith.constant 0 : index
      %swap3A_197 = tpu.vector_load %arg8[%swap3A, %swap3A_196] {strides = array<i32>} : memref<128x128xf32, #tpu.memory_space<vmem>>, vector<1x16xf32>,
      %swap3A_198 = vector.shape_cast %swap3A_197 : vector<1x16xf32> to vector<16xf32>
      %swap3A_199 = vector.shape_cast %broadcast_in_dim3A_195 : vector<16xf32> to vector<1x16xf32>
      tpu.vector_store %arg8[%swap3A, %swap3A_196], %swap3A_199 {strides = array<i32>} : memref<128x128xf32, #tpu.memory_space<vmem>>, vector<1x16xf32>,
      %broadcast_in_dim3A_200 = arith.constant 0.000000e+00 : f32
      %broadcast_in_dim3A_201 = vector.broadcast %broadcast_in_dim3A_200 : f32 to vector<16xf32>
      %swap3A_202 = arith.index_cast %scan3A_193 : i32 to index
      %swap3A_203 = arith.constant 16 : index
      %swap3A_204 = tpu.vector_load %arg8[%swap3A_202, %swap3A_203] {strides = array<i32>} : memref<128x128xf32, #tpu.memory_space<vmem>>, vector<1x16xf32>,
      %swap3A_205 = vector.shape_cast %swap3A_204 : vector<1x16xf32> to vector<16xf32>
      %swap3A_206 = vector.shape_cast %broadcast_in_dim3A_201 : vector<16xf32> to vector<1x16xf32>
      tpu.vector_store %arg8[%swap3A_202, %swap3A_203], %swap3A_206 {strides = array<i32>} : memref<128x128xf32, #tpu.memory_space<vmem>>, vector<1x16xf32>,
      %broadcast_in_dim3A_207 = arith.constant 0.000000e+00 : f32
      %broadcast_in_dim3A_208 = vector.broadcast %broadcast_in_dim3A_207 : f32 to vector<16xf32>
      %swap3A_209 = arith.index_cast %scan3A_193 : i32 to index
      %swap3A_210 = arith.constant 32 : index
      %swap3A_211 = tpu.vector_load %arg8[%swap3A_209, %swap3A_210] {strides = array<i32>} : memref<128x128xf32, #tpu.memory_space<vmem>>, vector<1x16xf32>,
      %swap3A_212 = vector.shape_cast %swap3A_211 : vector<1x16xf32> to vector<16xf32>
      %swap3A_213 = vector.shape_cast %broadcast_in_dim3A_208 : vector<16xf32> to vector<1x16xf32>
      tpu.vector_store %arg8[%swap3A_209, %swap3A_210], %swap3A_213 {strides = array<i32>} : memref<128x128xf32, #tpu.memory_space<vmem>>, vector<1x16xf32>,
      %broadcast_in_dim3A_214 = arith.constant 0.000000e+00 : f32
      %broadcast_in_dim3A_215 = vector.broadcast %broadcast_in_dim3A_214 : f32 to vector<16xf32>
      %swap3A_216 = arith.index_cast %scan3A_193 : i32 to index
      %swap3A_217 = arith.constant 48 : index
      %swap3A_218 = tpu.vector_load %arg8[%swap3A_216, %swap3A_217] {strides = array<i32>} : memref<128x128xf32, #tpu.memory_space<vmem>>, vector<1x16xf32>,
      %swap3A_219 = vector.shape_cast %swap3A_218 : vector<1x16xf32> to vector<16xf32>
      %swap3A_220 = vector.shape_cast %broadcast_in_dim3A_215 : vector<16xf32> to vector<1x16xf32>
      tpu.vector_store %arg8[%swap3A_216, %swap3A_217], %swap3A_220 {strides = array<i32>} : memref<128x128xf32, #tpu.memory_space<vmem>>, vector<1x16xf32>,
      %broadcast_in_dim3A_221 = arith.constant 0.000000e+00 : f32
      %broadcast_in_dim3A_222 = vector.broadcast %broadcast_in_dim3A_221 : f32 to vector<16xf32>
      %swap3A_223 = arith.index_cast %scan3A_193 : i32 to index
      %swap3A_224 = arith.constant 64 : index
      %swap3A_225 = tpu.vector_load %arg8[%swap3A_223, %swap3A_224] {strides = array<i32>} : memref<128x128xf32, #tpu.memory_space<vmem>>, vector<1x16xf32>,
      %swap3A_226 = vector.shape_cast %swap3A_225 : vector<1x16xf32> to vector<16xf32>
      %swap3A_227 = vector.shape_cast %broadcast_in_dim3A_222 : vector<16xf32> to vector<1x16xf32>
      tpu.vector_store %arg8[%swap3A_223, %swap3A_224], %swap3A_227 {strides = array<i32>} : memref<128x128xf32, #tpu.memory_space<vmem>>, vector<1x16xf32>,
      %broadcast_in_dim3A_228 = arith.constant 0.000000e+00 : f32
      %broadcast_in_dim3A_229 = vector.broadcast %broadcast_in_dim3A_228 : f32 to vector<16xf32>
      %swap3A_230 = arith.index_cast %scan3A_193 : i32 to index
      %swap3A_231 = arith.constant 80 : index
      %swap3A_232 = tpu.vector_load %arg8[%swap3A_230, %swap3A_231] {strides = array<i32>} : memref<128x128xf32, #tpu.memory_space<vmem>>, vector<1x16xf32>,
      %swap3A_233 = vector.shape_cast %swap3A_232 : vector<1x16xf32> to vector<16xf32>
      %swap3A_234 = vector.shape_cast %broadcast_in_dim3A_229 : vector<16xf32> to vector<1x16xf32>
      tpu.vector_store %arg8[%swap3A_230, %swap3A_231], %swap3A_234 {strides = array<i32>} : memref<128x128xf32, #tpu.memory_space<vmem>>, vector<1x16xf32>,
      %broadcast_in_dim3A_235 = arith.constant 0.000000e+00 : f32
      %broadcast_in_dim3A_236 = vector.broadcast %broadcast_in_dim3A_235 : f32 to vector<16xf32>
      %swap3A_237 = arith.index_cast %scan3A_193 : i32 to index
      %swap3A_238 = arith.constant 96 : index
      %swap3A_239 = tpu.vector_load %arg8[%swap3A_237, %swap3A_238] {strides = array<i32>} : memref<128x128xf32, #tpu.memory_space<vmem>>, vector<1x16xf32>,
      %swap3A_240 = vector.shape_cast %swap3A_239 : vector<1x16xf32> to vector<16xf32>
      %swap3A_241 = vector.shape_cast %broadcast_in_dim3A_236 : vector<16xf32> to vector<1x16xf32>
      tpu.vector_store %arg8[%swap3A_237, %swap3A_238], %swap3A_241 {strides = array<i32>} : memref<128x128xf32, #tpu.memory_space<vmem>>, vector<1x16xf32>,
      %broadcast_in_dim3A_242 = arith.constant 0.000000e+00 : f32
      %broadcast_in_dim3A_243 = vector.broadcast %broadcast_in_dim3A_242 : f32 to vector<16xf32>
      %swap3A_244 = arith.index_cast %scan3A_193 : i32 to index
      %swap3A_245 = arith.constant 112 : index
      %swap3A_246 = tpu.vector_load %arg8[%swap3A_244, %swap3A_245] {strides = array<i32>} : memref<128x128xf32, #tpu.memory_space<vmem>>, vector<1x16xf32>,
      %swap3A_247 = vector.shape_cast %swap3A_246 : vector<1x16xf32> to vector<16xf32>
      %swap3A_248 = vector.shape_cast %broadcast_in_dim3A_243 : vector<16xf32> to vector<1x16xf32>
      tpu.vector_store %arg8[%swap3A_244, %swap3A_245], %swap3A_248 {strides = array<i32>} : memref<128x128xf32, #tpu.memory_space<vmem>>, vector<1x16xf32>,
      %scan3A_249 = arith.constant 0 : i32
      scf.yield %scan3A_249 : i32
    }
    %scan3A_6 = arith.constant 128 : i32
    %mul3A_7 = arith.constant 640 : i32
    %mul3A_8 = arith.muli %arg1, %mul3A_7 : i32
    %add3A_9 = arith.constant 0 : i32
    %add3A_10 = arith.addi %mul3A_8, %add3A_9 : i32
    %dma_start3A = arith.constant 0 : i32
    %dma_start3A_11 = tpu.memref_slice %arg12[%add3A_10, %dma_start3A] : memref<10240x128xf32, #tpu.memory_space<vmem_shared>> -> memref<128x128xf32, #tpu.memory_space<vmem_shared>>
    %dma_start3A_12 = arith.constant 0 : i32
    %dma_start3A_13 = tpu.memref_slice %arg12[%add3A_10, %dma_start3A_12] : memref<10240x128xf32, #tpu.memory_space<vmem_shared>> -> memref<128x128xf32, #tpu.memory_space<vmem_shared>>
    tpu.enqueue_dma source(%arg8 : memref<128x128xf32, #tpu.memory_space<vmem>>) target(%dma_start3A_13 : memref<128x128xf32, #tpu.memory_space<vmem_shared>>) target_semaphore(%arg11 : memref<!tpu.dma_semaphore, #tpu.memory_space<semaphore_mem>>)
    %mul3A_14 = arith.constant 640 : i32
    %mul3A_15 = arith.muli %arg1, %mul3A_14 : i32
    %add3A_16 = arith.constant 128 : i32
    %add3A_17 = arith.addi %mul3A_15, %add3A_16 : i32
    %dma_start3A_18 = arith.constant 0 : i32
    %dma_start3A_19 = tpu.memref_slice %arg12[%add3A_17, %dma_start3A_18] : memref<10240x128xf32, #tpu.memory_space<vmem_shared>> -> memref<128x128xf32, #tpu.memory_space<vmem_shared>>
    %dma_start3A_20 = arith.constant 0 : i32
    %dma_start3A_21 = tpu.memref_slice %arg12[%add3A_17, %dma_start3A_20] : memref<10240x128xf32, #tpu.memory_space<vmem_shared>> -> memref<128x128xf32, #tpu.memory_space<vmem_shared>>
    tpu.enqueue_dma source(%arg8 : memref<128x128xf32, #tpu.memory_space<vmem>>) target(%dma_start3A_21 : memref<128x128xf32, #tpu.memory_space<vmem_shared>>) target_semaphore(%arg11 : memref<!tpu.dma_semaphore, #tpu.memory_space<semaphore_mem>>)
    %mul3A_22 = arith.constant 640 : i32
    %mul3A_23 = arith.muli %arg1, %mul3A_22 : i32
    %add3A_24 = arith.constant 256 : i32
    %add3A_25 = arith.addi %mul3A_23, %add3A_24 : i32
    %dma_start3A_26 = arith.constant 0 : i32
    %dma_start3A_27 = tpu.memref_slice %arg12[%add3A_25, %dma_start3A_26] : memref<10240x128xf32, #tpu.memory_space<vmem_shared>> -> memref<128x128xf32, #tpu.memory_space<vmem_shared>>
    %dma_start3A_28 = arith.constant 0 : i32
    %dma_start3A_29 = tpu.memref_slice %arg12[%add3A_25, %dma_start3A_28] : memref<10240x128xf32, #tpu.memory_space<vmem_shared>> -> memref<128x128xf32, #tpu.memory_space<vmem_shared>>
    tpu.enqueue_dma source(%arg8 : memref<128x128xf32, #tpu.memory_space<vmem>>) target(%dma_start3A_29 : memref<128x128xf32, #tpu.memory_space<vmem_shared>>) target_semaphore(%arg11 : memref<!tpu.dma_semaphore, #tpu.memory_space<semaphore_mem>>)
    %mul3A_30 = arith.constant 640 : i32
    %mul3A_31 = arith.muli %arg1, %mul3A_30 : i32
    %add3A_32 = arith.constant 384 : i32
    %add3A_33 = arith.addi %mul3A_31, %add3A_32 : i32
    %dma_start3A_34 = arith.constant 0 : i32
    %dma_start3A_35 = tpu.memref_slice %arg12[%add3A_33, %dma_start3A_34] : memref<10240x128xf32, #tpu.memory_space<vmem_shared>> -> memref<128x128xf32, #tpu.memory_space<vmem_shared>>
    %dma_start3A_36 = arith.constant 0 : i32
    %dma_start3A_37 = tpu.memref_slice %arg12[%add3A_33, %dma_start3A_36] : memref<10240x128xf32, #tpu.memory_space<vmem_shared>> -> memref<128x128xf32, #tpu.memory_space<vmem_shared>>
    tpu.enqueue_dma source(%arg8 : memref<128x128xf32, #tpu.memory_space<vmem>>) target(%dma_start3A_37 : memref<128x128xf32, #tpu.memory_space<vmem_shared>>) target_semaphore(%arg11 : memref<!tpu.dma_semaphore, #tpu.memory_space<semaphore_mem>>)
    %mul3A_38 = arith.constant 640 : i32
    %mul3A_39 = arith.muli %arg1, %mul3A_38 : i32
    %add3A_40 = arith.constant 512 : i32
    %add3A_41 = arith.addi %mul3A_39, %add3A_40 : i32
    %dma_start3A_42 = arith.constant 0 : i32
    %dma_start3A_43 = tpu.memref_slice %arg12[%add3A_41, %dma_start3A_42] : memref<10240x128xf32, #tpu.memory_space<vmem_shared>> -> memref<128x128xf32, #tpu.memory_space<vmem_shared>>
    %dma_start3A_44 = arith.constant 0 : i32
    %dma_start3A_45 = tpu.memref_slice %arg12[%add3A_41, %dma_start3A_44] : memref<10240x128xf32, #tpu.memory_space<vmem_shared>> -> memref<128x128xf32, #tpu.memory_space<vmem_shared>>
    tpu.enqueue_dma source(%arg8 : memref<128x128xf32, #tpu.memory_space<vmem>>) target(%dma_start3A_45 : memref<128x128xf32, #tpu.memory_space<vmem_shared>>) target_semaphore(%arg11 : memref<!tpu.dma_semaphore, #tpu.memory_space<semaphore_mem>>)
    %mul3A_46 = arith.constant 640 : i32
    %mul3A_47 = arith.muli %arg1, %mul3A_46 : i32
    %dma_wait3A = arith.constant 0 : i32
    %dma_wait3A_48 = tpu.memref_slice %arg12[%mul3A_47, %dma_wait3A] : memref<10240x128xf32, #tpu.memory_space<vmem_shared>> -> memref<128x128xf32, #tpu.memory_space<vmem_shared>>
    %dma_wait3A_49 = arith.constant 0 : i32
    %dma_wait3A_50 = tpu.memref_slice %arg12[%mul3A_47, %dma_wait3A_49] : memref<10240x128xf32, #tpu.memory_space<vmem_shared>> -> memref<128x128xf32, #tpu.memory_space<vmem_shared>>
    tpu.wait_dma2 semaphore(%arg11 : memref<!tpu.dma_semaphore, #tpu.memory_space<semaphore_mem>>) src(%arg8 : memref<128x128xf32, #tpu.memory_space<vmem>>) dst(%dma_wait3A_50 : memref<128x128xf32, #tpu.memory_space<vmem_shared>>)
    %mul3A_51 = arith.constant 640 : i32
    %mul3A_52 = arith.muli %arg1, %mul3A_51 : i32
    %dma_wait3A_53 = arith.constant 0 : i32
    %dma_wait3A_54 = tpu.memref_slice %arg12[%mul3A_52, %dma_wait3A_53] : memref<10240x128xf32, #tpu.memory_space<vmem_shared>> -> memref<128x128xf32, #tpu.memory_space<vmem_shared>>
    %dma_wait3A_55 = arith.constant 0 : i32
    %dma_wait3A_56 = tpu.memref_slice %arg12[%mul3A_52, %dma_wait3A_55] : memref<10240x128xf32, #tpu.memory_space<vmem_shared>> -> memref<128x128xf32, #tpu.memory_space<vmem_shared>>
    tpu.wait_dma2 semaphore(%arg11 : memref<!tpu.dma_semaphore, #tpu.memory_space<semaphore_mem>>) src(%arg8 : memref<128x128xf32, #tpu.memory_space<vmem>>) dst(%dma_wait3A_56 : memref<128x128xf32, #tpu.memory_space<vmem_shared>>)
    %mul3A_57 = arith.constant 640 : i32
    %mul3A_58 = arith.muli %arg1, %mul3A_57 : i32
    %dma_wait3A_59 = arith.constant 0 : i32
    %dma_wait3A_60 = tpu.memref_slice %arg12[%mul3A_58, %dma_wait3A_59] : memref<10240x128xf32, #tpu.memory_space<vmem_shared>> -> memref<128x128xf32, #tpu.memory_space<vmem_shared>>
    %dma_wait3A_61 = arith.constant 0 : i32
    %dma_wait3A_62 = tpu.memref_slice %arg12[%mul3A_58, %dma_wait3A_61] : memref<10240x128xf32, #tpu.memory_space<vmem_shared>> -> memref<128x128xf32, #tpu.memory_space<vmem_shared>>
    tpu.wait_dma2 semaphore(%arg11 : memref<!tpu.dma_semaphore, #tpu.memory_space<semaphore_mem>>) src(%arg8 : memref<128x128xf32, #tpu.memory_space<vmem>>) dst(%dma_wait3A_62 : memref<128x128xf32, #tpu.memory_space<vmem_shared>>)
    %mul3A_63 = arith.constant 640 : i32
    %mul3A_64 = arith.muli %arg1, %mul3A_63 : i32
    %dma_wait3A_65 = arith.constant 0 : i32
    %dma_wait3A_66 = tpu.memref_slice %arg12[%mul3A_64, %dma_wait3A_65] : memref<10240x128xf32, #tpu.memory_space<vmem_shared>> -> memref<128x128xf32, #tpu.memory_space<vmem_shared>>
    %dma_wait3A_67 = arith.constant 0 : i32
    %dma_wait3A_68 = tpu.memref_slice %arg12[%mul3A_64, %dma_wait3A_67] : memref<10240x128xf32, #tpu.memory_space<vmem_shared>> -> memref<128x128xf32, #tpu.memory_space<vmem_shared>>
    tpu.wait_dma2 semaphore(%arg11 : memref<!tpu.dma_semaphore, #tpu.memory_space<semaphore_mem>>) src(%arg8 : memref<128x128xf32, #tpu.memory_space<vmem>>) dst(%dma_wait3A_68 : memref<128x128xf32, #tpu.memory_space<vmem_shared>>)
    %mul3A_69 = arith.constant 640 : i32
    %mul3A_70 = arith.muli %arg1, %mul3A_69 : i32
    %dma_wait3A_71 = arith.constant 0 : i32
    %dma_wait3A_72 = tpu.memref_slice %arg12[%mul3A_70, %dma_wait3A_71] : memref<10240x128xf32, #tpu.memory_space<vmem_shared>> -> memref<128x128xf32, #tpu.memory_space<vmem_shared>>
    %dma_wait3A_73 = arith.constant 0 : i32
    %dma_wait3A_74 = tpu.memref_slice %arg12[%mul3A_70, %dma_wait3A_73] : memref<10240x128xf32, #tpu.memory_space<vmem_shared>> -> memref<128x128xf32, #tpu.memory_space<vmem_shared>>
    tpu.wait_dma2 semaphore(%arg11 : memref<!tpu.dma_semaphore, #tpu.memory_space<semaphore_mem>>) src(%arg8 : memref<128x128xf32, #tpu.memory_space<vmem>>) dst(%dma_wait3A_74 : memref<128x128xf32, #tpu.memory_space<vmem_shared>>)
    %barrier3A = arith.constant 0 : index
    tpu.barrier barrier_id(%barrier3A)
    %scan3A_75 = arith.constant 0 : i32
    %scan3A_76 = arith.constant 0 : i32
    %scan3A_77 = arith.constant 2 : i32
    %scan3A_78 = arith.addi %scan3A_76, %scan3A_77 : i32
    %scan3A_79 = arith.constant 1 : i32
    %scan3A_80 = scf.for %scan3A_193 = %scan3A_76 to %scan3A_78 step %scan3A_79 iter_args(%scan3A_194 = %scan3A_75) -> (i32)  : i32 {
      %mul3A_195 = arith.constant 80 : i32
      %mul3A_196 = arith.muli %add3A, %mul3A_195 : i32
      %mul3A_197 = arith.constant 40 : i32
      %mul3A_198 = arith.muli %scan3A_193, %mul3A_197 : i32
      %add3A_199 = arith.addi %mul3A_196, %mul3A_198 : i32
      "tpu.region"() ({
        %run_scoped3A = tpu.sem_alloc : memref<!tpu.dma_semaphore, #tpu.memory_space<semaphore_mem>>
        %dma_start3A_320 = arith.constant 0 : i32
        %dma_start3A_321 = tpu.memref_slice %arg3[%add3A_199, %dma_start3A_320] : memref<2568x128xi32, #tpu.memory_space<hbm>> -> memref<40x128xi32, #tpu.memory_space<hbm>>
        %dma_start3A_322 = arith.constant 0 : i32
        %dma_start3A_323 = tpu.memref_slice %arg3[%add3A_199, %dma_start3A_322] : memref<2568x128xi32, #tpu.memory_space<hbm>> -> memref<40x128xi32, #tpu.memory_space<hbm>>
        tpu.enqueue_dma source(%dma_start3A_323 : memref<40x128xi32, #tpu.memory_space<hbm>>) target(%arg6 : memref<40x128xi32, #tpu.memory_space<vmem>>) target_semaphore(%run_scoped3A : memref<!tpu.dma_semaphore, #tpu.memory_space<semaphore_mem>>)
        %dma_wait3A_324 = arith.constant 0 : i32
        %dma_wait3A_325 = tpu.memref_slice %arg3[%add3A_199, %dma_wait3A_324] : memref<2568x128xi32, #tpu.memory_space<hbm>> -> memref<40x128xi32, #tpu.memory_space<hbm>>
        %dma_wait3A_326 = arith.constant 0 : i32
        %dma_wait3A_327 = tpu.memref_slice %arg3[%add3A_199, %dma_wait3A_326] : memref<2568x128xi32, #tpu.memory_space<hbm>> -> memref<40x128xi32, #tpu.memory_space<hbm>>
        tpu.wait_dma2 semaphore(%run_scoped3A : memref<!tpu.dma_semaphore, #tpu.memory_space<semaphore_mem>>) src(%dma_wait3A_327 : memref<40x128xi32, #tpu.memory_space<hbm>>) dst(%arg6 : memref<40x128xi32, #tpu.memory_space<vmem>>)
        tpu.yield
      }) : () -> ()
      "tpu.region"() ({
        %run_scoped3A = tpu.sem_alloc : memref<!tpu.dma_semaphore, #tpu.memory_space<semaphore_mem>>
        %dma_start3A_320 = arith.constant 0 : i32
        %dma_start3A_321 = tpu.memref_slice %arg4[%add3A_199, %dma_start3A_320] : memref<2568x128xi32, #tpu.memory_space<hbm>> -> memref<40x128xi32, #tpu.memory_space<hbm>>
        %dma_start3A_322 = arith.constant 0 : i32
        %dma_start3A_323 = tpu.memref_slice %arg4[%add3A_199, %dma_start3A_322] : memref<2568x128xi32, #tpu.memory_space<hbm>> -> memref<40x128xi32, #tpu.memory_space<hbm>>
        tpu.enqueue_dma source(%dma_start3A_323 : memref<40x128xi32, #tpu.memory_space<hbm>>) target(%arg7 : memref<40x128xi32, #tpu.memory_space<vmem>>) target_semaphore(%run_scoped3A : memref<!tpu.dma_semaphore, #tpu.memory_space<semaphore_mem>>)
        %dma_wait3A_324 = arith.constant 0 : i32
        %dma_wait3A_325 = tpu.memref_slice %arg4[%add3A_199, %dma_wait3A_324] : memref<2568x128xi32, #tpu.memory_space<hbm>> -> memref<40x128xi32, #tpu.memory_space<hbm>>
        %dma_wait3A_326 = arith.constant 0 : i32
        %dma_wait3A_327 = tpu.memref_slice %arg4[%add3A_199, %dma_wait3A_326] : memref<2568x128xi32, #tpu.memory_space<hbm>> -> memref<40x128xi32, #tpu.memory_space<hbm>>
        tpu.wait_dma2 semaphore(%run_scoped3A : memref<!tpu.dma_semaphore, #tpu.memory_space<semaphore_mem>>) src(%dma_wait3A_327 : memref<40x128xi32, #tpu.memory_space<hbm>>) dst(%arg7 : memref<40x128xi32, #tpu.memory_space<vmem>>)
        tpu.yield
      }) : () -> ()
      %dma_start3A_200 = arith.constant 0 : i32
      %dma_start3A_201 = arith.constant 0 : i32
      %dma_start3A_202 = tpu.memref_slice %arg6[%dma_start3A_200, %dma_start3A_201] : memref<40x128xi32, #tpu.memory_space<vmem>> -> memref<1x128xi32, #tpu.memory_space<vmem>>
      %dma_start3A_203 = tpu.memref_squeeze %dma_start3A_202 : memref<1x128xi32, #tpu.memory_space<vmem>> -> memref<128xi32, #tpu.memory_space<vmem>>
      %dma_start3A_204 = arith.constant 0 : i32
      %dma_start3A_205 = arith.constant 0 : i32
      %dma_start3A_206 = tpu.memref_slice %arg2[%dma_start3A_204, %dma_start3A_205] : memref<10240x128xf32, #tpu.memory_space<hbm>> -> memref<10240x128xf32, #tpu.memory_space<hbm>>
      tpu.enqueue_indirect_dma source(%dma_start3A_206 : memref<10240x128xf32, #tpu.memory_space<hbm>>) target(%arg8 : memref<128x128xf32, #tpu.memory_space<vmem>>) offsets(%dma_start3A_203 : memref<128xi32, #tpu.memory_space<vmem>>) semaphore(%arg10 : memref<!tpu.dma_semaphore, #tpu.memory_space<semaphore_mem>>)
      %dma_start3A_207 = arith.constant 1 : i32
      %dma_start3A_208 = arith.constant 0 : i32
      %dma_start3A_209 = tpu.memref_slice %arg6[%dma_start3A_207, %dma_start3A_208] : memref<40x128xi32, #tpu.memory_space<vmem>> -> memref<1x128xi32, #tpu.memory_space<vmem>>
      %dma_start3A_210 = tpu.memref_squeeze %dma_start3A_209 : memref<1x128xi32, #tpu.memory_space<vmem>> -> memref<128xi32, #tpu.memory_space<vmem>>
      %dma_start3A_211 = arith.constant 0 : i32
      %dma_start3A_212 = arith.constant 0 : i32
      %dma_start3A_213 = tpu.memref_slice %arg2[%dma_start3A_211, %dma_start3A_212] : memref<10240x128xf32, #tpu.memory_space<hbm>> -> memref<10240x128xf32, #tpu.memory_space<hbm>>
      tpu.enqueue_indirect_dma source(%dma_start3A_213 : memref<10240x128xf32, #tpu.memory_space<hbm>>) target(%arg9 : memref<128x128xf32, #tpu.memory_space<vmem>>) offsets(%dma_start3A_210 : memref<128xi32, #tpu.memory_space<vmem>>) semaphore(%arg10 : memref<!tpu.dma_semaphore, #tpu.memory_space<semaphore_mem>>)
      %dma_wait3A_214 = arith.constant 0 : i32
      %dma_wait3A_215 = arith.constant 0 : i32
      %dma_wait3A_216 = tpu.memref_slice %arg6[%dma_wait3A_214, %dma_wait3A_215] : memref<40x128xi32, #tpu.memory_space<vmem>> -> memref<1x128xi32, #tpu.memory_space<vmem>>
      %dma_wait3A_217 = tpu.memref_squeeze %dma_wait3A_216 : memref<1x128xi32, #tpu.memory_space<vmem>> -> memref<128xi32, #tpu.memory_space<vmem>>
      %dma_wait3A_218 = arith.constant 0 : i32
      %dma_wait3A_219 = arith.constant 0 : i32
      %dma_wait3A_220 = tpu.memref_slice %arg2[%dma_wait3A_218, %dma_wait3A_219] : memref<10240x128xf32, #tpu.memory_space<hbm>> -> memref<10240x128xf32, #tpu.memory_space<hbm>>
      tpu.wait_indirect_dma semaphore(%arg10 : memref<!tpu.dma_semaphore, #tpu.memory_space<semaphore_mem>>) src(%dma_wait3A_220 : memref<10240x128xf32, #tpu.memory_space<hbm>>) dst(%arg8 : memref<128x128xf32, #tpu.memory_space<vmem>>)
      %dma_start3A_221 = arith.constant 0 : i32
      %dma_start3A_222 = arith.constant 0 : i32
      %dma_start3A_223 = tpu.memref_slice %arg7[%dma_start3A_221, %dma_start3A_222] : memref<40x128xi32, #tpu.memory_space<vmem>> -> memref<1x128xi32, #tpu.memory_space<vmem>>
      %dma_start3A_224 = tpu.memref_squeeze %dma_start3A_223 : memref<1x128xi32, #tpu.memory_space<vmem>> -> memref<128xi32, #tpu.memory_space<vmem>>
      %dma_start3A_225 = arith.constant 0 : i32
      %dma_start3A_226 = arith.constant 0 : i32
      %dma_start3A_227 = tpu.memref_slice %arg12[%dma_start3A_225, %dma_start3A_226] : memref<10240x128xf32, #tpu.memory_space<vmem_shared>> -> memref<10240x128xf32, #tpu.memory_space<vmem_shared>>
      tpu.enqueue_indirect_dma source(%arg8 : memref<128x128xf32, #tpu.memory_space<vmem>>) target(%dma_start3A_227 : memref<10240x128xf32, #tpu.memory_space<vmem_shared>>) offsets(%dma_start3A_224 : memref<128xi32, #tpu.memory_space<vmem>>) semaphore(%arg11 : memref<!tpu.dma_semaphore, #tpu.memory_space<semaphore_mem>>) {add = true}
      %scan3A_228 = arith.constant 0 : i32
      %scan3A_229 = arith.constant 0 : i32
      %scan3A_230 = arith.constant 9 : i32
      %scan3A_231 = arith.addi %scan3A_229, %scan3A_230 : i32
      %scan3A_232 = arith.constant 1 : i32
      %scan3A_233 = scf.for %scan3A_320 = %scan3A_229 to %scan3A_231 step %scan3A_232 iter_args(%scan3A_321 = %scan3A_228) -> (i32)  : i32 {
        %mul3A_322 = arith.constant 4 : i32
        %mul3A_323 = arith.muli %mul3A_322, %scan3A_320 : i32
        %add3A_324 = arith.constant 1 : i32
        %add3A_325 = arith.addi %mul3A_323, %add3A_324 : i32
        %add3A_326 = arith.constant 0 : i32
        %add3A_327 = arith.addi %add3A_325, %add3A_326 : i32
        %dma_wait3A_328 = arith.constant 0 : i32
        %dma_wait3A_329 = arith.constant 0 : i32
        %dma_wait3A_330 = tpu.memref_slice %arg6[%dma_wait3A_328, %dma_wait3A_329] : memref<40x128xi32, #tpu.memory_space<vmem>> -> memref<1x128xi32, #tpu.memory_space<vmem>>
        %dma_wait3A_331 = tpu.memref_squeeze %dma_wait3A_330 : memref<1x128xi32, #tpu.memory_space<vmem>> -> memref<128xi32, #tpu.memory_space<vmem>>
        %dma_wait3A_332 = arith.constant 0 : i32
        %dma_wait3A_333 = arith.constant 0 : i32
        %dma_wait3A_334 = tpu.memref_slice %arg2[%dma_wait3A_332, %dma_wait3A_333] : memref<10240x128xf32, #tpu.memory_space<hbm>> -> memref<10240x128xf32, #tpu.memory_space<hbm>>
        tpu.wait_indirect_dma semaphore(%arg11 : memref<!tpu.dma_semaphore, #tpu.memory_space<semaphore_mem>>) src(%dma_wait3A_334 : memref<10240x128xf32, #tpu.memory_space<hbm>>) dst(%arg8 : memref<128x128xf32, #tpu.memory_space<vmem>>)
        %add3A_335 = arith.constant 1 : i32
        %add3A_336 = arith.addi %add3A_327, %add3A_335 : i32
        %dma_start3A_337 = arith.constant 0 : i32
        %dma_start3A_338 = tpu.memref_slice %arg6[%add3A_336, %dma_start3A_337] : memref<40x128xi32, #tpu.memory_space<vmem>> -> memref<1x128xi32, #tpu.memory_space<vmem>>
        %dma_start3A_339 = tpu.memref_squeeze %dma_start3A_338 : memref<1x128xi32, #tpu.memory_space<vmem>> -> memref<128xi32, #tpu.memory_space<vmem>>
        %dma_start3A_340 = arith.constant 0 : i32
        %dma_start3A_341 = arith.constant 0 : i32
        %dma_start3A_342 = tpu.memref_slice %arg2[%dma_start3A_340, %dma_start3A_341] : memref<10240x128xf32, #tpu.memory_space<hbm>> -> memref<10240x128xf32, #tpu.memory_space<hbm>>
        tpu.enqueue_indirect_dma source(%dma_start3A_342 : memref<10240x128xf32, #tpu.memory_space<hbm>>) target(%arg8 : memref<128x128xf32, #tpu.memory_space<vmem>>) offsets(%dma_start3A_339 : memref<128xi32, #tpu.memory_space<vmem>>) semaphore(%arg10 : memref<!tpu.dma_semaphore, #tpu.memory_space<semaphore_mem>>)
        %dma_wait3A_343 = arith.constant 0 : i32
        %dma_wait3A_344 = arith.constant 0 : i32
        %dma_wait3A_345 = tpu.memref_slice %arg6[%dma_wait3A_343, %dma_wait3A_344] : memref<40x128xi32, #tpu.memory_space<vmem>> -> memref<1x128xi32, #tpu.memory_space<vmem>>
        %dma_wait3A_346 = tpu.memref_squeeze %dma_wait3A_345 : memref<1x128xi32, #tpu.memory_space<vmem>> -> memref<128xi32, #tpu.memory_space<vmem>>
        %dma_wait3A_347 = arith.constant 0 : i32
        %dma_wait3A_348 = arith.constant 0 : i32
        %dma_wait3A_349 = tpu.memref_slice %arg2[%dma_wait3A_347, %dma_wait3A_348] : memref<10240x128xf32, #tpu.memory_space<hbm>> -> memref<10240x128xf32, #tpu.memory_space<hbm>>
        tpu.wait_indirect_dma semaphore(%arg10 : memref<!tpu.dma_semaphore, #tpu.memory_space<semaphore_mem>>) src(%dma_wait3A_349 : memref<10240x128xf32, #tpu.memory_space<hbm>>) dst(%arg9 : memref<128x128xf32, #tpu.memory_space<vmem>>)
        %dma_start3A_350 = arith.constant 0 : i32
        %dma_start3A_351 = tpu.memref_slice %arg7[%add3A_327, %dma_start3A_350] : memref<40x128xi32, #tpu.memory_space<vmem>> -> memref<1x128xi32, #tpu.memory_space<vmem>>
        %dma_start3A_352 = tpu.memref_squeeze %dma_start3A_351 : memref<1x128xi32, #tpu.memory_space<vmem>> -> memref<128xi32, #tpu.memory_space<vmem>>
        %dma_start3A_353 = arith.constant 0 : i32
        %dma_start3A_354 = arith.constant 0 : i32
        %dma_start3A_355 = tpu.memref_slice %arg12[%dma_start3A_353, %dma_start3A_354] : memref<10240x128xf32, #tpu.memory_space<vmem_shared>> -> memref<10240x128xf32, #tpu.memory_space<vmem_shared>>
        tpu.enqueue_indirect_dma source(%arg9 : memref<128x128xf32, #tpu.memory_space<vmem>>) target(%dma_start3A_355 : memref<10240x128xf32, #tpu.memory_space<vmem_shared>>) offsets(%dma_start3A_352 : memref<128xi32, #tpu.memory_space<vmem>>) semaphore(%arg11 : memref<!tpu.dma_semaphore, #tpu.memory_space<semaphore_mem>>) {add = true}
        %add3A_356 = arith.constant 1 : i32
        %add3A_357 = arith.addi %mul3A_323, %add3A_356 : i32
        %add3A_358 = arith.constant 1 : i32
        %add3A_359 = arith.addi %add3A_357, %add3A_358 : i32
        %dma_wait3A_360 = arith.constant 0 : i32
        %dma_wait3A_361 = arith.constant 0 : i32
        %dma_wait3A_362 = tpu.memref_slice %arg6[%dma_wait3A_360, %dma_wait3A_361] : memref<40x128xi32, #tpu.memory_space<vmem>> -> memref<1x128xi32, #tpu.memory_space<vmem>>
        %dma_wait3A_363 = tpu.memref_squeeze %dma_wait3A_362 : memref<1x128xi32, #tpu.memory_space<vmem>> -> memref<128xi32, #tpu.memory_space<vmem>>
        %dma_wait3A_364 = arith.constant 0 : i32
        %dma_wait3A_365 = arith.constant 0 : i32
        %dma_wait3A_366 = tpu.memref_slice %arg2[%dma_wait3A_364, %dma_wait3A_365] : memref<10240x128xf32, #tpu.memory_space<hbm>> -> memref<10240x128xf32, #tpu.memory_space<hbm>>
        tpu.wait_indirect_dma semaphore(%arg11 : memref<!tpu.dma_semaphore, #tpu.memory_space<semaphore_mem>>) src(%dma_wait3A_366 : memref<10240x128xf32, #tpu.memory_space<hbm>>) dst(%arg9 : memref<128x128xf32, #tpu.memory_space<vmem>>)
        %add3A_367 = arith.constant 1 : i32
        %add3A_368 = arith.addi %add3A_359, %add3A_367 : i32
        %dma_start3A_369 = arith.constant 0 : i32
        %dma_start3A_370 = tpu.memref_slice %arg6[%add3A_368, %dma_start3A_369] : memref<40x128xi32, #tpu.memory_space<vmem>> -> memref<1x128xi32, #tpu.memory_space<vmem>>
        %dma_start3A_371 = tpu.memref_squeeze %dma_start3A_370 : memref<1x128xi32, #tpu.memory_space<vmem>> -> memref<128xi32, #tpu.memory_space<vmem>>
        %dma_start3A_372 = arith.constant 0 : i32
        %dma_start3A_373 = arith.constant 0 : i32
        %dma_start3A_374 = tpu.memref_slice %arg2[%dma_start3A_372, %dma_start3A_373] : memref<10240x128xf32, #tpu.memory_space<hbm>> -> memref<10240x128xf32, #tpu.memory_space<hbm>>
        tpu.enqueue_indirect_dma source(%dma_start3A_374 : memref<10240x128xf32, #tpu.memory_space<hbm>>) target(%arg9 : memref<128x128xf32, #tpu.memory_space<vmem>>) offsets(%dma_start3A_371 : memref<128xi32, #tpu.memory_space<vmem>>) semaphore(%arg10 : memref<!tpu.dma_semaphore, #tpu.memory_space<semaphore_mem>>)
        %dma_wait3A_375 = arith.constant 0 : i32
        %dma_wait3A_376 = arith.constant 0 : i32
        %dma_wait3A_377 = tpu.memref_slice %arg6[%dma_wait3A_375, %dma_wait3A_376] : memref<40x128xi32, #tpu.memory_space<vmem>> -> memref<1x128xi32, #tpu.memory_space<vmem>>
        %dma_wait3A_378 = tpu.memref_squeeze %dma_wait3A_377 : memref<1x128xi32, #tpu.memory_space<vmem>> -> memref<128xi32, #tpu.memory_space<vmem>>
        %dma_wait3A_379 = arith.constant 0 : i32
        %dma_wait3A_380 = arith.constant 0 : i32
        %dma_wait3A_381 = tpu.memref_slice %arg2[%dma_wait3A_379, %dma_wait3A_380] : memref<10240x128xf32, #tpu.memory_space<hbm>> -> memref<10240x128xf32, #tpu.memory_space<hbm>>
        tpu.wait_indirect_dma semaphore(%arg10 : memref<!tpu.dma_semaphore, #tpu.memory_space<semaphore_mem>>) src(%dma_wait3A_381 : memref<10240x128xf32, #tpu.memory_space<hbm>>) dst(%arg8 : memref<128x128xf32, #tpu.memory_space<vmem>>)
        %dma_start3A_382 = arith.constant 0 : i32
        %dma_start3A_383 = tpu.memref_slice %arg7[%add3A_359, %dma_start3A_382] : memref<40x128xi32, #tpu.memory_space<vmem>> -> memref<1x128xi32, #tpu.memory_space<vmem>>
        %dma_start3A_384 = tpu.memref_squeeze %dma_start3A_383 : memref<1x128xi32, #tpu.memory_space<vmem>> -> memref<128xi32, #tpu.memory_space<vmem>>
        %dma_start3A_385 = arith.constant 0 : i32
        %dma_start3A_386 = arith.constant 0 : i32
        %dma_start3A_387 = tpu.memref_slice %arg12[%dma_start3A_385, %dma_start3A_386] : memref<10240x128xf32, #tpu.memory_space<vmem_shared>> -> memref<10240x128xf32, #tpu.memory_space<vmem_shared>>
        tpu.enqueue_indirect_dma source(%arg8 : memref<128x128xf32, #tpu.memory_space<vmem>>) target(%dma_start3A_387 : memref<10240x128xf32, #tpu.memory_space<vmem_shared>>) offsets(%dma_start3A_384 : memref<128xi32, #tpu.memory_space<vmem>>) semaphore(%arg11 : memref<!tpu.dma_semaphore, #tpu.memory_space<semaphore_mem>>) {add = true}
        %add3A_388 = arith.constant 1 : i32
        %add3A_389 = arith.addi %mul3A_323, %add3A_388 : i32
        %add3A_390 = arith.constant 2 : i32
        %add3A_391 = arith.addi %add3A_389, %add3A_390 : i32
        %dma_wait3A_392 = arith.constant 0 : i32
        %dma_wait3A_393 = arith.constant 0 : i32
        %dma_wait3A_394 = tpu.memref_slice %arg6[%dma_wait3A_392, %dma_wait3A_393] : memref<40x128xi32, #tpu.memory_space<vmem>> -> memref<1x128xi32, #tpu.memory_space<vmem>>
        %dma_wait3A_395 = tpu.memref_squeeze %dma_wait3A_394 : memref<1x128xi32, #tpu.memory_space<vmem>> -> memref<128xi32, #tpu.memory_space<vmem>>
        %dma_wait3A_396 = arith.constant 0 : i32
        %dma_wait3A_397 = arith.constant 0 : i32
        %dma_wait3A_398 = tpu.memref_slice %arg2[%dma_wait3A_396, %dma_wait3A_397] : memref<10240x128xf32, #tpu.memory_space<hbm>> -> memref<10240x128xf32, #tpu.memory_space<hbm>>
        tpu.wait_indirect_dma semaphore(%arg11 : memref<!tpu.dma_semaphore, #tpu.memory_space<semaphore_mem>>) src(%dma_wait3A_398 : memref<10240x128xf32, #tpu.memory_space<hbm>>) dst(%arg8 : memref<128x128xf32, #tpu.memory_space<vmem>>)
        %add3A_399 = arith.constant 1 : i32
        %add3A_400 = arith.addi %add3A_391, %add3A_399 : i32
        %dma_start3A_401 = arith.constant 0 : i32
        %dma_start3A_402 = tpu.memref_slice %arg6[%add3A_400, %dma_start3A_401] : memref<40x128xi32, #tpu.memory_space<vmem>> -> memref<1x128xi32, #tpu.memory_space<vmem>>
        %dma_start3A_403 = tpu.memref_squeeze %dma_start3A_402 : memref<1x128xi32, #tpu.memory_space<vmem>> -> memref<128xi32, #tpu.memory_space<vmem>>
        %dma_start3A_404 = arith.constant 0 : i32
        %dma_start3A_405 = arith.constant 0 : i32
        %dma_start3A_406 = tpu.memref_slice %arg2[%dma_start3A_404, %dma_start3A_405] : memref<10240x128xf32, #tpu.memory_space<hbm>> -> memref<10240x128xf32, #tpu.memory_space<hbm>>
        tpu.enqueue_indirect_dma source(%dma_start3A_406 : memref<10240x128xf32, #tpu.memory_space<hbm>>) target(%arg8 : memref<128x128xf32, #tpu.memory_space<vmem>>) offsets(%dma_start3A_403 : memref<128xi32, #tpu.memory_space<vmem>>) semaphore(%arg10 : memref<!tpu.dma_semaphore, #tpu.memory_space<semaphore_mem>>)
        %dma_wait3A_407 = arith.constant 0 : i32
        %dma_wait3A_408 = arith.constant 0 : i32
        %dma_wait3A_409 = tpu.memref_slice %arg6[%dma_wait3A_407, %dma_wait3A_408] : memref<40x128xi32, #tpu.memory_space<vmem>> -> memref<1x128xi32, #tpu.memory_space<vmem>>
        %dma_wait3A_410 = tpu.memref_squeeze %dma_wait3A_409 : memref<1x128xi32, #tpu.memory_space<vmem>> -> memref<128xi32, #tpu.memory_space<vmem>>
        %dma_wait3A_411 = arith.constant 0 : i32
        %dma_wait3A_412 = arith.constant 0 : i32
        %dma_wait3A_413 = tpu.memref_slice %arg2[%dma_wait3A_411, %dma_wait3A_412] : memref<10240x128xf32, #tpu.memory_space<hbm>> -> memref<10240x128xf32, #tpu.memory_space<hbm>>
        tpu.wait_indirect_dma semaphore(%arg10 : memref<!tpu.dma_semaphore, #tpu.memory_space<semaphore_mem>>) src(%dma_wait3A_413 : memref<10240x128xf32, #tpu.memory_space<hbm>>) dst(%arg9 : memref<128x128xf32, #tpu.memory_space<vmem>>)
        %dma_start3A_414 = arith.constant 0 : i32
        %dma_start3A_415 = tpu.memref_slice %arg7[%add3A_391, %dma_start3A_414] : memref<40x128xi32, #tpu.memory_space<vmem>> -> memref<1x128xi32, #tpu.memory_space<vmem>>
        %dma_start3A_416 = tpu.memref_squeeze %dma_start3A_415 : memref<1x128xi32, #tpu.memory_space<vmem>> -> memref<128xi32, #tpu.memory_space<vmem>>
        %dma_start3A_417 = arith.constant 0 : i32
        %dma_start3A_418 = arith.constant 0 : i32
        %dma_start3A_419 = tpu.memref_slice %arg12[%dma_start3A_417, %dma_start3A_418] : memref<10240x128xf32, #tpu.memory_space<vmem_shared>> -> memref<10240x128xf32, #tpu.memory_space<vmem_shared>>
        tpu.enqueue_indirect_dma source(%arg9 : memref<128x128xf32, #tpu.memory_space<vmem>>) target(%dma_start3A_419 : memref<10240x128xf32, #tpu.memory_space<vmem_shared>>) offsets(%dma_start3A_416 : memref<128xi32, #tpu.memory_space<vmem>>) semaphore(%arg11 : memref<!tpu.dma_semaphore, #tpu.memory_space<semaphore_mem>>) {add = true}
        %add3A_420 = arith.constant 1 : i32
        %add3A_421 = arith.addi %mul3A_323, %add3A_420 : i32
        %add3A_422 = arith.constant 3 : i32
        %add3A_423 = arith.addi %add3A_421, %add3A_422 : i32
        %dma_wait3A_424 = arith.constant 0 : i32
        %dma_wait3A_425 = arith.constant 0 : i32
        %dma_wait3A_426 = tpu.memref_slice %arg6[%dma_wait3A_424, %dma_wait3A_425] : memref<40x128xi32, #tpu.memory_space<vmem>> -> memref<1x128xi32, #tpu.memory_space<vmem>>
        %dma_wait3A_427 = tpu.memref_squeeze %dma_wait3A_426 : memref<1x128xi32, #tpu.memory_space<vmem>> -> memref<128xi32, #tpu.memory_space<vmem>>
        %dma_wait3A_428 = arith.constant 0 : i32
        %dma_wait3A_429 = arith.constant 0 : i32
        %dma_wait3A_430 = tpu.memref_slice %arg2[%dma_wait3A_428, %dma_wait3A_429] : memref<10240x128xf32, #tpu.memory_space<hbm>> -> memref<10240x128xf32, #tpu.memory_space<hbm>>
        tpu.wait_indirect_dma semaphore(%arg11 : memref<!tpu.dma_semaphore, #tpu.memory_space<semaphore_mem>>) src(%dma_wait3A_430 : memref<10240x128xf32, #tpu.memory_space<hbm>>) dst(%arg9 : memref<128x128xf32, #tpu.memory_space<vmem>>)
        %add3A_431 = arith.constant 1 : i32
        %add3A_432 = arith.addi %add3A_423, %add3A_431 : i32
        %dma_start3A_433 = arith.constant 0 : i32
        %dma_start3A_434 = tpu.memref_slice %arg6[%add3A_432, %dma_start3A_433] : memref<40x128xi32, #tpu.memory_space<vmem>> -> memref<1x128xi32, #tpu.memory_space<vmem>>
        %dma_start3A_435 = tpu.memref_squeeze %dma_start3A_434 : memref<1x128xi32, #tpu.memory_space<vmem>> -> memref<128xi32, #tpu.memory_space<vmem>>
        %dma_start3A_436 = arith.constant 0 : i32
        %dma_start3A_437 = arith.constant 0 : i32
        %dma_start3A_438 = tpu.memref_slice %arg2[%dma_start3A_436, %dma_start3A_437] : memref<10240x128xf32, #tpu.memory_space<hbm>> -> memref<10240x128xf32, #tpu.memory_space<hbm>>
        tpu.enqueue_indirect_dma source(%dma_start3A_438 : memref<10240x128xf32, #tpu.memory_space<hbm>>) target(%arg9 : memref<128x128xf32, #tpu.memory_space<vmem>>) offsets(%dma_start3A_435 : memref<128xi32, #tpu.memory_space<vmem>>) semaphore(%arg10 : memref<!tpu.dma_semaphore, #tpu.memory_space<semaphore_mem>>)
        %dma_wait3A_439 = arith.constant 0 : i32
        %dma_wait3A_440 = arith.constant 0 : i32
        %dma_wait3A_441 = tpu.memref_slice %arg6[%dma_wait3A_439, %dma_wait3A_440] : memref<40x128xi32, #tpu.memory_space<vmem>> -> memref<1x128xi32, #tpu.memory_space<vmem>>
        %dma_wait3A_442 = tpu.memref_squeeze %dma_wait3A_441 : memref<1x128xi32, #tpu.memory_space<vmem>> -> memref<128xi32, #tpu.memory_space<vmem>>
        %dma_wait3A_443 = arith.constant 0 : i32
        %dma_wait3A_444 = arith.constant 0 : i32
        %dma_wait3A_445 = tpu.memref_slice %arg2[%dma_wait3A_443, %dma_wait3A_444] : memref<10240x128xf32, #tpu.memory_space<hbm>> -> memref<10240x128xf32, #tpu.memory_space<hbm>>
        tpu.wait_indirect_dma semaphore(%arg10 : memref<!tpu.dma_semaphore, #tpu.memory_space<semaphore_mem>>) src(%dma_wait3A_445 : memref<10240x128xf32, #tpu.memory_space<hbm>>) dst(%arg8 : memref<128x128xf32, #tpu.memory_space<vmem>>)
        %dma_start3A_446 = arith.constant 0 : i32
        %dma_start3A_447 = tpu.memref_slice %arg7[%add3A_423, %dma_start3A_446] : memref<40x128xi32, #tpu.memory_space<vmem>> -> memref<1x128xi32, #tpu.memory_space<vmem>>
        %dma_start3A_448 = tpu.memref_squeeze %dma_start3A_447 : memref<1x128xi32, #tpu.memory_space<vmem>> -> memref<128xi32, #tpu.memory_space<vmem>>
        %dma_start3A_449 = arith.constant 0 : i32
        %dma_start3A_450 = arith.constant 0 : i32
        %dma_start3A_451 = tpu.memref_slice %arg12[%dma_start3A_449, %dma_start3A_450] : memref<10240x128xf32, #tpu.memory_space<vmem_shared>> -> memref<10240x128xf32, #tpu.memory_space<vmem_shared>>
        tpu.enqueue_indirect_dma source(%arg8 : memref<128x128xf32, #tpu.memory_space<vmem>>) target(%dma_start3A_451 : memref<10240x128xf32, #tpu.memory_space<vmem_shared>>) offsets(%dma_start3A_448 : memref<128xi32, #tpu.memory_space<vmem>>) semaphore(%arg11 : memref<!tpu.dma_semaphore, #tpu.memory_space<semaphore_mem>>) {add = true}
        %scan3A_452 = arith.constant 0 : i32
        scf.yield %scan3A_452 : i32
      }
      %scan3A_234 = arith.constant 9 : i32
      %dma_wait3A_235 = arith.constant 0 : i32
      %dma_wait3A_236 = arith.constant 0 : i32
      %dma_wait3A_237 = tpu.memref_slice %arg6[%dma_wait3A_235, %dma_wait3A_236] : memref<40x128xi32, #tpu.memory_space<vmem>> -> memref<1x128xi32, #tpu.memory_space<vmem>>
      %dma_wait3A_238 = tpu.memref_squeeze %dma_wait3A_237 : memref<1x128xi32, #tpu.memory_space<vmem>> -> memref<128xi32, #tpu.memory_space<vmem>>
      %dma_wait3A_239 = arith.constant 0 : i32
      %dma_wait3A_240 = arith.constant 0 : i32
      %dma_wait3A_241 = tpu.memref_slice %arg2[%dma_wait3A_239, %dma_wait3A_240] : memref<10240x128xf32, #tpu.memory_space<hbm>> -> memref<10240x128xf32, #tpu.memory_space<hbm>>
      tpu.wait_indirect_dma semaphore(%arg11 : memref<!tpu.dma_semaphore, #tpu.memory_space<semaphore_mem>>) src(%dma_wait3A_241 : memref<10240x128xf32, #tpu.memory_space<hbm>>) dst(%arg8 : memref<128x128xf32, #tpu.memory_space<vmem>>)
      %dma_start3A_242 = arith.constant 38 : i32
      %dma_start3A_243 = arith.constant 0 : i32
      %dma_start3A_244 = tpu.memref_slice %arg6[%dma_start3A_242, %dma_start3A_243] : memref<40x128xi32, #tpu.memory_space<vmem>> -> memref<1x128xi32, #tpu.memory_space<vmem>>
      %dma_start3A_245 = tpu.memref_squeeze %dma_start3A_244 : memref<1x128xi32, #tpu.memory_space<vmem>> -> memref<128xi32, #tpu.memory_space<vmem>>
      %dma_start3A_246 = arith.constant 0 : i32
      %dma_start3A_247 = arith.constant 0 : i32
      %dma_start3A_248 = tpu.memref_slice %arg2[%dma_start3A_246, %dma_start3A_247] : memref<10240x128xf32, #tpu.memory_space<hbm>> -> memref<10240x128xf32, #tpu.memory_space<hbm>>
      tpu.enqueue_indirect_dma source(%dma_start3A_248 : memref<10240x128xf32, #tpu.memory_space<hbm>>) target(%arg8 : memref<128x128xf32, #tpu.memory_space<vmem>>) offsets(%dma_start3A_245 : memref<128xi32, #tpu.memory_space<vmem>>) semaphore(%arg10 : memref<!tpu.dma_semaphore, #tpu.memory_space<semaphore_mem>>)
      %dma_wait3A_249 = arith.constant 0 : i32
      %dma_wait3A_250 = arith.constant 0 : i32
      %dma_wait3A_251 = tpu.memref_slice %arg6[%dma_wait3A_249, %dma_wait3A_250] : memref<40x128xi32, #tpu.memory_space<vmem>> -> memref<1x128xi32, #tpu.memory_space<vmem>>
      %dma_wait3A_252 = tpu.memref_squeeze %dma_wait3A_251 : memref<1x128xi32, #tpu.memory_space<vmem>> -> memref<128xi32, #tpu.memory_space<vmem>>
      %dma_wait3A_253 = arith.constant 0 : i32
      %dma_wait3A_254 = arith.constant 0 : i32
      %dma_wait3A_255 = tpu.memref_slice %arg2[%dma_wait3A_253, %dma_wait3A_254] : memref<10240x128xf32, #tpu.memory_space<hbm>> -> memref<10240x128xf32, #tpu.memory_space<hbm>>
      tpu.wait_indirect_dma semaphore(%arg10 : memref<!tpu.dma_semaphore, #tpu.memory_space<semaphore_mem>>) src(%dma_wait3A_255 : memref<10240x128xf32, #tpu.memory_space<hbm>>) dst(%arg9 : memref<128x128xf32, #tpu.memory_space<vmem>>)
      %dma_start3A_256 = arith.constant 37 : i32
      %dma_start3A_257 = arith.constant 0 : i32
      %dma_start3A_258 = tpu.memref_slice %arg7[%dma_start3A_256, %dma_start3A_257] : memref<40x128xi32, #tpu.memory_space<vmem>> -> memref<1x128xi32, #tpu.memory_space<vmem>>
      %dma_start3A_259 = tpu.memref_squeeze %dma_start3A_258 : memref<1x128xi32, #tpu.memory_space<vmem>> -> memref<128xi32, #tpu.memory_space<vmem>>
      %dma_start3A_260 = arith.constant 0 : i32
      %dma_start3A_261 = arith.constant 0 : i32
      %dma_start3A_262 = tpu.memref_slice %arg12[%dma_start3A_260, %dma_start3A_261] : memref<10240x128xf32, #tpu.memory_space<vmem_shared>> -> memref<10240x128xf32, #tpu.memory_space<vmem_shared>>
      tpu.enqueue_indirect_dma source(%arg9 : memref<128x128xf32, #tpu.memory_space<vmem>>) target(%dma_start3A_262 : memref<10240x128xf32, #tpu.memory_space<vmem_shared>>) offsets(%dma_start3A_259 : memref<128xi32, #tpu.memory_space<vmem>>) semaphore(%arg11 : memref<!tpu.dma_semaphore, #tpu.memory_space<semaphore_mem>>) {add = true}
      %dma_wait3A_263 = arith.constant 0 : i32
      %dma_wait3A_264 = arith.constant 0 : i32
      %dma_wait3A_265 = tpu.memref_slice %arg6[%dma_wait3A_263, %dma_wait3A_264] : memref<40x128xi32, #tpu.memory_space<vmem>> -> memref<1x128xi32, #tpu.memory_space<vmem>>
      %dma_wait3A_266 = tpu.memref_squeeze %dma_wait3A_265 : memref<1x128xi32, #tpu.memory_space<vmem>> -> memref<128xi32, #tpu.memory_space<vmem>>
      %dma_wait3A_267 = arith.constant 0 : i32
      %dma_wait3A_268 = arith.constant 0 : i32
      %dma_wait3A_269 = tpu.memref_slice %arg2[%dma_wait3A_267, %dma_wait3A_268] : memref<10240x128xf32, #tpu.memory_space<hbm>> -> memref<10240x128xf32, #tpu.memory_space<hbm>>
      tpu.wait_indirect_dma semaphore(%arg11 : memref<!tpu.dma_semaphore, #tpu.memory_space<semaphore_mem>>) src(%dma_wait3A_269 : memref<10240x128xf32, #tpu.memory_space<hbm>>) dst(%arg9 : memref<128x128xf32, #tpu.memory_space<vmem>>)
      %dma_start3A_270 = arith.constant 39 : i32
      %dma_start3A_271 = arith.constant 0 : i32
      %dma_start3A_272 = tpu.memref_slice %arg6[%dma_start3A_270, %dma_start3A_271] : memref<40x128xi32, #tpu.memory_space<vmem>> -> memref<1x128xi32, #tpu.memory_space<vmem>>
      %dma_start3A_273 = tpu.memref_squeeze %dma_start3A_272 : memref<1x128xi32, #tpu.memory_space<vmem>> -> memref<128xi32, #tpu.memory_space<vmem>>
      %dma_start3A_274 = arith.constant 0 : i32
      %dma_start3A_275 = arith.constant 0 : i32
      %dma_start3A_276 = tpu.memref_slice %arg2[%dma_start3A_274, %dma_start3A_275] : memref<10240x128xf32, #tpu.memory_space<hbm>> -> memref<10240x128xf32, #tpu.memory_space<hbm>>
      tpu.enqueue_indirect_dma source(%dma_start3A_276 : memref<10240x128xf32, #tpu.memory_space<hbm>>) target(%arg9 : memref<128x128xf32, #tpu.memory_space<vmem>>) offsets(%dma_start3A_273 : memref<128xi32, #tpu.memory_space<vmem>>) semaphore(%arg10 : memref<!tpu.dma_semaphore, #tpu.memory_space<semaphore_mem>>)
      %dma_wait3A_277 = arith.constant 0 : i32
      %dma_wait3A_278 = arith.constant 0 : i32
      %dma_wait3A_279 = tpu.memref_slice %arg6[%dma_wait3A_277, %dma_wait3A_278] : memref<40x128xi32, #tpu.memory_space<vmem>> -> memref<1x128xi32, #tpu.memory_space<vmem>>
      %dma_wait3A_280 = tpu.memref_squeeze %dma_wait3A_279 : memref<1x128xi32, #tpu.memory_space<vmem>> -> memref<128xi32, #tpu.memory_space<vmem>>
      %dma_wait3A_281 = arith.constant 0 : i32
      %dma_wait3A_282 = arith.constant 0 : i32
      %dma_wait3A_283 = tpu.memref_slice %arg2[%dma_wait3A_281, %dma_wait3A_282] : memref<10240x128xf32, #tpu.memory_space<hbm>> -> memref<10240x128xf32, #tpu.memory_space<hbm>>
      tpu.wait_indirect_dma semaphore(%arg10 : memref<!tpu.dma_semaphore, #tpu.memory_space<semaphore_mem>>) src(%dma_wait3A_283 : memref<10240x128xf32, #tpu.memory_space<hbm>>) dst(%arg8 : memref<128x128xf32, #tpu.memory_space<vmem>>)
      %dma_start3A_284 = arith.constant 38 : i32
      %dma_start3A_285 = arith.constant 0 : i32
      %dma_start3A_286 = tpu.memref_slice %arg7[%dma_start3A_284, %dma_start3A_285] : memref<40x128xi32, #tpu.memory_space<vmem>> -> memref<1x128xi32, #tpu.memory_space<vmem>>
      %dma_start3A_287 = tpu.memref_squeeze %dma_start3A_286 : memref<1x128xi32, #tpu.memory_space<vmem>> -> memref<128xi32, #tpu.memory_space<vmem>>
      %dma_start3A_288 = arith.constant 0 : i32
      %dma_start3A_289 = arith.constant 0 : i32
      %dma_start3A_290 = tpu.memref_slice %arg12[%dma_start3A_288, %dma_start3A_289] : memref<10240x128xf32, #tpu.memory_space<vmem_shared>> -> memref<10240x128xf32, #tpu.memory_space<vmem_shared>>
      tpu.enqueue_indirect_dma source(%arg8 : memref<128x128xf32, #tpu.memory_space<vmem>>) target(%dma_start3A_290 : memref<10240x128xf32, #tpu.memory_space<vmem_shared>>) offsets(%dma_start3A_287 : memref<128xi32, #tpu.memory_space<vmem>>) semaphore(%arg11 : memref<!tpu.dma_semaphore, #tpu.memory_space<semaphore_mem>>) {add = true}
      %dma_wait3A_291 = arith.constant 0 : i32
      %dma_wait3A_292 = arith.constant 0 : i32
      %dma_wait3A_293 = tpu.memref_slice %arg6[%dma_wait3A_291, %dma_wait3A_292] : memref<40x128xi32, #tpu.memory_space<vmem>> -> memref<1x128xi32, #tpu.memory_space<vmem>>
      %dma_wait3A_294 = tpu.memref_squeeze %dma_wait3A_293 : memref<1x128xi32, #tpu.memory_space<vmem>> -> memref<128xi32, #tpu.memory_space<vmem>>
      %dma_wait3A_295 = arith.constant 0 : i32
      %dma_wait3A_296 = arith.constant 0 : i32
      %dma_wait3A_297 = tpu.memref_slice %arg2[%dma_wait3A_295, %dma_wait3A_296] : memref<10240x128xf32, #tpu.memory_space<hbm>> -> memref<10240x128xf32, #tpu.memory_space<hbm>>
      tpu.wait_indirect_dma semaphore(%arg11 : memref<!tpu.dma_semaphore, #tpu.memory_space<semaphore_mem>>) src(%dma_wait3A_297 : memref<10240x128xf32, #tpu.memory_space<hbm>>) dst(%arg8 : memref<128x128xf32, #tpu.memory_space<vmem>>)
      %dma_wait3A_298 = arith.constant 0 : i32
      %dma_wait3A_299 = arith.constant 0 : i32
      %dma_wait3A_300 = tpu.memref_slice %arg6[%dma_wait3A_298, %dma_wait3A_299] : memref<40x128xi32, #tpu.memory_space<vmem>> -> memref<1x128xi32, #tpu.memory_space<vmem>>
      %dma_wait3A_301 = tpu.memref_squeeze %dma_wait3A_300 : memref<1x128xi32, #tpu.memory_space<vmem>> -> memref<128xi32, #tpu.memory_space<vmem>>
      %dma_wait3A_302 = arith.constant 0 : i32
      %dma_wait3A_303 = arith.constant 0 : i32
      %dma_wait3A_304 = tpu.memref_slice %arg2[%dma_wait3A_302, %dma_wait3A_303] : memref<10240x128xf32, #tpu.memory_space<hbm>> -> memref<10240x128xf32, #tpu.memory_space<hbm>>
      tpu.wait_indirect_dma semaphore(%arg10 : memref<!tpu.dma_semaphore, #tpu.memory_space<semaphore_mem>>) src(%dma_wait3A_304 : memref<10240x128xf32, #tpu.memory_space<hbm>>) dst(%arg9 : memref<128x128xf32, #tpu.memory_space<vmem>>)
      %dma_start3A_305 = arith.constant 39 : i32
      %dma_start3A_306 = arith.constant 0 : i32
      %dma_start3A_307 = tpu.memref_slice %arg7[%dma_start3A_305, %dma_start3A_306] : memref<40x128xi32, #tpu.memory_space<vmem>> -> memref<1x128xi32, #tpu.memory_space<vmem>>
      %dma_start3A_308 = tpu.memref_squeeze %dma_start3A_307 : memref<1x128xi32, #tpu.memory_space<vmem>> -> memref<128xi32, #tpu.memory_space<vmem>>
      %dma_start3A_309 = arith.constant 0 : i32
      %dma_start3A_310 = arith.constant 0 : i32
      %dma_start3A_311 = tpu.memref_slice %arg12[%dma_start3A_309, %dma_start3A_310] : memref<10240x128xf32, #tpu.memory_space<vmem_shared>> -> memref<10240x128xf32, #tpu.memory_space<vmem_shared>>
      tpu.enqueue_indirect_dma source(%arg9 : memref<128x128xf32, #tpu.memory_space<vmem>>) target(%dma_start3A_311 : memref<10240x128xf32, #tpu.memory_space<vmem_shared>>) offsets(%dma_start3A_308 : memref<128xi32, #tpu.memory_space<vmem>>) semaphore(%arg11 : memref<!tpu.dma_semaphore, #tpu.memory_space<semaphore_mem>>) {add = true}
      %dma_wait3A_312 = arith.constant 0 : i32
      %dma_wait3A_313 = arith.constant 0 : i32
      %dma_wait3A_314 = tpu.memref_slice %arg6[%dma_wait3A_312, %dma_wait3A_313] : memref<40x128xi32, #tpu.memory_space<vmem>> -> memref<1x128xi32, #tpu.memory_space<vmem>>
      %dma_wait3A_315 = tpu.memref_squeeze %dma_wait3A_314 : memref<1x128xi32, #tpu.memory_space<vmem>> -> memref<128xi32, #tpu.memory_space<vmem>>
      %dma_wait3A_316 = arith.constant 0 : i32
      %dma_wait3A_317 = arith.constant 0 : i32
      %dma_wait3A_318 = tpu.memref_slice %arg2[%dma_wait3A_316, %dma_wait3A_317] : memref<10240x128xf32, #tpu.memory_space<hbm>> -> memref<10240x128xf32, #tpu.memory_space<hbm>>
      tpu.wait_indirect_dma semaphore(%arg11 : memref<!tpu.dma_semaphore, #tpu.memory_space<semaphore_mem>>) src(%dma_wait3A_318 : memref<10240x128xf32, #tpu.memory_space<hbm>>) dst(%arg9 : memref<128x128xf32, #tpu.memory_space<vmem>>)
      %scan3A_319 = arith.constant 0 : i32
      scf.yield %scan3A_319 : i32
    }
    %scan3A_81 = arith.constant 2 : i32
    %barrier3A_82 = arith.constant 0 : index
    tpu.barrier barrier_id(%barrier3A_82)
    %mul3A_83 = arith.constant 640 : i32
    %mul3A_84 = arith.muli %arg1, %mul3A_83 : i32
    %add3A_85 = arith.constant 0 : i32
    %add3A_86 = arith.addi %mul3A_84, %add3A_85 : i32
    %mul3A_87 = arith.constant 640 : i32
    %mul3A_88 = arith.muli %arg1, %mul3A_87 : i32
    %add3A_89 = arith.constant 0 : i32
    %add3A_90 = arith.addi %mul3A_88, %add3A_89 : i32
    %dma_start3A_91 = arith.constant 0 : i32
    %dma_start3A_92 = tpu.memref_slice %arg5[%arg0, %add3A_90, %dma_start3A_91] : memref<2x10240x128xf32, #tpu.memory_space<hbm>> -> memref<1x128x128xf32, #tpu.memory_space<hbm>>
    %dma_start3A_93 = tpu.memref_squeeze %dma_start3A_92 : memref<1x128x128xf32, #tpu.memory_space<hbm>> -> memref<128x128xf32, #tpu.memory_space<hbm>>
    %dma_start3A_94 = arith.constant 0 : i32
    %dma_start3A_95 = tpu.memref_slice %arg12[%add3A_86, %dma_start3A_94] : memref<10240x128xf32, #tpu.memory_space<vmem_shared>> -> memref<128x128xf32, #tpu.memory_space<vmem_shared>>
    tpu.enqueue_dma source(%dma_start3A_95 : memref<128x128xf32, #tpu.memory_space<vmem_shared>>) target(%dma_start3A_93 : memref<128x128xf32, #tpu.memory_space<hbm>>) target_semaphore(%arg11 : memref<!tpu.dma_semaphore, #tpu.memory_space<semaphore_mem>>)
    %mul3A_96 = arith.constant 640 : i32
    %mul3A_97 = arith.muli %arg1, %mul3A_96 : i32
    %add3A_98 = arith.constant 128 : i32
    %add3A_99 = arith.addi %mul3A_97, %add3A_98 : i32
    %mul3A_100 = arith.constant 640 : i32
    %mul3A_101 = arith.muli %arg1, %mul3A_100 : i32
    %add3A_102 = arith.constant 128 : i32
    %add3A_103 = arith.addi %mul3A_101, %add3A_102 : i32
    %dma_start3A_104 = arith.constant 0 : i32
    %dma_start3A_105 = tpu.memref_slice %arg5[%arg0, %add3A_103, %dma_start3A_104] : memref<2x10240x128xf32, #tpu.memory_space<hbm>> -> memref<1x128x128xf32, #tpu.memory_space<hbm>>
    %dma_start3A_106 = tpu.memref_squeeze %dma_start3A_105 : memref<1x128x128xf32, #tpu.memory_space<hbm>> -> memref<128x128xf32, #tpu.memory_space<hbm>>
    %dma_start3A_107 = arith.constant 0 : i32
    %dma_start3A_108 = tpu.memref_slice %arg12[%add3A_99, %dma_start3A_107] : memref<10240x128xf32, #tpu.memory_space<vmem_shared>> -> memref<128x128xf32, #tpu.memory_space<vmem_shared>>
    tpu.enqueue_dma source(%dma_start3A_108 : memref<128x128xf32, #tpu.memory_space<vmem_shared>>) target(%dma_start3A_106 : memref<128x128xf32, #tpu.memory_space<hbm>>) target_semaphore(%arg11 : memref<!tpu.dma_semaphore, #tpu.memory_space<semaphore_mem>>)
    %mul3A_109 = arith.constant 640 : i32
    %mul3A_110 = arith.muli %arg1, %mul3A_109 : i32
    %add3A_111 = arith.constant 256 : i32
    %add3A_112 = arith.addi %mul3A_110, %add3A_111 : i32
    %mul3A_113 = arith.constant 640 : i32
    %mul3A_114 = arith.muli %arg1, %mul3A_113 : i32
    %add3A_115 = arith.constant 256 : i32
    %add3A_116 = arith.addi %mul3A_114, %add3A_115 : i32
    %dma_start3A_117 = arith.constant 0 : i32
    %dma_start3A_118 = tpu.memref_slice %arg5[%arg0, %add3A_116, %dma_start3A_117] : memref<2x10240x128xf32, #tpu.memory_space<hbm>> -> memref<1x128x128xf32, #tpu.memory_space<hbm>>
    %dma_start3A_119 = tpu.memref_squeeze %dma_start3A_118 : memref<1x128x128xf32, #tpu.memory_space<hbm>> -> memref<128x128xf32, #tpu.memory_space<hbm>>
    %dma_start3A_120 = arith.constant 0 : i32
    %dma_start3A_121 = tpu.memref_slice %arg12[%add3A_112, %dma_start3A_120] : memref<10240x128xf32, #tpu.memory_space<vmem_shared>> -> memref<128x128xf32, #tpu.memory_space<vmem_shared>>
    tpu.enqueue_dma source(%dma_start3A_121 : memref<128x128xf32, #tpu.memory_space<vmem_shared>>) target(%dma_start3A_119 : memref<128x128xf32, #tpu.memory_space<hbm>>) target_semaphore(%arg11 : memref<!tpu.dma_semaphore, #tpu.memory_space<semaphore_mem>>)
    %mul3A_122 = arith.constant 640 : i32
    %mul3A_123 = arith.muli %arg1, %mul3A_122 : i32
    %add3A_124 = arith.constant 384 : i32
    %add3A_125 = arith.addi %mul3A_123, %add3A_124 : i32
    %mul3A_126 = arith.constant 640 : i32
    %mul3A_127 = arith.muli %arg1, %mul3A_126 : i32
    %add3A_128 = arith.constant 384 : i32
    %add3A_129 = arith.addi %mul3A_127, %add3A_128 : i32
    %dma_start3A_130 = arith.constant 0 : i32
    %dma_start3A_131 = tpu.memref_slice %arg5[%arg0, %add3A_129, %dma_start3A_130] : memref<2x10240x128xf32, #tpu.memory_space<hbm>> -> memref<1x128x128xf32, #tpu.memory_space<hbm>>
    %dma_start3A_132 = tpu.memref_squeeze %dma_start3A_131 : memref<1x128x128xf32, #tpu.memory_space<hbm>> -> memref<128x128xf32, #tpu.memory_space<hbm>>
    %dma_start3A_133 = arith.constant 0 : i32
    %dma_start3A_134 = tpu.memref_slice %arg12[%add3A_125, %dma_start3A_133] : memref<10240x128xf32, #tpu.memory_space<vmem_shared>> -> memref<128x128xf32, #tpu.memory_space<vmem_shared>>
    tpu.enqueue_dma source(%dma_start3A_134 : memref<128x128xf32, #tpu.memory_space<vmem_shared>>) target(%dma_start3A_132 : memref<128x128xf32, #tpu.memory_space<hbm>>) target_semaphore(%arg11 : memref<!tpu.dma_semaphore, #tpu.memory_space<semaphore_mem>>)
    %mul3A_135 = arith.constant 640 : i32
    %mul3A_136 = arith.muli %arg1, %mul3A_135 : i32
    %add3A_137 = arith.constant 512 : i32
    %add3A_138 = arith.addi %mul3A_136, %add3A_137 : i32
    %mul3A_139 = arith.constant 640 : i32
    %mul3A_140 = arith.muli %arg1, %mul3A_139 : i32
    %add3A_141 = arith.constant 512 : i32
    %add3A_142 = arith.addi %mul3A_140, %add3A_141 : i32
    %dma_start3A_143 = arith.constant 0 : i32
    %dma_start3A_144 = tpu.memref_slice %arg5[%arg0, %add3A_142, %dma_start3A_143] : memref<2x10240x128xf32, #tpu.memory_space<hbm>> -> memref<1x128x128xf32, #tpu.memory_space<hbm>>
    %dma_start3A_145 = tpu.memref_squeeze %dma_start3A_144 : memref<1x128x128xf32, #tpu.memory_space<hbm>> -> memref<128x128xf32, #tpu.memory_space<hbm>>
    %dma_start3A_146 = arith.constant 0 : i32
    %dma_start3A_147 = tpu.memref_slice %arg12[%add3A_138, %dma_start3A_146] : memref<10240x128xf32, #tpu.memory_space<vmem_shared>> -> memref<128x128xf32, #tpu.memory_space<vmem_shared>>
    tpu.enqueue_dma source(%dma_start3A_147 : memref<128x128xf32, #tpu.memory_space<vmem_shared>>) target(%dma_start3A_145 : memref<128x128xf32, #tpu.memory_space<hbm>>) target_semaphore(%arg11 : memref<!tpu.dma_semaphore, #tpu.memory_space<semaphore_mem>>)
    %mul3A_148 = arith.constant 640 : i32
    %mul3A_149 = arith.muli %arg1, %mul3A_148 : i32
    %mul3A_150 = arith.constant 640 : i32
    %mul3A_151 = arith.muli %arg1, %mul3A_150 : i32
    %dma_wait3A_152 = arith.constant 0 : i32
    %dma_wait3A_153 = tpu.memref_slice %arg5[%arg0, %mul3A_151, %dma_wait3A_152] : memref<2x10240x128xf32, #tpu.memory_space<hbm>> -> memref<1x128x128xf32, #tpu.memory_space<hbm>>
    %dma_wait3A_154 = tpu.memref_squeeze %dma_wait3A_153 : memref<1x128x128xf32, #tpu.memory_space<hbm>> -> memref<128x128xf32, #tpu.memory_space<hbm>>
    %dma_wait3A_155 = arith.constant 0 : i32
    %dma_wait3A_156 = tpu.memref_slice %arg12[%mul3A_149, %dma_wait3A_155] : memref<10240x128xf32, #tpu.memory_space<vmem_shared>> -> memref<128x128xf32, #tpu.memory_space<vmem_shared>>
    tpu.wait_dma2 semaphore(%arg11 : memref<!tpu.dma_semaphore, #tpu.memory_space<semaphore_mem>>) src(%dma_wait3A_156 : memref<128x128xf32, #tpu.memory_space<vmem_shared>>) dst(%dma_wait3A_154 : memref<128x128xf32, #tpu.memory_space<hbm>>)
    %mul3A_157 = arith.constant 640 : i32
    %mul3A_158 = arith.muli %arg1, %mul3A_157 : i32
    %mul3A_159 = arith.constant 640 : i32
    %mul3A_160 = arith.muli %arg1, %mul3A_159 : i32
    %dma_wait3A_161 = arith.constant 0 : i32
    %dma_wait3A_162 = tpu.memref_slice %arg5[%arg0, %mul3A_160, %dma_wait3A_161] : memref<2x10240x128xf32, #tpu.memory_space<hbm>> -> memref<1x128x128xf32, #tpu.memory_space<hbm>>
    %dma_wait3A_163 = tpu.memref_squeeze %dma_wait3A_162 : memref<1x128x128xf32, #tpu.memory_space<hbm>> -> memref<128x128xf32, #tpu.memory_space<hbm>>
    %dma_wait3A_164 = arith.constant 0 : i32
    %dma_wait3A_165 = tpu.memref_slice %arg12[%mul3A_158, %dma_wait3A_164] : memref<10240x128xf32, #tpu.memory_space<vmem_shared>> -> memref<128x128xf32, #tpu.memory_space<vmem_shared>>
    tpu.wait_dma2 semaphore(%arg11 : memref<!tpu.dma_semaphore, #tpu.memory_space<semaphore_mem>>) src(%dma_wait3A_165 : memref<128x128xf32, #tpu.memory_space<vmem_shared>>) dst(%dma_wait3A_163 : memref<128x128xf32, #tpu.memory_space<hbm>>)
    %mul3A_166 = arith.constant 640 : i32
    %mul3A_167 = arith.muli %arg1, %mul3A_166 : i32
    %mul3A_168 = arith.constant 640 : i32
    %mul3A_169 = arith.muli %arg1, %mul3A_168 : i32
    %dma_wait3A_170 = arith.constant 0 : i32
    %dma_wait3A_171 = tpu.memref_slice %arg5[%arg0, %mul3A_169, %dma_wait3A_170] : memref<2x10240x128xf32, #tpu.memory_space<hbm>> -> memref<1x128x128xf32, #tpu.memory_space<hbm>>
    %dma_wait3A_172 = tpu.memref_squeeze %dma_wait3A_171 : memref<1x128x128xf32, #tpu.memory_space<hbm>> -> memref<128x128xf32, #tpu.memory_space<hbm>>
    %dma_wait3A_173 = arith.constant 0 : i32
    %dma_wait3A_174 = tpu.memref_slice %arg12[%mul3A_167, %dma_wait3A_173] : memref<10240x128xf32, #tpu.memory_space<vmem_shared>> -> memref<128x128xf32, #tpu.memory_space<vmem_shared>>
    tpu.wait_dma2 semaphore(%arg11 : memref<!tpu.dma_semaphore, #tpu.memory_space<semaphore_mem>>) src(%dma_wait3A_174 : memref<128x128xf32, #tpu.memory_space<vmem_shared>>) dst(%dma_wait3A_172 : memref<128x128xf32, #tpu.memory_space<hbm>>)
    %mul3A_175 = arith.constant 640 : i32
    %mul3A_176 = arith.muli %arg1, %mul3A_175 : i32
    %mul3A_177 = arith.constant 640 : i32
    %mul3A_178 = arith.muli %arg1, %mul3A_177 : i32
    %dma_wait3A_179 = arith.constant 0 : i32
    %dma_wait3A_180 = tpu.memref_slice %arg5[%arg0, %mul3A_178, %dma_wait3A_179] : memref<2x10240x128xf32, #tpu.memory_space<hbm>> -> memref<1x128x128xf32, #tpu.memory_space<hbm>>
    %dma_wait3A_181 = tpu.memref_squeeze %dma_wait3A_180 : memref<1x128x128xf32, #tpu.memory_space<hbm>> -> memref<128x128xf32, #tpu.memory_space<hbm>>
    %dma_wait3A_182 = arith.constant 0 : i32
    %dma_wait3A_183 = tpu.memref_slice %arg12[%mul3A_176, %dma_wait3A_182] : memref<10240x128xf32, #tpu.memory_space<vmem_shared>> -> memref<128x128xf32, #tpu.memory_space<vmem_shared>>
    tpu.wait_dma2 semaphore(%arg11 : memref<!tpu.dma_semaphore, #tpu.memory_space<semaphore_mem>>) src(%dma_wait3A_183 : memref<128x128xf32, #tpu.memory_space<vmem_shared>>) dst(%dma_wait3A_181 : memref<128x128xf32, #tpu.memory_space<hbm>>)
    %mul3A_184 = arith.constant 640 : i32
    %mul3A_185 = arith.muli %arg1, %mul3A_184 : i32
    %mul3A_186 = arith.constant 640 : i32
    %mul3A_187 = arith.muli %arg1, %mul3A_186 : i32
    %dma_wait3A_188 = arith.constant 0 : i32
    %dma_wait3A_189 = tpu.memref_slice %arg5[%arg0, %mul3A_187, %dma_wait3A_188] : memref<2x10240x128xf32, #tpu.memory_space<hbm>> -> memref<1x128x128xf32, #tpu.memory_space<hbm>>
    %dma_wait3A_190 = tpu.memref_squeeze %dma_wait3A_189 : memref<1x128x128xf32, #tpu.memory_space<hbm>> -> memref<128x128xf32, #tpu.memory_space<hbm>>
    %dma_wait3A_191 = arith.constant 0 : i32
    %dma_wait3A_192 = tpu.memref_slice %arg12[%mul3A_185, %dma_wait3A_191] : memref<10240x128xf32, #tpu.memory_space<vmem_shared>> -> memref<128x128xf32, #tpu.memory_space<vmem_shared>>
    tpu.wait_dma2 semaphore(%arg11 : memref<!tpu.dma_semaphore, #tpu.memory_space<semaphore_mem>>) src(%dma_wait3A_192 : memref<128x128xf32, #tpu.memory_space<vmem_shared>>) dst(%dma_wait3A_190 : memref<128x128xf32, #tpu.memory_space<hbm>>)
    return
  }
}

#map = affine_map<(d0, d1) -> (0, 0)>
module attributes {stable_mosaic.version = 14 : i64} {
  func.func @_deg_body(%arg0: i32, %arg1: i32, %arg2: memref<2568x128xi32, #tpu.memory_space<hbm>>, %arg3: memref<2568x128xf32, #tpu.memory_space<hbm>>, %arg4: memref<2x10240xf32, #tpu.memory_space<hbm>>, %arg5: memref<80x128xi32, #tpu.memory_space<vmem>>, %arg6: memref<80x128xf32, #tpu.memory_space<vmem>>, %arg7: memref<640xf32, #tpu.memory_space<vmem>>, %arg8: memref<!tpu.dma_semaphore, #tpu.memory_space<semaphore_mem>>, %arg9: memref<10240xf32, #tpu.memory_space<vmem_shared>>) attributes {dimension_semantics = [#tpu.dimension_semantics<core_parallel>, #tpu.dimension_semantics<subcore_parallel>], iteration_bounds = array<i64: 2, 16>, scalar_prefetch = 0 : i64, scratch_operands = 5 : i64, tpu.core_type = #tpu.core_type<sc_vector_subcore>, window_params = [{transform_indices = #map}, {transform_indices = #map}, {transform_indices = #map}]} {
    %mul3A = arith.constant 2 : i32
    %mul3A_0 = arith.muli %arg1, %mul3A : i32
    %add3A = arith.addi %mul3A_0, %arg0 : i32
    %scan3A = arith.constant 0 : i32
    %scan3A_1 = arith.constant 0 : i32
    %scan3A_2 = arith.constant 40 : i32
    %scan3A_3 = arith.addi %scan3A_1, %scan3A_2 : i32
    %scan3A_4 = arith.constant 1 : i32
    %scan3A_5 = scf.for %scan3A_32 = %scan3A_1 to %scan3A_3 step %scan3A_4 iter_args(%scan3A_33 = %scan3A) -> (i32)  : i32 {
      %broadcast_in_dim3A = arith.constant 0.000000e+00 : f32
      %broadcast_in_dim3A_34 = vector.broadcast %broadcast_in_dim3A : f32 to vector<16xf32>
      %mul3A_35 = arith.constant 16 : i32
      %mul3A_36 = arith.muli %scan3A_32, %mul3A_35 : i32
      %swap3A = arith.index_cast %mul3A_36 : i32 to index
      %swap3A_37 = tpu.vector_load %arg7[%swap3A] {strides = array<i32>} : memref<640xf32, #tpu.memory_space<vmem>>, vector<16xf32>,
      %swap3A_38 = vector.shape_cast %swap3A_37 : vector<16xf32> to vector<16xf32>
      %swap3A_39 = vector.shape_cast %broadcast_in_dim3A_34 : vector<16xf32> to vector<16xf32>
      tpu.vector_store %arg7[%swap3A], %swap3A_39 {strides = array<i32>} : memref<640xf32, #tpu.memory_space<vmem>>, vector<16xf32>,
      %scan3A_40 = arith.constant 0 : i32
      scf.yield %scan3A_40 : i32
    }
    %scan3A_6 = arith.constant 40 : i32
    %mul3A_7 = arith.constant 640 : i32
    %mul3A_8 = arith.muli %arg1, %mul3A_7 : i32
    "tpu.region"() ({
      %run_scoped3A = tpu.sem_alloc : memref<!tpu.dma_semaphore, #tpu.memory_space<semaphore_mem>>
      %dma_start3A = tpu.memref_slice %arg9[%mul3A_8] : memref<10240xf32, #tpu.memory_space<vmem_shared>> -> memref<640xf32, #tpu.memory_space<vmem_shared>>
      %dma_start3A_32 = tpu.memref_slice %arg9[%mul3A_8] : memref<10240xf32, #tpu.memory_space<vmem_shared>> -> memref<640xf32, #tpu.memory_space<vmem_shared>>
      tpu.enqueue_dma source(%arg7 : memref<640xf32, #tpu.memory_space<vmem>>) target(%dma_start3A_32 : memref<640xf32, #tpu.memory_space<vmem_shared>>) target_semaphore(%run_scoped3A : memref<!tpu.dma_semaphore, #tpu.memory_space<semaphore_mem>>)
      %dma_wait3A = tpu.memref_slice %arg9[%mul3A_8] : memref<10240xf32, #tpu.memory_space<vmem_shared>> -> memref<640xf32, #tpu.memory_space<vmem_shared>>
      %dma_wait3A_33 = tpu.memref_slice %arg9[%mul3A_8] : memref<10240xf32, #tpu.memory_space<vmem_shared>> -> memref<640xf32, #tpu.memory_space<vmem_shared>>
      tpu.wait_dma2 semaphore(%run_scoped3A : memref<!tpu.dma_semaphore, #tpu.memory_space<semaphore_mem>>) src(%arg7 : memref<640xf32, #tpu.memory_space<vmem>>) dst(%dma_wait3A_33 : memref<640xf32, #tpu.memory_space<vmem_shared>>)
      tpu.yield
    }) : () -> ()
    %mul3A_9 = arith.constant 80 : i32
    %mul3A_10 = arith.muli %add3A, %mul3A_9 : i32
    "tpu.region"() ({
      %run_scoped3A = tpu.sem_alloc : memref<!tpu.dma_semaphore, #tpu.memory_space<semaphore_mem>>
      %dma_start3A = arith.constant 0 : i32
      %dma_start3A_32 = tpu.memref_slice %arg2[%mul3A_10, %dma_start3A] : memref<2568x128xi32, #tpu.memory_space<hbm>> -> memref<80x128xi32, #tpu.memory_space<hbm>>
      %dma_start3A_33 = arith.constant 0 : i32
      %dma_start3A_34 = tpu.memref_slice %arg2[%mul3A_10, %dma_start3A_33] : memref<2568x128xi32, #tpu.memory_space<hbm>> -> memref<80x128xi32, #tpu.memory_space<hbm>>
      tpu.enqueue_dma source(%dma_start3A_34 : memref<80x128xi32, #tpu.memory_space<hbm>>) target(%arg5 : memref<80x128xi32, #tpu.memory_space<vmem>>) target_semaphore(%run_scoped3A : memref<!tpu.dma_semaphore, #tpu.memory_space<semaphore_mem>>)
      %dma_wait3A = arith.constant 0 : i32
      %dma_wait3A_35 = tpu.memref_slice %arg2[%mul3A_10, %dma_wait3A] : memref<2568x128xi32, #tpu.memory_space<hbm>> -> memref<80x128xi32, #tpu.memory_space<hbm>>
      %dma_wait3A_36 = arith.constant 0 : i32
      %dma_wait3A_37 = tpu.memref_slice %arg2[%mul3A_10, %dma_wait3A_36] : memref<2568x128xi32, #tpu.memory_space<hbm>> -> memref<80x128xi32, #tpu.memory_space<hbm>>
      tpu.wait_dma2 semaphore(%run_scoped3A : memref<!tpu.dma_semaphore, #tpu.memory_space<semaphore_mem>>) src(%dma_wait3A_37 : memref<80x128xi32, #tpu.memory_space<hbm>>) dst(%arg5 : memref<80x128xi32, #tpu.memory_space<vmem>>)
      tpu.yield
    }) : () -> ()
    %mul3A_11 = arith.constant 80 : i32
    %mul3A_12 = arith.muli %add3A, %mul3A_11 : i32
    "tpu.region"() ({
      %run_scoped3A = tpu.sem_alloc : memref<!tpu.dma_semaphore, #tpu.memory_space<semaphore_mem>>
      %dma_start3A = arith.constant 0 : i32
      %dma_start3A_32 = tpu.memref_slice %arg3[%mul3A_12, %dma_start3A] : memref<2568x128xf32, #tpu.memory_space<hbm>> -> memref<80x128xf32, #tpu.memory_space<hbm>>
      %dma_start3A_33 = arith.constant 0 : i32
      %dma_start3A_34 = tpu.memref_slice %arg3[%mul3A_12, %dma_start3A_33] : memref<2568x128xf32, #tpu.memory_space<hbm>> -> memref<80x128xf32, #tpu.memory_space<hbm>>
      tpu.enqueue_dma source(%dma_start3A_34 : memref<80x128xf32, #tpu.memory_space<hbm>>) target(%arg6 : memref<80x128xf32, #tpu.memory_space<vmem>>) target_semaphore(%run_scoped3A : memref<!tpu.dma_semaphore, #tpu.memory_space<semaphore_mem>>)
      %dma_wait3A = arith.constant 0 : i32
      %dma_wait3A_35 = tpu.memref_slice %arg3[%mul3A_12, %dma_wait3A] : memref<2568x128xf32, #tpu.memory_space<hbm>> -> memref<80x128xf32, #tpu.memory_space<hbm>>
      %dma_wait3A_36 = arith.constant 0 : i32
      %dma_wait3A_37 = tpu.memref_slice %arg3[%mul3A_12, %dma_wait3A_36] : memref<2568x128xf32, #tpu.memory_space<hbm>> -> memref<80x128xf32, #tpu.memory_space<hbm>>
      tpu.wait_dma2 semaphore(%run_scoped3A : memref<!tpu.dma_semaphore, #tpu.memory_space<semaphore_mem>>) src(%dma_wait3A_37 : memref<80x128xf32, #tpu.memory_space<hbm>>) dst(%arg6 : memref<80x128xf32, #tpu.memory_space<vmem>>)
      tpu.yield
    }) : () -> ()
    %scan3A_13 = arith.constant 0 : i32
    %scan3A_14 = arith.constant 0 : i32
    %scan3A_15 = arith.constant 80 : i32
    %scan3A_16 = arith.addi %scan3A_14, %scan3A_15 : i32
    %scan3A_17 = arith.constant 1 : i32
    %scan3A_18 = scf.for %scan3A_32 = %scan3A_14 to %scan3A_16 step %scan3A_17 iter_args(%scan3A_33 = %scan3A_13) -> (i32)  : i32 {
      %get3A = arith.index_cast %scan3A_32 : i32 to index
      %get3A_34 = arith.constant 0 : index
      %get3A_35 = tpu.vector_load %arg6[%get3A, %get3A_34] {strides = array<i32>} : memref<80x128xf32, #tpu.memory_space<vmem>>, vector<1x16xf32>,
      %get3A_36 = vector.shape_cast %get3A_35 : vector<1x16xf32> to vector<16xf32>
      %abs3A = math.absf %get3A_36 : vector<16xf32>
      %swap3A = arith.index_cast %scan3A_32 : i32 to index
      %swap3A_37 = arith.constant 0 : index
      %swap3A_38 = tpu.vector_load %arg6[%swap3A, %swap3A_37] {strides = array<i32>} : memref<80x128xf32, #tpu.memory_space<vmem>>, vector<1x16xf32>,
      %swap3A_39 = vector.shape_cast %swap3A_38 : vector<1x16xf32> to vector<16xf32>
      %swap3A_40 = vector.shape_cast %abs3A : vector<16xf32> to vector<1x16xf32>
      tpu.vector_store %arg6[%swap3A, %swap3A_37], %swap3A_40 {strides = array<i32>} : memref<80x128xf32, #tpu.memory_space<vmem>>, vector<1x16xf32>,
      %get3A_41 = arith.index_cast %scan3A_32 : i32 to index
      %get3A_42 = arith.constant 16 : index
      %get3A_43 = tpu.vector_load %arg6[%get3A_41, %get3A_42] {strides = array<i32>} : memref<80x128xf32, #tpu.memory_space<vmem>>, vector<1x16xf32>,
      %get3A_44 = vector.shape_cast %get3A_43 : vector<1x16xf32> to vector<16xf32>
      %abs3A_45 = math.absf %get3A_44 : vector<16xf32>
      %swap3A_46 = arith.index_cast %scan3A_32 : i32 to index
      %swap3A_47 = arith.constant 16 : index
      %swap3A_48 = tpu.vector_load %arg6[%swap3A_46, %swap3A_47] {strides = array<i32>} : memref<80x128xf32, #tpu.memory_space<vmem>>, vector<1x16xf32>,
      %swap3A_49 = vector.shape_cast %swap3A_48 : vector<1x16xf32> to vector<16xf32>
      %swap3A_50 = vector.shape_cast %abs3A_45 : vector<16xf32> to vector<1x16xf32>
      tpu.vector_store %arg6[%swap3A_46, %swap3A_47], %swap3A_50 {strides = array<i32>} : memref<80x128xf32, #tpu.memory_space<vmem>>, vector<1x16xf32>,
      %get3A_51 = arith.index_cast %scan3A_32 : i32 to index
      %get3A_52 = arith.constant 32 : index
      %get3A_53 = tpu.vector_load %arg6[%get3A_51, %get3A_52] {strides = array<i32>} : memref<80x128xf32, #tpu.memory_space<vmem>>, vector<1x16xf32>,
      %get3A_54 = vector.shape_cast %get3A_53 : vector<1x16xf32> to vector<16xf32>
      %abs3A_55 = math.absf %get3A_54 : vector<16xf32>
      %swap3A_56 = arith.index_cast %scan3A_32 : i32 to index
      %swap3A_57 = arith.constant 32 : index
      %swap3A_58 = tpu.vector_load %arg6[%swap3A_56, %swap3A_57] {strides = array<i32>} : memref<80x128xf32, #tpu.memory_space<vmem>>, vector<1x16xf32>,
      %swap3A_59 = vector.shape_cast %swap3A_58 : vector<1x16xf32> to vector<16xf32>
      %swap3A_60 = vector.shape_cast %abs3A_55 : vector<16xf32> to vector<1x16xf32>
      tpu.vector_store %arg6[%swap3A_56, %swap3A_57], %swap3A_60 {strides = array<i32>} : memref<80x128xf32, #tpu.memory_space<vmem>>, vector<1x16xf32>,
      %get3A_61 = arith.index_cast %scan3A_32 : i32 to index
      %get3A_62 = arith.constant 48 : index
      %get3A_63 = tpu.vector_load %arg6[%get3A_61, %get3A_62] {strides = array<i32>} : memref<80x128xf32, #tpu.memory_space<vmem>>, vector<1x16xf32>,
      %get3A_64 = vector.shape_cast %get3A_63 : vector<1x16xf32> to vector<16xf32>
      %abs3A_65 = math.absf %get3A_64 : vector<16xf32>
      %swap3A_66 = arith.index_cast %scan3A_32 : i32 to index
      %swap3A_67 = arith.constant 48 : index
      %swap3A_68 = tpu.vector_load %arg6[%swap3A_66, %swap3A_67] {strides = array<i32>} : memref<80x128xf32, #tpu.memory_space<vmem>>, vector<1x16xf32>,
      %swap3A_69 = vector.shape_cast %swap3A_68 : vector<1x16xf32> to vector<16xf32>
      %swap3A_70 = vector.shape_cast %abs3A_65 : vector<16xf32> to vector<1x16xf32>
      tpu.vector_store %arg6[%swap3A_66, %swap3A_67], %swap3A_70 {strides = array<i32>} : memref<80x128xf32, #tpu.memory_space<vmem>>, vector<1x16xf32>,
      %get3A_71 = arith.index_cast %scan3A_32 : i32 to index
      %get3A_72 = arith.constant 64 : index
      %get3A_73 = tpu.vector_load %arg6[%get3A_71, %get3A_72] {strides = array<i32>} : memref<80x128xf32, #tpu.memory_space<vmem>>, vector<1x16xf32>,
      %get3A_74 = vector.shape_cast %get3A_73 : vector<1x16xf32> to vector<16xf32>
      %abs3A_75 = math.absf %get3A_74 : vector<16xf32>
      %swap3A_76 = arith.index_cast %scan3A_32 : i32 to index
      %swap3A_77 = arith.constant 64 : index
      %swap3A_78 = tpu.vector_load %arg6[%swap3A_76, %swap3A_77] {strides = array<i32>} : memref<80x128xf32, #tpu.memory_space<vmem>>, vector<1x16xf32>,
      %swap3A_79 = vector.shape_cast %swap3A_78 : vector<1x16xf32> to vector<16xf32>
      %swap3A_80 = vector.shape_cast %abs3A_75 : vector<16xf32> to vector<1x16xf32>
      tpu.vector_store %arg6[%swap3A_76, %swap3A_77], %swap3A_80 {strides = array<i32>} : memref<80x128xf32, #tpu.memory_space<vmem>>, vector<1x16xf32>,
      %get3A_81 = arith.index_cast %scan3A_32 : i32 to index
      %get3A_82 = arith.constant 80 : index
      %get3A_83 = tpu.vector_load %arg6[%get3A_81, %get3A_82] {strides = array<i32>} : memref<80x128xf32, #tpu.memory_space<vmem>>, vector<1x16xf32>,
      %get3A_84 = vector.shape_cast %get3A_83 : vector<1x16xf32> to vector<16xf32>
      %abs3A_85 = math.absf %get3A_84 : vector<16xf32>
      %swap3A_86 = arith.index_cast %scan3A_32 : i32 to index
      %swap3A_87 = arith.constant 80 : index
      %swap3A_88 = tpu.vector_load %arg6[%swap3A_86, %swap3A_87] {strides = array<i32>} : memref<80x128xf32, #tpu.memory_space<vmem>>, vector<1x16xf32>,
      %swap3A_89 = vector.shape_cast %swap3A_88 : vector<1x16xf32> to vector<16xf32>
      %swap3A_90 = vector.shape_cast %abs3A_85 : vector<16xf32> to vector<1x16xf32>
      tpu.vector_store %arg6[%swap3A_86, %swap3A_87], %swap3A_90 {strides = array<i32>} : memref<80x128xf32, #tpu.memory_space<vmem>>, vector<1x16xf32>,
      %get3A_91 = arith.index_cast %scan3A_32 : i32 to index
      %get3A_92 = arith.constant 96 : index
      %get3A_93 = tpu.vector_load %arg6[%get3A_91, %get3A_92] {strides = array<i32>} : memref<80x128xf32, #tpu.memory_space<vmem>>, vector<1x16xf32>,
      %get3A_94 = vector.shape_cast %get3A_93 : vector<1x16xf32> to vector<16xf32>
      %abs3A_95 = math.absf %get3A_94 : vector<16xf32>
      %swap3A_96 = arith.index_cast %scan3A_32 : i32 to index
      %swap3A_97 = arith.constant 96 : index
      %swap3A_98 = tpu.vector_load %arg6[%swap3A_96, %swap3A_97] {strides = array<i32>} : memref<80x128xf32, #tpu.memory_space<vmem>>, vector<1x16xf32>,
      %swap3A_99 = vector.shape_cast %swap3A_98 : vector<1x16xf32> to vector<16xf32>
      %swap3A_100 = vector.shape_cast %abs3A_95 : vector<16xf32> to vector<1x16xf32>
      tpu.vector_store %arg6[%swap3A_96, %swap3A_97], %swap3A_100 {strides = array<i32>} : memref<80x128xf32, #tpu.memory_space<vmem>>, vector<1x16xf32>,
      %get3A_101 = arith.index_cast %scan3A_32 : i32 to index
      %get3A_102 = arith.constant 112 : index
      %get3A_103 = tpu.vector_load %arg6[%get3A_101, %get3A_102] {strides = array<i32>} : memref<80x128xf32, #tpu.memory_space<vmem>>, vector<1x16xf32>,
      %get3A_104 = vector.shape_cast %get3A_103 : vector<1x16xf32> to vector<16xf32>
      %abs3A_105 = math.absf %get3A_104 : vector<16xf32>
      %swap3A_106 = arith.index_cast %scan3A_32 : i32 to index
      %swap3A_107 = arith.constant 112 : index
      %swap3A_108 = tpu.vector_load %arg6[%swap3A_106, %swap3A_107] {strides = array<i32>} : memref<80x128xf32, #tpu.memory_space<vmem>>, vector<1x16xf32>,
      %swap3A_109 = vector.shape_cast %swap3A_108 : vector<1x16xf32> to vector<16xf32>
      %swap3A_110 = vector.shape_cast %abs3A_105 : vector<16xf32> to vector<1x16xf32>
      tpu.vector_store %arg6[%swap3A_106, %swap3A_107], %swap3A_110 {strides = array<i32>} : memref<80x128xf32, #tpu.memory_space<vmem>>, vector<1x16xf32>,
      %scan3A_111 = arith.constant 0 : i32
      scf.yield %scan3A_111 : i32
    }
    %scan3A_19 = arith.constant 80 : i32
    %barrier3A = arith.constant 0 : index
    tpu.barrier barrier_id(%barrier3A)
    %scan3A_20 = arith.constant 0 : i32
    %scan3A_21 = arith.constant 0 : i32
    %scan3A_22 = arith.constant 10 : i32
    %scan3A_23 = arith.addi %scan3A_21, %scan3A_22 : i32
    %scan3A_24 = arith.constant 1 : i32
    %scan3A_25 = scf.for %scan3A_32 = %scan3A_21 to %scan3A_23 step %scan3A_24 iter_args(%scan3A_33 = %scan3A_20) -> (i32)  : i32 {
      %mul3A_34 = arith.constant 8 : i32
      %mul3A_35 = arith.muli %mul3A_34, %scan3A_32 : i32
      %add3A_36 = arith.constant 0 : i32
      %add3A_37 = arith.addi %mul3A_35, %add3A_36 : i32
      %mul3A_38 = arith.constant 8 : i32
      %mul3A_39 = arith.muli %mul3A_38, %scan3A_32 : i32
      %add3A_40 = arith.constant 0 : i32
      %add3A_41 = arith.addi %mul3A_39, %add3A_40 : i32
      %dma_start3A = arith.constant 0 : i32
      %dma_start3A_42 = tpu.memref_slice %arg6[%add3A_37, %dma_start3A] : memref<80x128xf32, #tpu.memory_space<vmem>> -> memref<1x128xf32, #tpu.memory_space<vmem>>
      %dma_start3A_43 = tpu.memref_squeeze %dma_start3A_42 : memref<1x128xf32, #tpu.memory_space<vmem>> -> memref<128xf32, #tpu.memory_space<vmem>>
      %dma_start3A_44 = arith.constant 0 : i32
      %dma_start3A_45 = tpu.memref_slice %arg5[%add3A_41, %dma_start3A_44] : memref<80x128xi32, #tpu.memory_space<vmem>> -> memref<1x128xi32, #tpu.memory_space<vmem>>
      %dma_start3A_46 = tpu.memref_squeeze %dma_start3A_45 : memref<1x128xi32, #tpu.memory_space<vmem>> -> memref<128xi32, #tpu.memory_space<vmem>>
      %dma_start3A_47 = arith.constant 0 : i32
      %dma_start3A_48 = tpu.memref_slice %arg9[%dma_start3A_47] : memref<10240xf32, #tpu.memory_space<vmem_shared>> -> memref<10240xf32, #tpu.memory_space<vmem_shared>>
      tpu.enqueue_indirect_dma source(%dma_start3A_43 : memref<128xf32, #tpu.memory_space<vmem>>) target(%dma_start3A_48 : memref<10240xf32, #tpu.memory_space<vmem_shared>>) offsets(%dma_start3A_46 : memref<128xi32, #tpu.memory_space<vmem>>) semaphore(%arg8 : memref<!tpu.dma_semaphore, #tpu.memory_space<semaphore_mem>>) {add = true}
      %mul3A_49 = arith.constant 8 : i32
      %mul3A_50 = arith.muli %mul3A_49, %scan3A_32 : i32
      %add3A_51 = arith.constant 1 : i32
      %add3A_52 = arith.addi %mul3A_50, %add3A_51 : i32
      %mul3A_53 = arith.constant 8 : i32
      %mul3A_54 = arith.muli %mul3A_53, %scan3A_32 : i32
      %add3A_55 = arith.constant 1 : i32
      %add3A_56 = arith.addi %mul3A_54, %add3A_55 : i32
      %dma_start3A_57 = arith.constant 0 : i32
      %dma_start3A_58 = tpu.memref_slice %arg6[%add3A_52, %dma_start3A_57] : memref<80x128xf32, #tpu.memory_space<vmem>> -> memref<1x128xf32, #tpu.memory_space<vmem>>
      %dma_start3A_59 = tpu.memref_squeeze %dma_start3A_58 : memref<1x128xf32, #tpu.memory_space<vmem>> -> memref<128xf32, #tpu.memory_space<vmem>>
      %dma_start3A_60 = arith.constant 0 : i32
      %dma_start3A_61 = tpu.memref_slice %arg5[%add3A_56, %dma_start3A_60] : memref<80x128xi32, #tpu.memory_space<vmem>> -> memref<1x128xi32, #tpu.memory_space<vmem>>
      %dma_start3A_62 = tpu.memref_squeeze %dma_start3A_61 : memref<1x128xi32, #tpu.memory_space<vmem>> -> memref<128xi32, #tpu.memory_space<vmem>>
      %dma_start3A_63 = arith.constant 0 : i32
      %dma_start3A_64 = tpu.memref_slice %arg9[%dma_start3A_63] : memref<10240xf32, #tpu.memory_space<vmem_shared>> -> memref<10240xf32, #tpu.memory_space<vmem_shared>>
      tpu.enqueue_indirect_dma source(%dma_start3A_59 : memref<128xf32, #tpu.memory_space<vmem>>) target(%dma_start3A_64 : memref<10240xf32, #tpu.memory_space<vmem_shared>>) offsets(%dma_start3A_62 : memref<128xi32, #tpu.memory_space<vmem>>) semaphore(%arg8 : memref<!tpu.dma_semaphore, #tpu.memory_space<semaphore_mem>>) {add = true}
      %mul3A_65 = arith.constant 8 : i32
      %mul3A_66 = arith.muli %mul3A_65, %scan3A_32 : i32
      %add3A_67 = arith.constant 2 : i32
      %add3A_68 = arith.addi %mul3A_66, %add3A_67 : i32
      %mul3A_69 = arith.constant 8 : i32
      %mul3A_70 = arith.muli %mul3A_69, %scan3A_32 : i32
      %add3A_71 = arith.constant 2 : i32
      %add3A_72 = arith.addi %mul3A_70, %add3A_71 : i32
      %dma_start3A_73 = arith.constant 0 : i32
      %dma_start3A_74 = tpu.memref_slice %arg6[%add3A_68, %dma_start3A_73] : memref<80x128xf32, #tpu.memory_space<vmem>> -> memref<1x128xf32, #tpu.memory_space<vmem>>
      %dma_start3A_75 = tpu.memref_squeeze %dma_start3A_74 : memref<1x128xf32, #tpu.memory_space<vmem>> -> memref<128xf32, #tpu.memory_space<vmem>>
      %dma_start3A_76 = arith.constant 0 : i32
      %dma_start3A_77 = tpu.memref_slice %arg5[%add3A_72, %dma_start3A_76] : memref<80x128xi32, #tpu.memory_space<vmem>> -> memref<1x128xi32, #tpu.memory_space<vmem>>
      %dma_start3A_78 = tpu.memref_squeeze %dma_start3A_77 : memref<1x128xi32, #tpu.memory_space<vmem>> -> memref<128xi32, #tpu.memory_space<vmem>>
      %dma_start3A_79 = arith.constant 0 : i32
      %dma_start3A_80 = tpu.memref_slice %arg9[%dma_start3A_79] : memref<10240xf32, #tpu.memory_space<vmem_shared>> -> memref<10240xf32, #tpu.memory_space<vmem_shared>>
      tpu.enqueue_indirect_dma source(%dma_start3A_75 : memref<128xf32, #tpu.memory_space<vmem>>) target(%dma_start3A_80 : memref<10240xf32, #tpu.memory_space<vmem_shared>>) offsets(%dma_start3A_78 : memref<128xi32, #tpu.memory_space<vmem>>) semaphore(%arg8 : memref<!tpu.dma_semaphore, #tpu.memory_space<semaphore_mem>>) {add = true}
      %mul3A_81 = arith.constant 8 : i32
      %mul3A_82 = arith.muli %mul3A_81, %scan3A_32 : i32
      %add3A_83 = arith.constant 3 : i32
      %add3A_84 = arith.addi %mul3A_82, %add3A_83 : i32
      %mul3A_85 = arith.constant 8 : i32
      %mul3A_86 = arith.muli %mul3A_85, %scan3A_32 : i32
      %add3A_87 = arith.constant 3 : i32
      %add3A_88 = arith.addi %mul3A_86, %add3A_87 : i32
      %dma_start3A_89 = arith.constant 0 : i32
      %dma_start3A_90 = tpu.memref_slice %arg6[%add3A_84, %dma_start3A_89] : memref<80x128xf32, #tpu.memory_space<vmem>> -> memref<1x128xf32, #tpu.memory_space<vmem>>
      %dma_start3A_91 = tpu.memref_squeeze %dma_start3A_90 : memref<1x128xf32, #tpu.memory_space<vmem>> -> memref<128xf32, #tpu.memory_space<vmem>>
      %dma_start3A_92 = arith.constant 0 : i32
      %dma_start3A_93 = tpu.memref_slice %arg5[%add3A_88, %dma_start3A_92] : memref<80x128xi32, #tpu.memory_space<vmem>> -> memref<1x128xi32, #tpu.memory_space<vmem>>
      %dma_start3A_94 = tpu.memref_squeeze %dma_start3A_93 : memref<1x128xi32, #tpu.memory_space<vmem>> -> memref<128xi32, #tpu.memory_space<vmem>>
      %dma_start3A_95 = arith.constant 0 : i32
      %dma_start3A_96 = tpu.memref_slice %arg9[%dma_start3A_95] : memref<10240xf32, #tpu.memory_space<vmem_shared>> -> memref<10240xf32, #tpu.memory_space<vmem_shared>>
      tpu.enqueue_indirect_dma source(%dma_start3A_91 : memref<128xf32, #tpu.memory_space<vmem>>) target(%dma_start3A_96 : memref<10240xf32, #tpu.memory_space<vmem_shared>>) offsets(%dma_start3A_94 : memref<128xi32, #tpu.memory_space<vmem>>) semaphore(%arg8 : memref<!tpu.dma_semaphore, #tpu.memory_space<semaphore_mem>>) {add = true}
      %mul3A_97 = arith.constant 8 : i32
      %mul3A_98 = arith.muli %mul3A_97, %scan3A_32 : i32
      %add3A_99 = arith.constant 4 : i32
      %add3A_100 = arith.addi %mul3A_98, %add3A_99 : i32
      %mul3A_101 = arith.constant 8 : i32
      %mul3A_102 = arith.muli %mul3A_101, %scan3A_32 : i32
      %add3A_103 = arith.constant 4 : i32
      %add3A_104 = arith.addi %mul3A_102, %add3A_103 : i32
      %dma_start3A_105 = arith.constant 0 : i32
      %dma_start3A_106 = tpu.memref_slice %arg6[%add3A_100, %dma_start3A_105] : memref<80x128xf32, #tpu.memory_space<vmem>> -> memref<1x128xf32, #tpu.memory_space<vmem>>
      %dma_start3A_107 = tpu.memref_squeeze %dma_start3A_106 : memref<1x128xf32, #tpu.memory_space<vmem>> -> memref<128xf32, #tpu.memory_space<vmem>>
      %dma_start3A_108 = arith.constant 0 : i32
      %dma_start3A_109 = tpu.memref_slice %arg5[%add3A_104, %dma_start3A_108] : memref<80x128xi32, #tpu.memory_space<vmem>> -> memref<1x128xi32, #tpu.memory_space<vmem>>
      %dma_start3A_110 = tpu.memref_squeeze %dma_start3A_109 : memref<1x128xi32, #tpu.memory_space<vmem>> -> memref<128xi32, #tpu.memory_space<vmem>>
      %dma_start3A_111 = arith.constant 0 : i32
      %dma_start3A_112 = tpu.memref_slice %arg9[%dma_start3A_111] : memref<10240xf32, #tpu.memory_space<vmem_shared>> -> memref<10240xf32, #tpu.memory_space<vmem_shared>>
      tpu.enqueue_indirect_dma source(%dma_start3A_107 : memref<128xf32, #tpu.memory_space<vmem>>) target(%dma_start3A_112 : memref<10240xf32, #tpu.memory_space<vmem_shared>>) offsets(%dma_start3A_110 : memref<128xi32, #tpu.memory_space<vmem>>) semaphore(%arg8 : memref<!tpu.dma_semaphore, #tpu.memory_space<semaphore_mem>>) {add = true}
      %mul3A_113 = arith.constant 8 : i32
      %mul3A_114 = arith.muli %mul3A_113, %scan3A_32 : i32
      %add3A_115 = arith.constant 5 : i32
      %add3A_116 = arith.addi %mul3A_114, %add3A_115 : i32
      %mul3A_117 = arith.constant 8 : i32
      %mul3A_118 = arith.muli %mul3A_117, %scan3A_32 : i32
      %add3A_119 = arith.constant 5 : i32
      %add3A_120 = arith.addi %mul3A_118, %add3A_119 : i32
      %dma_start3A_121 = arith.constant 0 : i32
      %dma_start3A_122 = tpu.memref_slice %arg6[%add3A_116, %dma_start3A_121] : memref<80x128xf32, #tpu.memory_space<vmem>> -> memref<1x128xf32, #tpu.memory_space<vmem>>
      %dma_start3A_123 = tpu.memref_squeeze %dma_start3A_122 : memref<1x128xf32, #tpu.memory_space<vmem>> -> memref<128xf32, #tpu.memory_space<vmem>>
      %dma_start3A_124 = arith.constant 0 : i32
      %dma_start3A_125 = tpu.memref_slice %arg5[%add3A_120, %dma_start3A_124] : memref<80x128xi32, #tpu.memory_space<vmem>> -> memref<1x128xi32, #tpu.memory_space<vmem>>
      %dma_start3A_126 = tpu.memref_squeeze %dma_start3A_125 : memref<1x128xi32, #tpu.memory_space<vmem>> -> memref<128xi32, #tpu.memory_space<vmem>>
      %dma_start3A_127 = arith.constant 0 : i32
      %dma_start3A_128 = tpu.memref_slice %arg9[%dma_start3A_127] : memref<10240xf32, #tpu.memory_space<vmem_shared>> -> memref<10240xf32, #tpu.memory_space<vmem_shared>>
      tpu.enqueue_indirect_dma source(%dma_start3A_123 : memref<128xf32, #tpu.memory_space<vmem>>) target(%dma_start3A_128 : memref<10240xf32, #tpu.memory_space<vmem_shared>>) offsets(%dma_start3A_126 : memref<128xi32, #tpu.memory_space<vmem>>) semaphore(%arg8 : memref<!tpu.dma_semaphore, #tpu.memory_space<semaphore_mem>>) {add = true}
      %mul3A_129 = arith.constant 8 : i32
      %mul3A_130 = arith.muli %mul3A_129, %scan3A_32 : i32
      %add3A_131 = arith.constant 6 : i32
      %add3A_132 = arith.addi %mul3A_130, %add3A_131 : i32
      %mul3A_133 = arith.constant 8 : i32
      %mul3A_134 = arith.muli %mul3A_133, %scan3A_32 : i32
      %add3A_135 = arith.constant 6 : i32
      %add3A_136 = arith.addi %mul3A_134, %add3A_135 : i32
      %dma_start3A_137 = arith.constant 0 : i32
      %dma_start3A_138 = tpu.memref_slice %arg6[%add3A_132, %dma_start3A_137] : memref<80x128xf32, #tpu.memory_space<vmem>> -> memref<1x128xf32, #tpu.memory_space<vmem>>
      %dma_start3A_139 = tpu.memref_squeeze %dma_start3A_138 : memref<1x128xf32, #tpu.memory_space<vmem>> -> memref<128xf32, #tpu.memory_space<vmem>>
      %dma_start3A_140 = arith.constant 0 : i32
      %dma_start3A_141 = tpu.memref_slice %arg5[%add3A_136, %dma_start3A_140] : memref<80x128xi32, #tpu.memory_space<vmem>> -> memref<1x128xi32, #tpu.memory_space<vmem>>
      %dma_start3A_142 = tpu.memref_squeeze %dma_start3A_141 : memref<1x128xi32, #tpu.memory_space<vmem>> -> memref<128xi32, #tpu.memory_space<vmem>>
      %dma_start3A_143 = arith.constant 0 : i32
      %dma_start3A_144 = tpu.memref_slice %arg9[%dma_start3A_143] : memref<10240xf32, #tpu.memory_space<vmem_shared>> -> memref<10240xf32, #tpu.memory_space<vmem_shared>>
      tpu.enqueue_indirect_dma source(%dma_start3A_139 : memref<128xf32, #tpu.memory_space<vmem>>) target(%dma_start3A_144 : memref<10240xf32, #tpu.memory_space<vmem_shared>>) offsets(%dma_start3A_142 : memref<128xi32, #tpu.memory_space<vmem>>) semaphore(%arg8 : memref<!tpu.dma_semaphore, #tpu.memory_space<semaphore_mem>>) {add = true}
      %mul3A_145 = arith.constant 8 : i32
      %mul3A_146 = arith.muli %mul3A_145, %scan3A_32 : i32
      %add3A_147 = arith.constant 7 : i32
      %add3A_148 = arith.addi %mul3A_146, %add3A_147 : i32
      %mul3A_149 = arith.constant 8 : i32
      %mul3A_150 = arith.muli %mul3A_149, %scan3A_32 : i32
      %add3A_151 = arith.constant 7 : i32
      %add3A_152 = arith.addi %mul3A_150, %add3A_151 : i32
      %dma_start3A_153 = arith.constant 0 : i32
      %dma_start3A_154 = tpu.memref_slice %arg6[%add3A_148, %dma_start3A_153] : memref<80x128xf32, #tpu.memory_space<vmem>> -> memref<1x128xf32, #tpu.memory_space<vmem>>
      %dma_start3A_155 = tpu.memref_squeeze %dma_start3A_154 : memref<1x128xf32, #tpu.memory_space<vmem>> -> memref<128xf32, #tpu.memory_space<vmem>>
      %dma_start3A_156 = arith.constant 0 : i32
      %dma_start3A_157 = tpu.memref_slice %arg5[%add3A_152, %dma_start3A_156] : memref<80x128xi32, #tpu.memory_space<vmem>> -> memref<1x128xi32, #tpu.memory_space<vmem>>
      %dma_start3A_158 = tpu.memref_squeeze %dma_start3A_157 : memref<1x128xi32, #tpu.memory_space<vmem>> -> memref<128xi32, #tpu.memory_space<vmem>>
      %dma_start3A_159 = arith.constant 0 : i32
      %dma_start3A_160 = tpu.memref_slice %arg9[%dma_start3A_159] : memref<10240xf32, #tpu.memory_space<vmem_shared>> -> memref<10240xf32, #tpu.memory_space<vmem_shared>>
      tpu.enqueue_indirect_dma source(%dma_start3A_155 : memref<128xf32, #tpu.memory_space<vmem>>) target(%dma_start3A_160 : memref<10240xf32, #tpu.memory_space<vmem_shared>>) offsets(%dma_start3A_158 : memref<128xi32, #tpu.memory_space<vmem>>) semaphore(%arg8 : memref<!tpu.dma_semaphore, #tpu.memory_space<semaphore_mem>>) {add = true}
      %dma_wait3A = arith.constant 0 : i32
      %dma_wait3A_161 = arith.constant 0 : i32
      %dma_wait3A_162 = arith.constant 0 : i32
      %dma_wait3A_163 = tpu.memref_slice %arg6[%dma_wait3A_161, %dma_wait3A_162] : memref<80x128xf32, #tpu.memory_space<vmem>> -> memref<1x128xf32, #tpu.memory_space<vmem>>
      %dma_wait3A_164 = tpu.memref_squeeze %dma_wait3A_163 : memref<1x128xf32, #tpu.memory_space<vmem>> -> memref<128xf32, #tpu.memory_space<vmem>>
      %dma_wait3A_165 = arith.constant 0 : i32
      %dma_wait3A_166 = tpu.memref_slice %arg3[%dma_wait3A, %dma_wait3A_165] : memref<2568x128xf32, #tpu.memory_space<hbm>> -> memref<1x128xf32, #tpu.memory_space<hbm>>
      %dma_wait3A_167 = tpu.memref_squeeze %dma_wait3A_166 : memref<1x128xf32, #tpu.memory_space<hbm>> -> memref<128xf32, #tpu.memory_space<hbm>>
      %dma_wait3A_168 = arith.constant 0 : i32
      %dma_wait3A_169 = tpu.memref_slice %arg6[%dma_wait3A_161, %dma_wait3A_168] : memref<80x128xf32, #tpu.memory_space<vmem>> -> memref<1x128xf32, #tpu.memory_space<vmem>>
      %dma_wait3A_170 = tpu.memref_squeeze %dma_wait3A_169 : memref<1x128xf32, #tpu.memory_space<vmem>> -> memref<128xf32, #tpu.memory_space<vmem>>
      %dma_wait3A_171 = arith.constant 0 : i32
      %dma_wait3A_172 = tpu.memref_slice %arg3[%dma_wait3A, %dma_wait3A_171] : memref<2568x128xf32, #tpu.memory_space<hbm>> -> memref<1x128xf32, #tpu.memory_space<hbm>>
      %dma_wait3A_173 = tpu.memref_squeeze %dma_wait3A_172 : memref<1x128xf32, #tpu.memory_space<hbm>> -> memref<128xf32, #tpu.memory_space<hbm>>
      tpu.wait_dma2 semaphore(%arg8 : memref<!tpu.dma_semaphore, #tpu.memory_space<semaphore_mem>>) src(%dma_wait3A_173 : memref<128xf32, #tpu.memory_space<hbm>>) dst(%dma_wait3A_170 : memref<128xf32, #tpu.memory_space<vmem>>)
      %dma_wait3A_174 = arith.constant 0 : i32
      %dma_wait3A_175 = arith.constant 0 : i32
      %dma_wait3A_176 = arith.constant 0 : i32
      %dma_wait3A_177 = tpu.memref_slice %arg6[%dma_wait3A_175, %dma_wait3A_176] : memref<80x128xf32, #tpu.memory_space<vmem>> -> memref<1x128xf32, #tpu.memory_space<vmem>>
      %dma_wait3A_178 = tpu.memref_squeeze %dma_wait3A_177 : memref<1x128xf32, #tpu.memory_space<vmem>> -> memref<128xf32, #tpu.memory_space<vmem>>
      %dma_wait3A_179 = arith.constant 0 : i32
      %dma_wait3A_180 = tpu.memref_slice %arg3[%dma_wait3A_174, %dma_wait3A_179] : memref<2568x128xf32, #tpu.memory_space<hbm>> -> memref<1x128xf32, #tpu.memory_space<hbm>>
      %dma_wait3A_181 = tpu.memref_squeeze %dma_wait3A_180 : memref<1x128xf32, #tpu.memory_space<hbm>> -> memref<128xf32, #tpu.memory_space<hbm>>
      %dma_wait3A_182 = arith.constant 0 : i32
      %dma_wait3A_183 = tpu.memref_slice %arg6[%dma_wait3A_175, %dma_wait3A_182] : memref<80x128xf32, #tpu.memory_space<vmem>> -> memref<1x128xf32, #tpu.memory_space<vmem>>
      %dma_wait3A_184 = tpu.memref_squeeze %dma_wait3A_183 : memref<1x128xf32, #tpu.memory_space<vmem>> -> memref<128xf32, #tpu.memory_space<vmem>>
      %dma_wait3A_185 = arith.constant 0 : i32
      %dma_wait3A_186 = tpu.memref_slice %arg3[%dma_wait3A_174, %dma_wait3A_185] : memref<2568x128xf32, #tpu.memory_space<hbm>> -> memref<1x128xf32, #tpu.memory_space<hbm>>
      %dma_wait3A_187 = tpu.memref_squeeze %dma_wait3A_186 : memref<1x128xf32, #tpu.memory_space<hbm>> -> memref<128xf32, #tpu.memory_space<hbm>>
      tpu.wait_dma2 semaphore(%arg8 : memref<!tpu.dma_semaphore, #tpu.memory_space<semaphore_mem>>) src(%dma_wait3A_187 : memref<128xf32, #tpu.memory_space<hbm>>) dst(%dma_wait3A_184 : memref<128xf32, #tpu.memory_space<vmem>>)
      %dma_wait3A_188 = arith.constant 0 : i32
      %dma_wait3A_189 = arith.constant 0 : i32
      %dma_wait3A_190 = arith.constant 0 : i32
      %dma_wait3A_191 = tpu.memref_slice %arg6[%dma_wait3A_189, %dma_wait3A_190] : memref<80x128xf32, #tpu.memory_space<vmem>> -> memref<1x128xf32, #tpu.memory_space<vmem>>
      %dma_wait3A_192 = tpu.memref_squeeze %dma_wait3A_191 : memref<1x128xf32, #tpu.memory_space<vmem>> -> memref<128xf32, #tpu.memory_space<vmem>>
      %dma_wait3A_193 = arith.constant 0 : i32
      %dma_wait3A_194 = tpu.memref_slice %arg3[%dma_wait3A_188, %dma_wait3A_193] : memref<2568x128xf32, #tpu.memory_space<hbm>> -> memref<1x128xf32, #tpu.memory_space<hbm>>
      %dma_wait3A_195 = tpu.memref_squeeze %dma_wait3A_194 : memref<1x128xf32, #tpu.memory_space<hbm>> -> memref<128xf32, #tpu.memory_space<hbm>>
      %dma_wait3A_196 = arith.constant 0 : i32
      %dma_wait3A_197 = tpu.memref_slice %arg6[%dma_wait3A_189, %dma_wait3A_196] : memref<80x128xf32, #tpu.memory_space<vmem>> -> memref<1x128xf32, #tpu.memory_space<vmem>>
      %dma_wait3A_198 = tpu.memref_squeeze %dma_wait3A_197 : memref<1x128xf32, #tpu.memory_space<vmem>> -> memref<128xf32, #tpu.memory_space<vmem>>
      %dma_wait3A_199 = arith.constant 0 : i32
      %dma_wait3A_200 = tpu.memref_slice %arg3[%dma_wait3A_188, %dma_wait3A_199] : memref<2568x128xf32, #tpu.memory_space<hbm>> -> memref<1x128xf32, #tpu.memory_space<hbm>>
      %dma_wait3A_201 = tpu.memref_squeeze %dma_wait3A_200 : memref<1x128xf32, #tpu.memory_space<hbm>> -> memref<128xf32, #tpu.memory_space<hbm>>
      tpu.wait_dma2 semaphore(%arg8 : memref<!tpu.dma_semaphore, #tpu.memory_space<semaphore_mem>>) src(%dma_wait3A_201 : memref<128xf32, #tpu.memory_space<hbm>>) dst(%dma_wait3A_198 : memref<128xf32, #tpu.memory_space<vmem>>)
      %dma_wait3A_202 = arith.constant 0 : i32
      %dma_wait3A_203 = arith.constant 0 : i32
      %dma_wait3A_204 = arith.constant 0 : i32
      %dma_wait3A_205 = tpu.memref_slice %arg6[%dma_wait3A_203, %dma_wait3A_204] : memref<80x128xf32, #tpu.memory_space<vmem>> -> memref<1x128xf32, #tpu.memory_space<vmem>>
      %dma_wait3A_206 = tpu.memref_squeeze %dma_wait3A_205 : memref<1x128xf32, #tpu.memory_space<vmem>> -> memref<128xf32, #tpu.memory_space<vmem>>
      %dma_wait3A_207 = arith.constant 0 : i32
      %dma_wait3A_208 = tpu.memref_slice %arg3[%dma_wait3A_202, %dma_wait3A_207] : memref<2568x128xf32, #tpu.memory_space<hbm>> -> memref<1x128xf32, #tpu.memory_space<hbm>>
      %dma_wait3A_209 = tpu.memref_squeeze %dma_wait3A_208 : memref<1x128xf32, #tpu.memory_space<hbm>> -> memref<128xf32, #tpu.memory_space<hbm>>
      %dma_wait3A_210 = arith.constant 0 : i32
      %dma_wait3A_211 = tpu.memref_slice %arg6[%dma_wait3A_203, %dma_wait3A_210] : memref<80x128xf32, #tpu.memory_space<vmem>> -> memref<1x128xf32, #tpu.memory_space<vmem>>
      %dma_wait3A_212 = tpu.memref_squeeze %dma_wait3A_211 : memref<1x128xf32, #tpu.memory_space<vmem>> -> memref<128xf32, #tpu.memory_space<vmem>>
      %dma_wait3A_213 = arith.constant 0 : i32
      %dma_wait3A_214 = tpu.memref_slice %arg3[%dma_wait3A_202, %dma_wait3A_213] : memref<2568x128xf32, #tpu.memory_space<hbm>> -> memref<1x128xf32, #tpu.memory_space<hbm>>
      %dma_wait3A_215 = tpu.memref_squeeze %dma_wait3A_214 : memref<1x128xf32, #tpu.memory_space<hbm>> -> memref<128xf32, #tpu.memory_space<hbm>>
      tpu.wait_dma2 semaphore(%arg8 : memref<!tpu.dma_semaphore, #tpu.memory_space<semaphore_mem>>) src(%dma_wait3A_215 : memref<128xf32, #tpu.memory_space<hbm>>) dst(%dma_wait3A_212 : memref<128xf32, #tpu.memory_space<vmem>>)
      %dma_wait3A_216 = arith.constant 0 : i32
      %dma_wait3A_217 = arith.constant 0 : i32
      %dma_wait3A_218 = arith.constant 0 : i32
      %dma_wait3A_219 = tpu.memref_slice %arg6[%dma_wait3A_217, %dma_wait3A_218] : memref<80x128xf32, #tpu.memory_space<vmem>> -> memref<1x128xf32, #tpu.memory_space<vmem>>
      %dma_wait3A_220 = tpu.memref_squeeze %dma_wait3A_219 : memref<1x128xf32, #tpu.memory_space<vmem>> -> memref<128xf32, #tpu.memory_space<vmem>>
      %dma_wait3A_221 = arith.constant 0 : i32
      %dma_wait3A_222 = tpu.memref_slice %arg3[%dma_wait3A_216, %dma_wait3A_221] : memref<2568x128xf32, #tpu.memory_space<hbm>> -> memref<1x128xf32, #tpu.memory_space<hbm>>
      %dma_wait3A_223 = tpu.memref_squeeze %dma_wait3A_222 : memref<1x128xf32, #tpu.memory_space<hbm>> -> memref<128xf32, #tpu.memory_space<hbm>>
      %dma_wait3A_224 = arith.constant 0 : i32
      %dma_wait3A_225 = tpu.memref_slice %arg6[%dma_wait3A_217, %dma_wait3A_224] : memref<80x128xf32, #tpu.memory_space<vmem>> -> memref<1x128xf32, #tpu.memory_space<vmem>>
      %dma_wait3A_226 = tpu.memref_squeeze %dma_wait3A_225 : memref<1x128xf32, #tpu.memory_space<vmem>> -> memref<128xf32, #tpu.memory_space<vmem>>
      %dma_wait3A_227 = arith.constant 0 : i32
      %dma_wait3A_228 = tpu.memref_slice %arg3[%dma_wait3A_216, %dma_wait3A_227] : memref<2568x128xf32, #tpu.memory_space<hbm>> -> memref<1x128xf32, #tpu.memory_space<hbm>>
      %dma_wait3A_229 = tpu.memref_squeeze %dma_wait3A_228 : memref<1x128xf32, #tpu.memory_space<hbm>> -> memref<128xf32, #tpu.memory_space<hbm>>
      tpu.wait_dma2 semaphore(%arg8 : memref<!tpu.dma_semaphore, #tpu.memory_space<semaphore_mem>>) src(%dma_wait3A_229 : memref<128xf32, #tpu.memory_space<hbm>>) dst(%dma_wait3A_226 : memref<128xf32, #tpu.memory_space<vmem>>)
      %dma_wait3A_230 = arith.constant 0 : i32
      %dma_wait3A_231 = arith.constant 0 : i32
      %dma_wait3A_232 = arith.constant 0 : i32
      %dma_wait3A_233 = tpu.memref_slice %arg6[%dma_wait3A_231, %dma_wait3A_232] : memref<80x128xf32, #tpu.memory_space<vmem>> -> memref<1x128xf32, #tpu.memory_space<vmem>>
      %dma_wait3A_234 = tpu.memref_squeeze %dma_wait3A_233 : memref<1x128xf32, #tpu.memory_space<vmem>> -> memref<128xf32, #tpu.memory_space<vmem>>
      %dma_wait3A_235 = arith.constant 0 : i32
      %dma_wait3A_236 = tpu.memref_slice %arg3[%dma_wait3A_230, %dma_wait3A_235] : memref<2568x128xf32, #tpu.memory_space<hbm>> -> memref<1x128xf32, #tpu.memory_space<hbm>>
      %dma_wait3A_237 = tpu.memref_squeeze %dma_wait3A_236 : memref<1x128xf32, #tpu.memory_space<hbm>> -> memref<128xf32, #tpu.memory_space<hbm>>
      %dma_wait3A_238 = arith.constant 0 : i32
      %dma_wait3A_239 = tpu.memref_slice %arg6[%dma_wait3A_231, %dma_wait3A_238] : memref<80x128xf32, #tpu.memory_space<vmem>> -> memref<1x128xf32, #tpu.memory_space<vmem>>
      %dma_wait3A_240 = tpu.memref_squeeze %dma_wait3A_239 : memref<1x128xf32, #tpu.memory_space<vmem>> -> memref<128xf32, #tpu.memory_space<vmem>>
      %dma_wait3A_241 = arith.constant 0 : i32
      %dma_wait3A_242 = tpu.memref_slice %arg3[%dma_wait3A_230, %dma_wait3A_241] : memref<2568x128xf32, #tpu.memory_space<hbm>> -> memref<1x128xf32, #tpu.memory_space<hbm>>
      %dma_wait3A_243 = tpu.memref_squeeze %dma_wait3A_242 : memref<1x128xf32, #tpu.memory_space<hbm>> -> memref<128xf32, #tpu.memory_space<hbm>>
      tpu.wait_dma2 semaphore(%arg8 : memref<!tpu.dma_semaphore, #tpu.memory_space<semaphore_mem>>) src(%dma_wait3A_243 : memref<128xf32, #tpu.memory_space<hbm>>) dst(%dma_wait3A_240 : memref<128xf32, #tpu.memory_space<vmem>>)
      %dma_wait3A_244 = arith.constant 0 : i32
      %dma_wait3A_245 = arith.constant 0 : i32
      %dma_wait3A_246 = arith.constant 0 : i32
      %dma_wait3A_247 = tpu.memref_slice %arg6[%dma_wait3A_245, %dma_wait3A_246] : memref<80x128xf32, #tpu.memory_space<vmem>> -> memref<1x128xf32, #tpu.memory_space<vmem>>
      %dma_wait3A_248 = tpu.memref_squeeze %dma_wait3A_247 : memref<1x128xf32, #tpu.memory_space<vmem>> -> memref<128xf32, #tpu.memory_space<vmem>>
      %dma_wait3A_249 = arith.constant 0 : i32
      %dma_wait3A_250 = tpu.memref_slice %arg3[%dma_wait3A_244, %dma_wait3A_249] : memref<2568x128xf32, #tpu.memory_space<hbm>> -> memref<1x128xf32, #tpu.memory_space<hbm>>
      %dma_wait3A_251 = tpu.memref_squeeze %dma_wait3A_250 : memref<1x128xf32, #tpu.memory_space<hbm>> -> memref<128xf32, #tpu.memory_space<hbm>>
      %dma_wait3A_252 = arith.constant 0 : i32
      %dma_wait3A_253 = tpu.memref_slice %arg6[%dma_wait3A_245, %dma_wait3A_252] : memref<80x128xf32, #tpu.memory_space<vmem>> -> memref<1x128xf32, #tpu.memory_space<vmem>>
      %dma_wait3A_254 = tpu.memref_squeeze %dma_wait3A_253 : memref<1x128xf32, #tpu.memory_space<vmem>> -> memref<128xf32, #tpu.memory_space<vmem>>
      %dma_wait3A_255 = arith.constant 0 : i32
      %dma_wait3A_256 = tpu.memref_slice %arg3[%dma_wait3A_244, %dma_wait3A_255] : memref<2568x128xf32, #tpu.memory_space<hbm>> -> memref<1x128xf32, #tpu.memory_space<hbm>>
      %dma_wait3A_257 = tpu.memref_squeeze %dma_wait3A_256 : memref<1x128xf32, #tpu.memory_space<hbm>> -> memref<128xf32, #tpu.memory_space<hbm>>
      tpu.wait_dma2 semaphore(%arg8 : memref<!tpu.dma_semaphore, #tpu.memory_space<semaphore_mem>>) src(%dma_wait3A_257 : memref<128xf32, #tpu.memory_space<hbm>>) dst(%dma_wait3A_254 : memref<128xf32, #tpu.memory_space<vmem>>)
      %dma_wait3A_258 = arith.constant 0 : i32
      %dma_wait3A_259 = arith.constant 0 : i32
      %dma_wait3A_260 = arith.constant 0 : i32
      %dma_wait3A_261 = tpu.memref_slice %arg6[%dma_wait3A_259, %dma_wait3A_260] : memref<80x128xf32, #tpu.memory_space<vmem>> -> memref<1x128xf32, #tpu.memory_space<vmem>>
      %dma_wait3A_262 = tpu.memref_squeeze %dma_wait3A_261 : memref<1x128xf32, #tpu.memory_space<vmem>> -> memref<128xf32, #tpu.memory_space<vmem>>
      %dma_wait3A_263 = arith.constant 0 : i32
      %dma_wait3A_264 = tpu.memref_slice %arg3[%dma_wait3A_258, %dma_wait3A_263] : memref<2568x128xf32, #tpu.memory_space<hbm>> -> memref<1x128xf32, #tpu.memory_space<hbm>>
      %dma_wait3A_265 = tpu.memref_squeeze %dma_wait3A_264 : memref<1x128xf32, #tpu.memory_space<hbm>> -> memref<128xf32, #tpu.memory_space<hbm>>
      %dma_wait3A_266 = arith.constant 0 : i32
      %dma_wait3A_267 = tpu.memref_slice %arg6[%dma_wait3A_259, %dma_wait3A_266] : memref<80x128xf32, #tpu.memory_space<vmem>> -> memref<1x128xf32, #tpu.memory_space<vmem>>
      %dma_wait3A_268 = tpu.memref_squeeze %dma_wait3A_267 : memref<1x128xf32, #tpu.memory_space<vmem>> -> memref<128xf32, #tpu.memory_space<vmem>>
      %dma_wait3A_269 = arith.constant 0 : i32
      %dma_wait3A_270 = tpu.memref_slice %arg3[%dma_wait3A_258, %dma_wait3A_269] : memref<2568x128xf32, #tpu.memory_space<hbm>> -> memref<1x128xf32, #tpu.memory_space<hbm>>
      %dma_wait3A_271 = tpu.memref_squeeze %dma_wait3A_270 : memref<1x128xf32, #tpu.memory_space<hbm>> -> memref<128xf32, #tpu.memory_space<hbm>>
      tpu.wait_dma2 semaphore(%arg8 : memref<!tpu.dma_semaphore, #tpu.memory_space<semaphore_mem>>) src(%dma_wait3A_271 : memref<128xf32, #tpu.memory_space<hbm>>) dst(%dma_wait3A_268 : memref<128xf32, #tpu.memory_space<vmem>>)
      %scan3A_272 = arith.constant 0 : i32
      scf.yield %scan3A_272 : i32
    }
    %scan3A_26 = arith.constant 10 : i32
    %barrier3A_27 = arith.constant 0 : index
    tpu.barrier barrier_id(%barrier3A_27)
    %mul3A_28 = arith.constant 640 : i32
    %mul3A_29 = arith.muli %arg1, %mul3A_28 : i32
    %mul3A_30 = arith.constant 640 : i32
    %mul3A_31 = arith.muli %arg1, %mul3A_30 : i32
    "tpu.region"() ({
      %run_scoped3A = tpu.sem_alloc : memref<!tpu.dma_semaphore, #tpu.memory_space<semaphore_mem>>
      %dma_start3A = tpu.memref_slice %arg4[%arg0, %mul3A_31] : memref<2x10240xf32, #tpu.memory_space<hbm>> -> memref<1x640xf32, #tpu.memory_space<hbm>>
      %dma_start3A_32 = tpu.memref_squeeze %dma_start3A : memref<1x640xf32, #tpu.memory_space<hbm>> -> memref<640xf32, #tpu.memory_space<hbm>>
      %dma_start3A_33 = tpu.memref_slice %arg9[%mul3A_29] : memref<10240xf32, #tpu.memory_space<vmem_shared>> -> memref<640xf32, #tpu.memory_space<vmem_shared>>
      tpu.enqueue_dma source(%dma_start3A_33 : memref<640xf32, #tpu.memory_space<vmem_shared>>) target(%dma_start3A_32 : memref<640xf32, #tpu.memory_space<hbm>>) target_semaphore(%run_scoped3A : memref<!tpu.dma_semaphore, #tpu.memory_space<semaphore_mem>>)
      %dma_wait3A = tpu.memref_slice %arg4[%arg0, %mul3A_31] : memref<2x10240xf32, #tpu.memory_space<hbm>> -> memref<1x640xf32, #tpu.memory_space<hbm>>
      %dma_wait3A_34 = tpu.memref_squeeze %dma_wait3A : memref<1x640xf32, #tpu.memory_space<hbm>> -> memref<640xf32, #tpu.memory_space<hbm>>
      %dma_wait3A_35 = tpu.memref_slice %arg9[%mul3A_29] : memref<10240xf32, #tpu.memory_space<vmem_shared>> -> memref<640xf32, #tpu.memory_space<vmem_shared>>
      tpu.wait_dma2 semaphore(%run_scoped3A : memref<!tpu.dma_semaphore, #tpu.memory_space<semaphore_mem>>) src(%dma_wait3A_35 : memref<640xf32, #tpu.memory_space<vmem_shared>>) dst(%dma_wait3A_34 : memref<640xf32, #tpu.memory_space<hbm>>)
      tpu.yield
    }) : () -> ()
    return
  }
}

module attributes {stable_mosaic.version = 14 : i64} {
  func.func @_k1_body(%arg0: i32, %arg1: memref<512x128xf32, #tpu.memory_space<vmem>>, %arg2: memref<128x128xf32, #tpu.memory_space<vmem>>, %arg3: memref<512x2xf32, #tpu.memory_space<vmem>>, %arg4: memref<512x128xf32, #tpu.memory_space<vmem>>) attributes {dimension_semantics = [#tpu.dimension_semantics<arbitrary>], iteration_bounds = array<i64: 20>, scalar_prefetch = 0 : i64, scratch_operands = 0 : i64, tpu.core_type = #tpu.core_type<tc>, window_params = [{transform_indices = @transform_0, window_bounds = array<i64: 512, 128>}, {pipeline_mode = #tpu.pipeline_mode<synchronous>, transform_indices = @transform_1, window_bounds = array<i64: 128, 128>}, {transform_indices = @transform_2, window_bounds = array<i64: 512, 2>}, {transform_indices = @transform_3, window_bounds = array<i64: 512, 128>}]} {
    %get3A = arith.constant 0 : index
    %get3A_0 = arith.constant 0 : index
    %get3A_1 = vector.load %arg3[%get3A, %get3A_0] : memref<512x2xf32, #tpu.memory_space<vmem>>, vector<512x2xf32>
    %slice3A = vector.extract_strided_slice %get3A_1 {offsets = [0, 0], sizes = [512, 1], strides = [1, 1]} : vector<512x2xf32> to vector<512x1xf32>
    %squeeze3A = vector.shape_cast %slice3A : vector<512x1xf32> to vector<512xf32>
    %slice3A_2 = vector.extract_strided_slice %get3A_1 {offsets = [0, 1], sizes = [512, 1], strides = [1, 1]} : vector<512x2xf32> to vector<512x1xf32>
    %squeeze3A_3 = vector.shape_cast %slice3A_2 : vector<512x1xf32> to vector<512xf32>
    %add3A = arith.addf %squeeze3A, %squeeze3A_3 : vector<512xf32>
    %gt3A = arith.constant 0.000000e+00 : f32
    %gt3A_4 = vector.broadcast %gt3A : f32 to vector<512xf32>
    %gt3A_5 = arith.cmpf ogt, %add3A, %gt3A_4 : vector<512xf32>
    %gt3A_6 = arith.constant 0.000000e+00 : f32
    %gt3A_7 = vector.broadcast %gt3A_6 : f32 to vector<512xf32>
    %gt3A_8 = arith.cmpf ogt, %add3A, %gt3A_7 : vector<512xf32>
    %jit3A = arith.constant 1.000000e+00 : f32
    %broadcast_in_dim3A = vector.broadcast %jit3A : f32 to vector<512xf32>
    %select_n3A = arith.select %gt3A_8, %add3A, %broadcast_in_dim3A : vector<512xi1>, vector<512xf32>
    %rsqrt3A = math.rsqrt %select_n3A : vector<512xf32>
    %jit3A_9 = arith.constant 0.000000e+00 : f32
    %broadcast_in_dim3A_10 = vector.broadcast %jit3A_9 : f32 to vector<512xf32>
    %select_n3A_11 = arith.select %gt3A_5, %rsqrt3A, %broadcast_in_dim3A_10 : vector<512xi1>, vector<512xf32>
    %get3A_12 = arith.constant 0 : index
    %get3A_13 = arith.constant 0 : index
    %get3A_14 = vector.load %arg1[%get3A_12, %get3A_13] : memref<512x128xf32, #tpu.memory_space<vmem>>, vector<512x128xf32>
    %get3A_15 = arith.constant 0 : index
    %get3A_16 = arith.constant 0 : index
    %get3A_17 = vector.load %arg2[%get3A_15, %get3A_16] : memref<128x128xf32, #tpu.memory_space<vmem>>, vector<128x128xf32>
    %dot_general3A = arith.constant dense<0.000000e+00> : vector<512x128xf32>
    %dot_general3A_18 = tpu.matmul %get3A_14, %get3A_17, %dot_general3A {dimension_numbers = #tpu.dot_dimension_numbers<[1], [0], [0], [1], [0, 0, 1, 1], [], []>, transpose_lhs_hint = false} : vector<512x128xf32>, vector<128x128xf32>, vector<512x128xf32> -> vector<512x128xf32>
    %broadcast_in_dim3A_19 = vector.shape_cast %select_n3A_11 : vector<512xf32> to vector<512x1xf32>
    %mul3A = vector.broadcast %broadcast_in_dim3A_19 : vector<512x1xf32> to vector<512x128xf32>
    %mul3A_20 = arith.mulf %mul3A, %dot_general3A_18 : vector<512x128xf32>
    %swap3A = arith.constant 0 : index
    %swap3A_21 = arith.constant 0 : index
    %swap3A_22 = vector.load %arg4[%swap3A, %swap3A_21] : memref<512x128xf32, #tpu.memory_space<vmem>>, vector<512x128xf32>
    tpu.vector_store %arg4[%swap3A, %swap3A_21], %mul3A_20 {strides = array<i32>} : memref<512x128xf32, #tpu.memory_space<vmem>>, vector<512x128xf32>,
    return
  }
  func.func @transform_0(%arg0: i32) -> (i32, i32) {
    %c0_i32 = arith.constant 0 : i32
    %c0_i32_0 = arith.constant 0 : i32
    return %arg0, %c0_i32 : i32, i32
  }
  func.func @transform_1(%arg0: i32) -> (i32, i32) {
    %c0_i32 = arith.constant 0 : i32
    %c0_i32_0 = arith.constant 0 : i32
    %c0_i32_1 = arith.constant 0 : i32
    return %c0_i32, %c0_i32_0 : i32, i32
  }
  func.func @transform_2(%arg0: i32) -> (i32, i32) {
    %c0_i32 = arith.constant 0 : i32
    %c0_i32_0 = arith.constant 0 : i32
    return %arg0, %c0_i32 : i32, i32
  }
  func.func @transform_3(%arg0: i32) -> (i32, i32) {
    %c0_i32 = arith.constant 0 : i32
    %c0_i32_0 = arith.constant 0 : i32
    return %arg0, %c0_i32 : i32, i32
  }
}

module attributes {stable_mosaic.version = 14 : i64} {
  func.func @_k2_body(%arg0: i32, %arg1: memref<2x512x128xf32, #tpu.memory_space<vmem>>, %arg2: memref<512x2xf32, #tpu.memory_space<vmem>>, %arg3: memref<128x128xf32, #tpu.memory_space<vmem>>, %arg4: memref<128xf32, #tpu.memory_space<vmem>>, %arg5: memref<512x128xf32, #tpu.memory_space<vmem>>) attributes {dimension_semantics = [#tpu.dimension_semantics<arbitrary>], iteration_bounds = array<i64: 20>, scalar_prefetch = 0 : i64, scratch_operands = 0 : i64, tpu.core_type = #tpu.core_type<tc>, window_params = [{transform_indices = @transform_0, window_bounds = array<i64: 2, 512, 128>}, {transform_indices = @transform_1, window_bounds = array<i64: 512, 2>}, {pipeline_mode = #tpu.pipeline_mode<synchronous>, transform_indices = @transform_2, window_bounds = array<i64: 128, 128>}, {pipeline_mode = #tpu.pipeline_mode<synchronous>, transform_indices = @transform_3, window_bounds = array<i64: 128>}, {transform_indices = @transform_4, window_bounds = array<i64: 512, 128>}]} {
    %get3A = arith.constant 0 : index
    %get3A_0 = arith.constant 0 : index
    %get3A_1 = vector.load %arg2[%get3A, %get3A_0] : memref<512x2xf32, #tpu.memory_space<vmem>>, vector<512x2xf32>
    %slice3A = vector.extract_strided_slice %get3A_1 {offsets = [0, 0], sizes = [512, 1], strides = [1, 1]} : vector<512x2xf32> to vector<512x1xf32>
    %squeeze3A = vector.shape_cast %slice3A : vector<512x1xf32> to vector<512xf32>
    %slice3A_2 = vector.extract_strided_slice %get3A_1 {offsets = [0, 1], sizes = [512, 1], strides = [1, 1]} : vector<512x2xf32> to vector<512x1xf32>
    %squeeze3A_3 = vector.shape_cast %slice3A_2 : vector<512x1xf32> to vector<512xf32>
    %add3A = arith.addf %squeeze3A, %squeeze3A_3 : vector<512xf32>
    %gt3A = arith.constant 0.000000e+00 : f32
    %gt3A_4 = vector.broadcast %gt3A : f32 to vector<512xf32>
    %gt3A_5 = arith.cmpf ogt, %add3A, %gt3A_4 : vector<512xf32>
    %gt3A_6 = arith.constant 0.000000e+00 : f32
    %gt3A_7 = vector.broadcast %gt3A_6 : f32 to vector<512xf32>
    %gt3A_8 = arith.cmpf ogt, %add3A, %gt3A_7 : vector<512xf32>
    %jit3A = arith.constant 1.000000e+00 : f32
    %broadcast_in_dim3A = vector.broadcast %jit3A : f32 to vector<512xf32>
    %select_n3A = arith.select %gt3A_8, %add3A, %broadcast_in_dim3A : vector<512xi1>, vector<512xf32>
    %rsqrt3A = math.rsqrt %select_n3A : vector<512xf32>
    %jit3A_9 = arith.constant 0.000000e+00 : f32
    %broadcast_in_dim3A_10 = vector.broadcast %jit3A_9 : f32 to vector<512xf32>
    %select_n3A_11 = arith.select %gt3A_5, %rsqrt3A, %broadcast_in_dim3A_10 : vector<512xi1>, vector<512xf32>
    %get3A_12 = arith.constant 0 : index
    %get3A_13 = arith.constant 0 : index
    %get3A_14 = arith.constant 0 : index
    %get3A_15 = vector.load %arg1[%get3A_12, %get3A_13, %get3A_14] : memref<2x512x128xf32, #tpu.memory_space<vmem>>, vector<1x512x128xf32>
    %get3A_16 = vector.shape_cast %get3A_15 : vector<1x512x128xf32> to vector<512x128xf32>
    %get3A_17 = arith.constant 1 : index
    %get3A_18 = arith.constant 0 : index
    %get3A_19 = arith.constant 0 : index
    %get3A_20 = vector.load %arg1[%get3A_17, %get3A_18, %get3A_19] : memref<2x512x128xf32, #tpu.memory_space<vmem>>, vector<1x512x128xf32>
    %get3A_21 = vector.shape_cast %get3A_20 : vector<1x512x128xf32> to vector<512x128xf32>
    %add3A_22 = arith.addf %get3A_16, %get3A_21 : vector<512x128xf32>
    %broadcast_in_dim3A_23 = vector.shape_cast %select_n3A_11 : vector<512xf32> to vector<512x1xf32>
    %mul3A = vector.broadcast %broadcast_in_dim3A_23 : vector<512x1xf32> to vector<512x128xf32>
    %mul3A_24 = arith.mulf %mul3A, %add3A_22 : vector<512x128xf32>
    %get3A_25 = arith.constant 0 : index
    %get3A_26 = vector.load %arg4[%get3A_25] : memref<128xf32, #tpu.memory_space<vmem>>, vector<128xf32>
    %broadcast_in_dim3A_27 = vector.shape_cast %get3A_26 : vector<128xf32> to vector<1x128xf32>
    %add3A_28 = vector.broadcast %broadcast_in_dim3A_27 : vector<1x128xf32> to vector<512x128xf32>
    %add3A_29 = arith.addf %mul3A_24, %add3A_28 : vector<512x128xf32>
    %ge3A = arith.constant 0.000000e+00 : f32
    %ge3A_30 = vector.broadcast %ge3A : f32 to vector<512x128xf32>
    %ge3A_31 = arith.cmpf oge, %add3A_29, %ge3A_30 : vector<512x128xf32>
    %mul3A_32 = arith.constant 0.00999999977 : f32
    %mul3A_33 = vector.broadcast %mul3A_32 : f32 to vector<512x128xf32>
    %mul3A_34 = arith.mulf %mul3A_33, %add3A_29 : vector<512x128xf32>
    %select_n3A_35 = arith.select %ge3A_31, %add3A_29, %mul3A_34 : vector<512x128xi1>, vector<512x128xf32>
    %get3A_36 = arith.constant 0 : index
    %get3A_37 = arith.constant 0 : index
    %get3A_38 = vector.load %arg3[%get3A_36, %get3A_37] : memref<128x128xf32, #tpu.memory_space<vmem>>, vector<128x128xf32>
    %dot_general3A = arith.constant dense<0.000000e+00> : vector<512x128xf32>
    %dot_general3A_39 = tpu.matmul %select_n3A_35, %get3A_38, %dot_general3A {dimension_numbers = #tpu.dot_dimension_numbers<[1], [0], [0], [1], [0, 0, 1, 1], [], []>, transpose_lhs_hint = false} : vector<512x128xf32>, vector<128x128xf32>, vector<512x128xf32> -> vector<512x128xf32>
    %broadcast_in_dim3A_40 = vector.shape_cast %select_n3A_11 : vector<512xf32> to vector<512x1xf32>
    %mul3A_41 = vector.broadcast %broadcast_in_dim3A_40 : vector<512x1xf32> to vector<512x128xf32>
    %mul3A_42 = arith.mulf %mul3A_41, %dot_general3A_39 : vector<512x128xf32>
    %swap3A = arith.constant 0 : index
    %swap3A_43 = arith.constant 0 : index
    %swap3A_44 = vector.load %arg5[%swap3A, %swap3A_43] : memref<512x128xf32, #tpu.memory_space<vmem>>, vector<512x128xf32>
    tpu.vector_store %arg5[%swap3A, %swap3A_43], %mul3A_42 {strides = array<i32>} : memref<512x128xf32, #tpu.memory_space<vmem>>, vector<512x128xf32>,
    return
  }
  func.func @transform_0(%arg0: i32) -> (i32, i32, i32) {
    %c0_i32 = arith.constant 0 : i32
    %c0_i32_0 = arith.constant 0 : i32
    %c0_i32_1 = arith.constant 0 : i32
    return %c0_i32, %arg0, %c0_i32_0 : i32, i32, i32
  }
  func.func @transform_1(%arg0: i32) -> (i32, i32) {
    %c0_i32 = arith.constant 0 : i32
    %c0_i32_0 = arith.constant 0 : i32
    return %arg0, %c0_i32 : i32, i32
  }
  func.func @transform_2(%arg0: i32) -> (i32, i32) {
    %c0_i32 = arith.constant 0 : i32
    %c0_i32_0 = arith.constant 0 : i32
    %c0_i32_1 = arith.constant 0 : i32
    return %c0_i32, %c0_i32_0 : i32, i32
  }
  func.func @transform_3(%arg0: i32) -> i32 {
    %c0_i32 = arith.constant 0 : i32
    %c0_i32_0 = arith.constant 0 : i32
    return %c0_i32 : i32
  }
  func.func @transform_4(%arg0: i32) -> (i32, i32) {
    %c0_i32 = arith.constant 0 : i32
    %c0_i32_0 = arith.constant 0 : i32
    return %arg0, %c0_i32 : i32, i32
  }
}

module attributes {stable_mosaic.version = 14 : i64} {
  func.func @_k3_body(%arg0: memref<2x10240x128xf32, #tpu.memory_space<vmem>>, %arg1: memref<10240x2xf32, #tpu.memory_space<vmem>>, %arg2: memref<128xf32, #tpu.memory_space<vmem>>, %arg3: memref<1x10240xi32, #tpu.memory_space<vmem>>, %arg4: memref<128x2xf32, #tpu.memory_space<vmem>>, %arg5: memref<2xf32, #tpu.memory_space<vmem>>, %arg6: memref<16x2xf32, #tpu.memory_space<vmem>>) attributes {dimension_semantics = [], scalar_prefetch = 0 : i64, scratch_operands = 0 : i64, tpu.core_type = #tpu.core_type<tc>} {
    %get3A = arith.constant 0 : index
    %get3A_0 = arith.constant 0 : index
    %get3A_1 = vector.load %arg1[%get3A, %get3A_0] : memref<10240x2xf32, #tpu.memory_space<vmem>>, vector<10240x2xf32>
    %slice3A = vector.extract_strided_slice %get3A_1 {offsets = [0, 0], sizes = [10240, 1], strides = [1, 1]} : vector<10240x2xf32> to vector<10240x1xf32>
    %squeeze3A = vector.shape_cast %slice3A : vector<10240x1xf32> to vector<10240xf32>
    %slice3A_2 = vector.extract_strided_slice %get3A_1 {offsets = [0, 1], sizes = [10240, 1], strides = [1, 1]} : vector<10240x2xf32> to vector<10240x1xf32>
    %squeeze3A_3 = vector.shape_cast %slice3A_2 : vector<10240x1xf32> to vector<10240xf32>
    %add3A = arith.addf %squeeze3A, %squeeze3A_3 : vector<10240xf32>
    %gt3A = arith.constant 0.000000e+00 : f32
    %gt3A_4 = vector.broadcast %gt3A : f32 to vector<10240xf32>
    %gt3A_5 = arith.cmpf ogt, %add3A, %gt3A_4 : vector<10240xf32>
    %gt3A_6 = arith.constant 0.000000e+00 : f32
    %gt3A_7 = vector.broadcast %gt3A_6 : f32 to vector<10240xf32>
    %gt3A_8 = arith.cmpf ogt, %add3A, %gt3A_7 : vector<10240xf32>
    %jit3A = arith.constant 1.000000e+00 : f32
    %broadcast_in_dim3A = vector.broadcast %jit3A : f32 to vector<10240xf32>
    %select_n3A = arith.select %gt3A_8, %add3A, %broadcast_in_dim3A : vector<10240xi1>, vector<10240xf32>
    %rsqrt3A = math.rsqrt %select_n3A : vector<10240xf32>
    %jit3A_9 = arith.constant 0.000000e+00 : f32
    %broadcast_in_dim3A_10 = vector.broadcast %jit3A_9 : f32 to vector<10240xf32>
    %select_n3A_11 = arith.select %gt3A_5, %rsqrt3A, %broadcast_in_dim3A_10 : vector<10240xi1>, vector<10240xf32>
    %get3A_12 = arith.constant 0 : index
    %get3A_13 = arith.constant 0 : index
    %get3A_14 = arith.constant 0 : index
    %get3A_15 = vector.load %arg0[%get3A_12, %get3A_13, %get3A_14] : memref<2x10240x128xf32, #tpu.memory_space<vmem>>, vector<1x10240x128xf32>
    %get3A_16 = vector.shape_cast %get3A_15 : vector<1x10240x128xf32> to vector<10240x128xf32>
    %get3A_17 = arith.constant 1 : index
    %get3A_18 = arith.constant 0 : index
    %get3A_19 = arith.constant 0 : index
    %get3A_20 = vector.load %arg0[%get3A_17, %get3A_18, %get3A_19] : memref<2x10240x128xf32, #tpu.memory_space<vmem>>, vector<1x10240x128xf32>
    %get3A_21 = vector.shape_cast %get3A_20 : vector<1x10240x128xf32> to vector<10240x128xf32>
    %add3A_22 = arith.addf %get3A_16, %get3A_21 : vector<10240x128xf32>
    %broadcast_in_dim3A_23 = vector.shape_cast %select_n3A_11 : vector<10240xf32> to vector<10240x1xf32>
    %mul3A = vector.broadcast %broadcast_in_dim3A_23 : vector<10240x1xf32> to vector<10240x128xf32>
    %mul3A_24 = arith.mulf %mul3A, %add3A_22 : vector<10240x128xf32>
    %get3A_25 = arith.constant 0 : index
    %get3A_26 = vector.load %arg2[%get3A_25] : memref<128xf32, #tpu.memory_space<vmem>>, vector<128xf32>
    %broadcast_in_dim3A_27 = vector.shape_cast %get3A_26 : vector<128xf32> to vector<1x128xf32>
    %add3A_28 = vector.broadcast %broadcast_in_dim3A_27 : vector<1x128xf32> to vector<10240x128xf32>
    %add3A_29 = arith.addf %mul3A_24, %add3A_28 : vector<10240x128xf32>
    %ge3A = arith.constant 0.000000e+00 : f32
    %ge3A_30 = vector.broadcast %ge3A : f32 to vector<10240x128xf32>
    %ge3A_31 = arith.cmpf oge, %add3A_29, %ge3A_30 : vector<10240x128xf32>
    %mul3A_32 = arith.constant 0.00999999977 : f32
    %mul3A_33 = vector.broadcast %mul3A_32 : f32 to vector<10240x128xf32>
    %mul3A_34 = arith.mulf %mul3A_33, %add3A_29 : vector<10240x128xf32>
    %select_n3A_35 = arith.select %ge3A_31, %add3A_29, %mul3A_34 : vector<10240x128xi1>, vector<10240x128xf32>
    %iota3A = tpu.iota {dimensions = array<i32: 0>} : vector<16x10240xi32>
    %get3A_36 = arith.constant 0 : index
    %get3A_37 = arith.constant 0 : index
    %get3A_38 = vector.load %arg3[%get3A_36, %get3A_37] : memref<1x10240xi32, #tpu.memory_space<vmem>>, vector<1x10240xi32>
    %eq3A = vector.broadcast %get3A_38 : vector<1x10240xi32> to vector<16x10240xi32>
    %eq3A_39 = arith.cmpi eq, %eq3A, %iota3A : vector<16x10240xi32>
    %convert_element_type3A = arith.extui %eq3A_39 : vector<16x10240xi1> to vector<16x10240xi32>
    %convert_element_type3A_40 = arith.sitofp %convert_element_type3A : vector<16x10240xi32> to vector<16x10240xf32>
    %dot_general3A = arith.constant dense<0.000000e+00> : vector<16x128xf32>
    %dot_general3A_41 = tpu.matmul %convert_element_type3A_40, %select_n3A_35, %dot_general3A {dimension_numbers = #tpu.dot_dimension_numbers<[1], [0], [0], [1], [0, 0, 1, 1], [], []>, transpose_lhs_hint = false} : vector<16x10240xf32>, vector<10240x128xf32>, vector<16x128xf32> -> vector<16x128xf32>
    %reduce_sum3A = arith.constant dense<0.000000e+00> : vector<16xf32>
    %reduce_sum3A_42 = vector.multi_reduction <add>, %convert_element_type3A_40, %reduce_sum3A [1] : vector<16x10240xf32> to vector<16xf32>
    %max3A = arith.constant 1.000000e+00 : f32
    %max3A_43 = vector.broadcast %max3A : f32 to vector<16xf32>
    %max3A_44 = arith.maximumf %reduce_sum3A_42, %max3A_43 : vector<16xf32>
    %broadcast_in_dim3A_45 = vector.shape_cast %max3A_44 : vector<16xf32> to vector<16x1xf32>
    %div3A = vector.broadcast %broadcast_in_dim3A_45 : vector<16x1xf32> to vector<16x128xf32>
    %div3A_46 = arith.divf %dot_general3A_41, %div3A : vector<16x128xf32>
    %get3A_47 = arith.constant 0 : index
    %get3A_48 = arith.constant 0 : index
    %get3A_49 = vector.load %arg4[%get3A_47, %get3A_48] : memref<128x2xf32, #tpu.memory_space<vmem>>, vector<128x2xf32>
    %dot_general3A_50 = arith.constant dense<0.000000e+00> : vector<16x2xf32>
    %dot_general3A_51 = tpu.matmul %div3A_46, %get3A_49, %dot_general3A_50 {dimension_numbers = #tpu.dot_dimension_numbers<[1], [0], [0], [1], [0, 0, 1, 1], [], []>, transpose_lhs_hint = false} : vector<16x128xf32>, vector<128x2xf32>, vector<16x2xf32> -> vector<16x2xf32>
    %get3A_52 = arith.constant 0 : index
    %get3A_53 = vector.load %arg5[%get3A_52] : memref<2xf32, #tpu.memory_space<vmem>>, vector<2xf32>
    %broadcast_in_dim3A_54 = vector.shape_cast %get3A_53 : vector<2xf32> to vector<1x2xf32>
    %add3A_55 = vector.broadcast %broadcast_in_dim3A_54 : vector<1x2xf32> to vector<16x2xf32>
    %add3A_56 = arith.addf %dot_general3A_51, %add3A_55 : vector<16x2xf32>
    %swap3A = arith.constant 0 : index
    %swap3A_57 = arith.constant 0 : index
    %swap3A_58 = vector.load %arg6[%swap3A, %swap3A_57] : memref<16x2xf32, #tpu.memory_space<vmem>>, vector<16x2xf32>
    tpu.vector_store %arg6[%swap3A, %swap3A_57], %add3A_56 {strides = array<i32>} : memref<16x2xf32, #tpu.memory_space<vmem>>, vector<16x2xf32>,
    return
  }
}

</mosaic_0001>

<sc_bundles>
// kernel: kernel.11.cloned.1.call-start
scs
__scs_entry_jumppad:
0x0: {  	(pc) =	sbr.rel $0x88, $3  }
0x1: {  	(tag) =	ssettag $0x0;
	lr =	simm.s32 $0x1  }
0x2: {  	[smem:$0x3F97] =	sst lr;
	_ =	strace $0xD0000000  }
0x3: {  	_ = 	snop  }
0x4: {  	_ = 	snop  }
0x5: {  	_ = 	snop  }
0x6: {  	_ = 	snop  }
0x7: {  	_ = 	snop  }
__scs_overlays_trampoline_lowered:
0x8: {  	[smem:$0x3FA6] =	sst s0  }
0x9: {  	[smem:$0x3FA7] =	sst s1  }
0xa: {  	[smem:$0x3FA8] =	sst s2  }
0xb: {  	[smem:$0x3FA9] =	sst s3  }
0xc: {  	[smem:$0x3FAA] =	sst s4  }
0xd: {  	[smem:$0x3FAB] =	sst s5  }
0xe: {  	[smem:$0x3FAC] =	sst s6  }
0xf: {  	[smem:$0x3FAD] =	sst s7  }
0x10: {  	[smem:$0x3FAE] =	sst s8  }
0x11: {  	[smem:$0x3FAF] =	sst s9;
	s0 =	simm.s32 @!p0 $0x0  }
0x12: {  	s1 =	sld [smem:$0x3F95];
	s0 =	simm.s32 @p0 $0x1  }
0x13: {  	[smem:$0x3FB0] =	sst s0;
	s0 =	simm.s32 @!p1 $0x0  }
0x14: {  	s2 =	sld [smem:$0x3F94];
	s0 =	simm.s32 @p1 $0x1  }
0x15: {  	[smem:$0x3FB1] =	sst s0;
	s0 =	simm.s32 @!p2 $0x0  }
0x16: {  	s3 =	sld [smem:$0x3FDB];
	s0 =	simm.s32 @p2 $0x1  }
0x17: {  	s4 =	simm.s32 $0x1BF5;
	[smem:$0x3FB3] =	sst s0  }
0x18: {  	s0 =	sld [smem:$0x3F96];
	_ =	swait.ge [sflag:s4], $0x0  }
0x19: {  	s7 =	sld [smem:$0x3F97]  }
0x1a: {  	s8 =	sadd.s32 $0xFFFFE003, lr  }
0x1b: {  	s9 =	sadd.s32 $0xFFFFFEF7, lr;
	s5 =	simm.s32 $0xFFFFFFFF;
	p2 =	slt.u32 s8, $0xFFFFF086  }
0x1c: {  	p1 =	slt.u32 s9, $0xF7A;
	s5 =	simm.s32 @!p2 $0x0  }
0x1d: {  	s5 =	simm.s32 @p1 $0x1;
	p0 =	seq.s32 s7, s2  }
0x1e: {  	s7 =	smul.u32 @!p0 $0xF7A, s2;
	p2 =	seq.s32 @!p0 s5, $0x0  }
0x1f: {  	s9 =	smul.u32 $0xF7A, s1;
	s8 =	simm.s32 @!p0 $0x1BF5;
	p2 =	por !p2, p0  }
0x20: {  	[sflag:s8] =	ssyncset.s32 @!p0 $0xFFFFF086;
	s6 =	sadd.s32 @!p0 s3, s7;
	s7 =	simm.s32 @!p0 $0x108  }
0x21: {  	s3 =	sadd.s32 s3, s9;
	s6 =	sadd.s32 @!p0 $0x88, s6;
	s7 =	simm.s32 @p2 $0x1082  }
0x22: {  	[simem:s7], [sflag:s8] =	dma.local @!p0 [hbm:s6], $0xF7A  }
0x23: {  	s9 =	sor.u32 $0xD0000000, s2;
	s6 =	simm.s32 $0x108;
	_ =	swait.ge @!p0 [sflag:s8], $0x0  }
0x24: {  	s3 =	sadd.s32 $0x88, s3;
	s6 =	simm.s32 @!p1 $0x1082;
	[sflag:s4] =	ssyncset.s32 $0xFFFFF086  }
0x25: {  	[simem:s6], [sflag:s4] =	dma.local [hbm:s3], $0xF7A  }
0x26: {  	[smem:$0x3F97] =	sst s1;
	(tag) =	ssettag s2;
	_ =	strace s9  }
0x27: {  	s1 =	sld [smem:$0x3FA7]  }
0x28: {  	s2 =	sld [smem:$0x3FA8]  }
0x29: {  	s4 =	sld [smem:$0x3FAA]  }
0x2a: {  	p0 =	seq.s32 s5, $0x0;
	s5 =	sld [smem:$0x3FAB]  }
0x2b: {  	s6 =	sld [smem:$0x3FAC]  }
0x2c: {  	s7 =	sld [smem:$0x3FAD]  }
0x2d: {  	s3 =	simm.s32 $0x108;
	s8 =	sld [smem:$0x3FAE]  }
0x2e: {  	s3 =	simm.s32 @!p0 $0x1082;
	s9 =	sld [smem:$0x3FAF]  }
0x2f: {  	lr =	sadd.s32 s0, s3;
	s0 =	sld [smem:$0x3FA6]  }
0x30: {  	s3 =	sld [smem:$0x3FA9]  }
0x31: {  	[smem:$0x3FB2] =	sst s10  }
0x32: {  	s10 =	sld [smem:$0x3FB0];
	_ =	sdelay $0x3  }
0x33: {  	p0 =	seq.s32 s10, $0x1;
	s10 =	sld [smem:$0x3FB2];
	_ =	sdelay $0x3  }
0x34: {  	[smem:$0x3FB2] =	sst s10  }
0x35: {  	s10 =	sld [smem:$0x3FB1];
	_ =	sdelay $0x3  }
0x36: {  	p1 =	seq.s32 s10, $0x1;
	s10 =	sld [smem:$0x3FB2];
	_ =	sdelay $0x3  }
0x37: {  	[smem:$0x3FB2] =	sst s10  }
0x38: {  	s10 =	sld [smem:$0x3FB3]  }
0x39: {  	_ = 	snop;
	(pc) =	sbr.ind lr, $3  }
0x3a: {  	_ = 	snop  }
0x3b: {  	_ = 	snop  }
0x3c: {  	p2 =	seq.s32 s10, $0x1;
	s10 =	sld [smem:$0x3FB2]  }
0x3d: {  	_ =	shalt  }
0x3e: {  	_ =	shalt  }
0x3f: {  	_ =	shalt  }
0x40: {  	_ =	shalt  }
0x41: {  	_ =	shalt  }
0x42: {  	_ =	shalt  }
0x43: {  	_ =	shalt  }
0x44: {  	_ =	shalt  }
0x45: {  	_ =	shalt  }
0x46: {  	_ =	shalt  }
0x47: {  	_ =	shalt  }
0x48: {  	_ =	shalt  }
0x49: {  	_ =	shalt  }
0x4a: {  	_ =	shalt  }
0x4b: {  	_ =	shalt  }
0x4c: {  	_ =	shalt  }
0x4d: {  	_ =	shalt  }
0x4e: {  	_ =	shalt  }
0x4f: {  	_ =	shalt  }
0x50: {  	_ =	shalt  }
0x51: {  	_ =	shalt  }
0x52: {  	_ =	shalt  }
0x53: {  	_ =	shalt  }
0x54: {  	_ =	shalt  }
0x55: {  	_ =	shalt  }
0x56: {  	_ =	shalt  }
0x57: {  	_ =	shalt  }
0x58: {  	_ =	shalt  }
0x59: {  	_ =	shalt  }
0x5a: {  	_ =	shalt  }
0x5b: {  	_ =	shalt  }
0x5c: {  	_ =	shalt  }
0x5d: {  	_ =	shalt  }
0x5e: {  	_ =	shalt  }
0x5f: {  	_ =	shalt  }
0x60: {  	_ =	shalt  }
0x61: {  	_ =	shalt  }
0x62: {  	_ =	shalt  }
0x63: {  	_ =	shalt  }
0x64: {  	_ =	shalt  }
0x65: {  	_ =	shalt  }
0x66: {  	_ =	shalt  }
0x67: {  	_ =	shalt  }
0x68: {  	_ =	shalt  }
0x69: {  	_ =	shalt  }
0x6a: {  	_ =	shalt  }
0x6b: {  	_ =	shalt  }
0x6c: {  	_ =	shalt  }
0x6d: {  	_ =	shalt  }
0x6e: {  	_ =	shalt  }
0x6f: {  	_ =	shalt  }
0x70: {  	_ =	shalt  }
0x71: {  	_ =	shalt  }
0x72: {  	_ =	shalt  }
0x73: {  	_ =	shalt  }
0x74: {  	_ =	shalt  }
0x75: {  	_ =	shalt  }
0x76: {  	_ =	shalt  }
0x77: {  	_ =	shalt  }
0x78: {  	_ =	shalt  }
0x79: {  	_ =	shalt  }
0x7a: {  	_ =	shalt  }
0x7b: {  	_ =	shalt  }
0x7c: {  	_ =	shalt  }
0x7d: {  	_ =	shalt  }
0x7e: {  	_ =	shalt  }
0x7f: {  	_ =	shalt  }
0x80: {  	_ =	shalt  }
0x81: {  	_ =	shalt  }
0x82: {  	_ =	shalt  }
0x83: {  	_ =	shalt  }
0x84: {  	_ =	shalt  }
0x85: {  	_ =	shalt  }
0x86: {  	_ =	shalt  }
0x87: {  	_ =	shalt  }
.Lfunc_end0:
.L_simem_size_0:
called_computation.1_lowered:
.L_overlay_start_0:
0x88: {  	s2 =	sld [smem:$0x3FD9]  }
0x89: {  	s3 =	sld [smem:$0x3FFE];
	_ =	sdelay $0x1  }
0x8a: {  	s1 =	srdreg.scid  }
0x8b: {  	s0 =	sand.u32 $0x1, s1  }
0x8c: {  	s16 =	sshll.u32 s0, $0xA;
	s2 =	sadd.s32 s3, s2  }
0x8d: {  	s2 =	sadd.s32 s2, s16  }
0x8e: {  	[smem:$0x3FBE] =	sst s2  }
0x8f: {  	_ = 	snop  }
0x90: {  	(tm) =	ssettm $0x1  }
0x91: {  	s17 =	sld [smem:$0x3FFB];
	_ =	sdelay $0x3  }
0x92: {  	_ =	strace s17  }
0x93: {  	s2 =	sld [smem:$0x3FFC];
	_ =	sdelay $0x3  }
0x94: {  	_ =	strace s2  }
0x95: {  	s2 =	sld [smem:$0x3FFD];
	_ =	sdelay $0x3  }
0x96: {  	_ =	strace s2  }
0x97: {  	_ =	strace $0x8FFFFFFF  }
0x98: {  	s18 =	sld [smem:$0x3FDB];
	_ =	sdelay $0x1  }
0x99: {  	s19 =	simm.s32 $_scs_section_size  }
0x9a: {  	s4 =	simm.s32 $_size__tile_overlayer_lowered;
	s5 =	simm.s32 $_tile_overlayer_lowered  }
0x9b: {  	s22 =	simm.s32 $0x1BFF;
	s21 =	sshll.u32 s5, $0x1;
	s2 =	sadd.s32 s19, s18  }
0x9c: {  	s6 =	simm.s32 $0x0;
	s20 =	sshll.u32 s4, $0x1;
	s4 =	sadd.s32 s21, s2  }
0x9d: {  	[timem:s6], [sflag:s22] =	dma.local [hbm:s4], s20  }
0x9e: {  	_ =	swait.ge [sflag:s22], s20  }
0x9f: {  	s3 =	ssub.s32 $0x0, s20;
	[sflag:s22] =	ssyncset.done $0x0  }
0xa0: {  	[sflag:s22] =	ssyncadd.s32 s3;
	_ =	sdelay $0x1  }
0xa1: {  	s23 =	simm.s32 $0x1B8B  }
0xa2: {  	_ =	swait.ge [sflag:s23], $0x1  }
0xa3: {  	[sflag:s23] =	ssyncset.done $0x0  }
0xa4: {  	s25 =	simm.s32 $0x1B8E;
	s24 =	sld [smem:$0x3FFE];
	[sflag:s23] =	ssyncadd.s32 $0xFFFFFFFF  }
0xa5: {  	s26 =	simm.s32 $execute0_lowered;
	[smem:$0x3FD2] =	sst s25  }
0xa6: {  	s4 =	sshll.u32 s26, $0x1;
	_ =	strace $0x80000049;
	[dreg:$0x1] =	wrdreg $0xFFFFFFFF  }
0xa7: {  	s28 =	simm.s32 $_size_execute0_lowered;
	s2 =	sadd.s32 s2, s4;
	[dreg:$0x0] =	wrdreg $0x0  }
0xa8: {  	s4 =	sshll.u32 s28, $0x1;
	[dreg:$0x2] =	wrdreg s2  }
0xa9: {  	[dreg:$0x3] =	wrdreg s4  }
0xaa: {  	[dreg:$0x4] =	wrdreg $0xC0  }
0xab: {  	_ =	task [dreg:s6], $0x5FFFF  }
0xac: {  	[dreg:$0x1] =	wrdreg $0xFFFFFFFF  }
0xad: {  	[dreg:$0x0] =	wrdreg $0x60  }
0xae: {  	[dreg:$0x2] =	wrdreg s24  }
0xaf: {  	[dreg:$0x3] =	wrdreg $0xA8000  }
0xb0: {  	[dreg:$0x4] =	wrdreg $0x9  }
0xb1: {  	_ =	task.clear_ibuf [dreg:s6], $0x5FFFF;
	_ =	strace $0x90000049  }
0xb2: {  	s29 =	simm.s32 $0x9;
	_ =	strace $0x8000004B  }
0xb3: {  	_ =	swait.ge [sflag:s29], $0x1  }
0xb4: {  	[sflag:s29] =	ssyncadd.s32 $0xFFFFFFFF  }
0xb5: {  	_ =	strace $0x9000004B  }
0xb6: {  	_ =	sfence  }
0xb7: {  	s30 =	sld [smem:$0x0];
	_ =	sdelay $0x2  }
0xb8: {  	s31 =	sshll.u32 s1, $0xD;
	s1 =	sshrl.u32 s1, $0x2  }
0xb9: {  	s3 =	sand.u32 $0x4000, s31;
	s1 =	sadd.s32 s1, s30  }
0xba: {  	s0 =	sor.u32 s3, s0;
	s1 =	sshll.u32 s1, $0x11  }
0xbb: {  	s0 =	sor.u32 s1, s0  }
0xbc: {  	s0 =	sadd.s32 $0x8F2B, s0  }
0xbd: {  	[sflag:s0] =	ssyncadd.remote.s32 $0x1  }
0xbe: {  	_ =	sfence.sel $0xFFFF  }
0xbf: {  	[dreg:$0x0] =	wrdreg $0xFFFFFFFF;
	(pc) =	sbr.abs _section_cstart, $3  }
0xc0: {  	[dreg:$0x1] =	wrdreg $0xFFFFFFFF  }
0xc1: {  	_ =	task.clear_ibuf [dreg:s6], $0x2FFFF;
	_ =	strace $0x9FFFFFFF  }
0xc2: {  	(tm) =	ssettm $0x7FFFFFFF  }
0xc3: {  	_ =	shalt  }
tec
execute0_lowered:
.L_overlay_start_1:
0x0: {  	(tag) =	ssettag $0x1  }
0x1: {  	s0 =	rddreg [dreg:$0x0]  }
0x2: {  	s1 =	rddreg [dreg:$0x1];
	s3 =	simm.s32 $0x0;
	s2 =	srdreg.scid  }
0x3: {  	s10 =	stileid.u32;
	s20 =	simm.s32 $0x2;
	s21 =	simm.s32 $0x3  }
0x4: {  	s22 =	simm.s32 $0x1400;
	s28 =	simm.s32 $0x2680;
	s29 =	simm.s32 $0x1380  }
0x5: {  	s30 =	simm.s32 $0x2700;
	s31 =	simm.s32 $0x2780;
	[smem:$0x7FF] =	sst s3  }
0x6: {  	s2 =	sand.u32 $0x1, s2;
	s4 =	sadd.s32 $0x20600, s0;
	s8 =	smul.u32 $0x50000, s10  }
0x7: {  	s5 =	sadd.s32 $0x16400, s0;
	s12 =	smul.u32 $0x14000, s10;
	s6 =	sadd.s32 $0xC200, s0  }
0x8: {  	s0 =	sadd.s32 $0x48600, s0;
	s23 =	sshll.u32 s10, $0x1;
	_ =	strace $0x8000004A  }
0x9: {  	s7 =	ssub.s32 $0x2, s2;
	s15 =	sor.u32 s2, s23;
	s2 =	smul.u32 $0x140000, s2  }
0xa: {  	s23 =	simm.s32 $0x80;
	s9 =	sshrl.u32 s7, $0x1;
	s8 =	sshrl.u32 s8, $0x2  }
0xb: {  	s14 =	sadd.s32 $0x4000, s12;
	s16 =	sadd.s32 $0x8000, s12;
	s17 =	sadd.s32 $0xC000, s12  }
0xc: {  	s18 =	sadd.s32 $0x10000, s12;
	s13 =	ssub.s32 s7, s9;
	s7 =	sadd.s32 s8, s1  }
0xd: {  	s8 =	sadd.s32 s14, s1;
	s9 =	sadd.s32 s16, s1;
	s10 =	sadd.s32 s17, s1  }
0xe: {  	s11 =	sadd.s32 s18, s1;
	s19 =	sadd.s32 s12, s2;
	s14 =	sadd.s32 s2, s14  }
0xf: {  	s12 =	smul.u32 $0x50, s15;
	s25 =	sadd.s32 s2, s16;
	s26 =	sadd.s32 s2, s17  }
0x10: {  	s2 =	sadd.s32 s2, s18;
	s24 =	sshrl.u32 s19, $0x3;
	s14 =	sshrl.u32 s14, $0x3  }
0x11: {  	s16 =	sshrl.u32 s26, $0x3;
	s2 =	sshrl.u32 s2, $0x3;
	s18 =	smax.u32 s13, $0x1  }
0x12: {  	s19 =	simm.s32 $0x2800;
	s26 =	simm.s32 $0x1300;
	s15 =	sadd.s32 s0, s24  }
0x13: {  	s14 =	sadd.s32 s0, s14;
	s16 =	sadd.s32 s0, s16;
	s17 =	sadd.s32 s0, s2  }
0x14: {  	s24 =	simm.s32 $0x6800;
	[dreg:$0x3] =	wrdreg s15;
	s15 =	sshrl.u32 s25, $0x3  }
0x15: {  	v0 =	vimm.f32 $0.0e+00;
	[dreg:$0x4] =	wrdreg s14;
	s25 =	simm.s32 $0x1;
	s15 =	sadd.s32 s0, s15  }
.LBB2_1:
0x16: {  	s0 =	simm.s32 $0x0;
	s2 =	simm.s32 $0x200  }
.LBB2_2:
0x17: {  	p0 =	sne.s32 s2, $0xFE00;
	[tilespmem:s0+$0x2870] =	vst v0  }
0x18: {  	[tilespmem:s0+$0x2800] =	vst v0  }
0x19: {  	[tilespmem:s0+$0x2810] =	vst v0  }
.Ltmp0:
0x1a: {  	[tilespmem:s0+$0x2820] =	vst v0;
	(pc) =	sbr.rel @p0 .LBB2_2-.Ltmp0, $4  }
0x1b: {  	[tilespmem:s0+$0x2830] =	vst v0  }
0x1c: {  	[tilespmem:s0+$0x2840] =	vst v0  }
0x1d: {  	[tilespmem:s0+$0x2850] =	vst v0  }
0x1e: {  	[tilespmem:s0+$0x2860] =	vst v0;
	s0 =	sshra.s32 s2, $0x2;
	s2 =	sadd.s32 $0x200, s2  }
0x1f: {  	[tilespmem:s0+$0x2870] =	vst v0  }
0x20: {  	[tilespmem:s0+$0x2800] =	vst v0  }
0x21: {  	[tilespmem:s0+$0x2810] =	vst v0  }
0x22: {  	[tilespmem:s0+$0x2820] =	vst v0  }
0x23: {  	[tilespmem:s0+$0x2830] =	vst v0  }
0x24: {  	[tilespmem:s0+$0x2840] =	vst v0  }
0x25: {  	[tilespmem:s0+$0x2850] =	vst v0  }
0x26: {  	[tilespmem:s0+$0x2860] =	vst v0  }
0x27: {  	[spmem:s7] =	stream.linear.scatter [tilespmem:s19], [sflag:$0x2], $0x4000, $0x38;
	[tilespmem:$0x1E800] =	vst v63  }
0x28: {  	_ = 	snop  }
0x29: {  	[spmem:s8] =	stream.linear.scatter [tilespmem:s19], [sflag:$0x2], $0x4000, $0x38;
	[tilespmem:$0x1E800] =	vst v63  }
0x2a: {  	_ = 	snop  }
0x2b: {  	[spmem:s9] =	stream.linear.scatter [tilespmem:s19], [sflag:$0x2], $0x4000, $0x38;
	[tilespmem:$0x1E800] =	vst v63  }
0x2c: {  	_ = 	snop  }
0x2d: {  	[spmem:s10] =	stream.linear.scatter [tilespmem:s19], [sflag:$0x2], $0x4000, $0x38;
	[tilespmem:$0x1E800] =	vst v63  }
0x2e: {  	_ = 	snop  }
0x2f: {  	[spmem:s11] =	stream.linear.scatter [tilespmem:s19], [sflag:$0x2], $0x4000, $0x38;
	[tilespmem:$0x1E800] =	vst v63  }
0x30: {  	_ =	swait.ge [sflag:s20], $0x4000  }
0x31: {  	[sflag:s20] =	ssyncset.done $0x0  }
0x32: {  	[sflag:s20] =	ssyncadd.s32 $0xFFFFC000  }
0x33: {  	_ =	swait.ge [sflag:s20], $0x4000  }
0x34: {  	[sflag:s20] =	ssyncset.done $0x0  }
0x35: {  	[sflag:s20] =	ssyncadd.s32 $0xFFFFC000  }
0x36: {  	_ =	swait.ge [sflag:s20], $0x4000  }
0x37: {  	[sflag:s20] =	ssyncset.done $0x0  }
0x38: {  	[sflag:s20] =	ssyncadd.s32 $0xFFFFC000  }
0x39: {  	_ =	swait.ge [sflag:s20], $0x4000  }
0x3a: {  	[sflag:s20] =	ssyncset.done $0x0  }
0x3b: {  	[sflag:s20] =	ssyncadd.s32 $0xFFFFC000  }
0x3c: {  	_ =	swait.ge [sflag:s20], $0x4000  }
0x3d: {  	[sflag:s20] =	ssyncset.done $0x0  }
0x3e: {  	s0 =	simm.s32 $0x0;
	[sflag:s20] =	ssyncadd.s32 $0xFFFFC000  }
0x3f: {  	p1 =	por $0x1, $0x1;
	s2 =	simm.s32 $0x0;
	[bflag:$0x0] =	sbarrier.arrive $0xFFFF  }
.LBB2_4:
0x40: {  	s2 =	sadd.s32 s12, s2  }
0x41: {  	s2 =	sshll.u32 s2, $0x4  }
0x42: {  	s13 =	sadd.s32 s5, s2  }
0x43: {  	[tilespmem:s0], [sflag:$0x3] =	stream.linear.gather [hbm4b:s13+s0], $0x1400, $0x38;
	[tilespmem:$0x1E800] =	vst v63  }
0x44: {  	_ =	swait.ge [sflag:s21], $0x1400  }
0x45: {  	[sflag:s21] =	ssyncset.done $0x0  }
0x46: {  	s2 =	sadd.s32 s6, s2;
	[sflag:s21] =	ssyncadd.s32 $0xFFFFEC00  }
0x47: {  	[tilespmem:s22], [sflag:$0x3] =	stream.linear.gather [hbm4b:s2+s0], $0x1400, $0x38;
	[tilespmem:$0x1E800] =	vst v63  }
0x48: {  	_ =	swait.ge [sflag:s21], $0x1400  }
0x49: {  	[sflag:s21] =	ssyncset.done $0x0  }
0x4a: {  	[sflag:s21] =	ssyncadd.s32 $0xFFFFEC00  }
0x4b: {  	[tilespmem:s19], [sflag:$0x1] =	stream.indirect.gather [hbm4b:s4+s23], $0x80, s0, s23, $0xb8;
	[tilespmem:$0x1E800] =	vst v63  }
0x4c: {  	_ = 	snop  }
0x4d: {  	[tilespmem:s24], [sflag:$0x1] =	stream.indirect.gather [hbm4b:s4+s23], $0x80, s23, s23, $0xb8;
	[tilespmem:$0x1E800] =	vst v63  }
0x4e: {  	_ =	swait.ge [sflag:s25], $0x4000  }
0x4f: {  	[sflag:s25] =	ssyncset.done $0x0  }
0x50: {  	[sflag:s25] =	ssyncadd.s32 $0xFFFFC000  }
0x51: {  	[spmem:s1] =	stream.indirect.scatter.add.f32 [tilespmem:s19], [sflag:$0x2], $0x80, s22, s23, $0xb8;
	[tilespmem:$0x1E800] =	vst v63  }
0x52: {  	_ =	swait.ge [sflag:s20], $0x4000  }
0x53: {  	[sflag:s20] =	ssyncset.done $0x0  }
0x54: {  	s14 =	simm.s32 $0x100;
	[sflag:s20] =	ssyncadd.s32 $0xFFFFC000  }
0x55: {  	[tilespmem:s19], [sflag:$0x1] =	stream.indirect.gather [hbm4b:s4+s23], $0x80, s14, s23, $0xb8;
	[tilespmem:$0x1E800] =	vst v63  }
0x56: {  	_ =	swait.ge [sflag:s25], $0x4000  }
0x57: {  	[sflag:s25] =	ssyncset.done $0x0  }
0x58: {  	s13 =	simm.s32 $0x1480;
	[sflag:s25] =	ssyncadd.s32 $0xFFFFC000  }
0x59: {  	[spmem:s1] =	stream.indirect.scatter.add.f32 [tilespmem:s24], [sflag:$0x2], $0x80, s13, s23, $0xb8;
	[tilespmem:$0x1E800] =	vst v63  }
0x5a: {  	_ =	swait.ge [sflag:s20], $0x4000  }
0x5b: {  	[sflag:s20] =	ssyncset.done $0x0  }
0x5c: {  	s14 =	simm.s32 $0x180;
	[sflag:s20] =	ssyncadd.s32 $0xFFFFC000  }
0x5d: {  	[tilespmem:s24], [sflag:$0x1] =	stream.indirect.gather [hbm4b:s4+s23], $0x80, s14, s23, $0xb8;
	[tilespmem:$0x1E800] =	vst v63  }
0x5e: {  	_ =	swait.ge [sflag:s25], $0x4000  }
0x5f: {  	[sflag:s25] =	ssyncset.done $0x0  }
0x60: {  	s13 =	simm.s32 $0x1500;
	[sflag:s25] =	ssyncadd.s32 $0xFFFFC000  }
0x61: {  	[spmem:s1] =	stream.indirect.scatter.add.f32 [tilespmem:s19], [sflag:$0x2], $0x80, s13, s23, $0xb8;
	[tilespmem:$0x1E800] =	vst v63  }
0x62: {  	_ =	swait.ge [sflag:s20], $0x4000  }
0x63: {  	[sflag:s20] =	ssyncset.done $0x0  }
0x64: {  	s14 =	simm.s32 $0x200;
	[sflag:s20] =	ssyncadd.s32 $0xFFFFC000  }
0x65: {  	[tilespmem:s19], [sflag:$0x1] =	stream.indirect.gather [hbm4b:s4+s23], $0x80, s14, s23, $0xb8;
	[tilespmem:$0x1E800] =	vst v63  }
0x66: {  	_ =	swait.ge [sflag:s25], $0x4000  }
0x67: {  	[sflag:s25] =	ssyncset.done $0x0  }
0x68: {  	s13 =	simm.s32 $0x1580;
	[sflag:s25] =	ssyncadd.s32 $0xFFFFC000  }
0x69: {  	[spmem:s1] =	stream.indirect.scatter.add.f32 [tilespmem:s24], [sflag:$0x2], $0x80, s13, s23, $0xb8;
	[tilespmem:$0x1E800] =	vst v63  }
0x6a: {  	_ =	swait.ge [sflag:s20], $0x4000  }
0x6b: {  	[sflag:s20] =	ssyncset.done $0x0  }
0x6c: {  	s14 =	simm.s32 $0x280;
	[sflag:s20] =	ssyncadd.s32 $0xFFFFC000  }
0x6d: {  	[tilespmem:s24], [sflag:$0x1] =	stream.indirect.gather [hbm4b:s4+s23], $0x80, s14, s23, $0xb8;
	[tilespmem:$0x1E800] =	vst v63  }
0x6e: {  	_ =	swait.ge [sflag:s25], $0x4000  }
0x6f: {  	p0 =	por p1, p1;
	[sflag:s25] =	ssyncset.done $0x0  }
0x70: {  	s2 =	simm.s32 $0x800;
	s13 =	simm.s32 $0x1600;
	[sflag:s25] =	ssyncadd.s32 $0xFFFFC000  }
.LBB2_5:
0x71: {  	[spmem:s1] =	stream.indirect.scatter.add.f32 [tilespmem:s19], [sflag:$0x2], $0x80, s13, s23, $0xb8;
	[tilespmem:$0x1E800] =	vst v63  }
0x72: {  	s13 =	smov.u32 s2  }
0x73: {  	p1 =	sne.s32 s2, $0x4000;
	s2 =	sadd.s32 $0x800, s2;
	_ =	swait.ge [sflag:s20], $0x4000  }
0x74: {  	s13 =	sshra.s32 s13, $0x2;
	[sflag:s20] =	ssyncset.done $0x0  }
0x75: {  	s14 =	sadd.s32 $0x100, s13;
	[sflag:s20] =	ssyncadd.s32 $0xFFFFC000  }
0x76: {  	[tilespmem:s19], [sflag:$0x1] =	stream.indirect.gather [hbm4b:s4+s23], $0x80, s14, s23, $0xb8;
	[tilespmem:$0x1E800] =	vst v63  }
0x77: {  	_ =	swait.ge [sflag:s25], $0x4000  }
0x78: {  	[sflag:s25] =	ssyncset.done $0x0  }
0x79: {  	s14 =	sadd.s32 $0x1480, s13;
	[sflag:s25] =	ssyncadd.s32 $0xFFFFC000  }
0x7a: {  	[spmem:s1] =	stream.indirect.scatter.add.f32 [tilespmem:s24], [sflag:$0x2], $0x80, s14, s23, $0xb8;
	[tilespmem:$0x1E800] =	vst v63  }
0x7b: {  	_ =	swait.ge [sflag:s20], $0x4000  }
0x7c: {  	[sflag:s20] =	ssyncset.done $0x0  }
0x7d: {  	s14 =	sadd.s32 $0x180, s13;
	[sflag:s20] =	ssyncadd.s32 $0xFFFFC000  }
0x7e: {  	[tilespmem:s24], [sflag:$0x1] =	stream.indirect.gather [hbm4b:s4+s23], $0x80, s14, s23, $0xb8;
	[tilespmem:$0x1E800] =	vst v63  }
0x7f: {  	_ =	swait.ge [sflag:s25], $0x4000  }
0x80: {  	[sflag:s25] =	ssyncset.done $0x0  }
0x81: {  	s14 =	sadd.s32 $0x1500, s13;
	[sflag:s25] =	ssyncadd.s32 $0xFFFFC000  }
0x82: {  	[spmem:s1] =	stream.indirect.scatter.add.f32 [tilespmem:s19], [sflag:$0x2], $0x80, s14, s23, $0xb8;
	[tilespmem:$0x1E800] =	vst v63  }
0x83: {  	_ =	swait.ge [sflag:s20], $0x4000  }
0x84: {  	[sflag:s20] =	ssyncset.done $0x0  }
0x85: {  	s14 =	sadd.s32 $0x200, s13;
	[sflag:s20] =	ssyncadd.s32 $0xFFFFC000  }
0x86: {  	[tilespmem:s19], [sflag:$0x1] =	stream.indirect.gather [hbm4b:s4+s23], $0x80, s14, s23, $0xb8;
	[tilespmem:$0x1E800] =	vst v63  }
0x87: {  	_ =	swait.ge [sflag:s25], $0x4000  }
0x88: {  	[sflag:s25] =	ssyncset.done $0x0  }
0x89: {  	s14 =	sadd.s32 $0x1580, s13;
	[sflag:s25] =	ssyncadd.s32 $0xFFFFC000  }
0x8a: {  	[spmem:s1] =	stream.indirect.scatter.add.f32 [tilespmem:s24], [sflag:$0x2], $0x80, s14, s23, $0xb8;
	[tilespmem:$0x1E800] =	vst v63  }
0x8b: {  	_ =	swait.ge [sflag:s20], $0x4000  }
0x8c: {  	[sflag:s20] =	ssyncset.done $0x0  }
.Ltmp1:
0x8d: {  	s14 =	sadd.s32 $0x280, s13;
	[sflag:s20] =	ssyncadd.s32 $0xFFFFC000;
	(pc) =	sbr.rel @p1 .LBB2_5-.Ltmp1, $4  }
0x8e: {  	[tilespmem:s24], [sflag:$0x1] =	stream.indirect.gather [hbm4b:s4+s23], $0x80, s14, s23, $0xb8;
	[tilespmem:$0x1E800] =	vst v63  }
0x8f: {  	_ =	swait.ge [sflag:s25], $0x4000  }
0x90: {  	[sflag:s25] =	ssyncset.done $0x0  }
0x91: {  	s13 =	sadd.s32 $0x1600, s13;
	[sflag:s25] =	ssyncadd.s32 $0xFFFFC000  }
0x92: {  	[spmem:s1] =	stream.indirect.scatter.add.f32 [tilespmem:s19], [sflag:$0x2], $0x80, s13, s23, $0xb8;
	[tilespmem:$0x1E800] =	vst v63  }
0x93: {  	_ =	swait.ge [sflag:s20], $0x4000  }
0x94: {  	[sflag:s20] =	ssyncset.done $0x0  }
0x95: {  	[sflag:s20] =	ssyncadd.s32 $0xFFFFC000  }
0x96: {  	[tilespmem:s19], [sflag:$0x1] =	stream.indirect.gather [hbm4b:s4+s23], $0x80, s26, s23, $0xb8;
	[tilespmem:$0x1E800] =	vst v63  }
0x97: {  	_ =	swait.ge [sflag:s25], $0x4000  }
0x98: {  	[sflag:s25] =	ssyncset.done $0x0  }
0x99: {  	[sflag:s25] =	ssyncadd.s32 $0xFFFFC000  }
0x9a: {  	[spmem:s1] =	stream.indirect.scatter.add.f32 [tilespmem:s24], [sflag:$0x2], $0x80, s28, s23, $0xb8;
	[tilespmem:$0x1E800] =	vst v63  }
0x9b: {  	_ =	swait.ge [sflag:s20], $0x4000  }
0x9c: {  	[sflag:s20] =	ssyncset.done $0x0  }
0x9d: {  	[sflag:s20] =	ssyncadd.s32 $0xFFFFC000  }
0x9e: {  	[tilespmem:s24], [sflag:$0x1] =	stream.indirect.gather [hbm4b:s4+s23], $0x80, s29, s23, $0xb8;
	[tilespmem:$0x1E800] =	vst v63  }
0x9f: {  	_ =	swait.ge [sflag:s25], $0x4000  }
0xa0: {  	[sflag:s25] =	ssyncset.done $0x0  }
0xa1: {  	[sflag:s25] =	ssyncadd.s32 $0xFFFFC000  }
0xa2: {  	[spmem:s1] =	stream.indirect.scatter.add.f32 [tilespmem:s19], [sflag:$0x2], $0x80, s30, s23, $0xb8;
	[tilespmem:$0x1E800] =	vst v63  }
0xa3: {  	_ =	swait.ge [sflag:s20], $0x4000  }
0xa4: {  	[sflag:s20] =	ssyncset.done $0x0  }
0xa5: {  	[sflag:s20] =	ssyncadd.s32 $0xFFFFC000  }
0xa6: {  	_ =	swait.ge [sflag:s25], $0x4000  }
0xa7: {  	[sflag:s25] =	ssyncset.done $0x0  }
.Ltmp2:
0xa8: {  	[sflag:s25] =	ssyncadd.s32 $0xFFFFC000;
	(pc) =	sbr.rel @p0 .LBB2_4-.Ltmp2, $4  }
0xa9: {  	[spmem:s1] =	stream.indirect.scatter.add.f32 [tilespmem:s24], [sflag:$0x2], $0x80, s31, s23, $0xb8;
	[tilespmem:$0x1E800] =	vst v63  }
0xaa: {  	_ =	swait.ge [sflag:s20], $0x4000  }
0xab: {  	[sflag:s20] =	ssyncset.done $0x0  }
0xac: {  	s2 =	simm.s32 $0x28;
	p1 =	por $0x0, $0x0;
	[sflag:s20] =	ssyncadd.s32 $0xFFFFC000  }
0xad: {  	s0 =	stileid.u32  }
0xae: {  	[bflag:$0x0] =	sbarrier.arrive $0xFFFF;
	s0 =	sshll.u32 s0, $0x6  }
0xaf: {  	s2 =	sshrl.u32 s7, $0x3;
	s13 =	rddreg [dreg:$0x3];
	s0 =	sor.u32 $0x1C02, s0  }
0xb0: {  	[hbm:s13], [sflag:s0] =	dma.local [spmem:s2], $0x800  }
0xb1: {  	s14 =	sshrl.u32 s8, $0x3;
	s13 =	rddreg [dreg:$0x4]  }
0xb2: {  	[hbm:s13], [sflag:s0] =	dma.local [spmem:s14], $0x800  }
0xb3: {  	s14 =	sshrl.u32 s9, $0x3  }
0xb4: {  	[hbm:s15], [sflag:s0] =	dma.local [spmem:s14], $0x800  }
0xb5: {  	s13 =	sshrl.u32 s10, $0x3;
	s14 =	sshrl.u32 s11, $0x3  }
0xb6: {  	[hbm:s16], [sflag:s0] =	dma.local [spmem:s13], $0x800  }
0xb7: {  	[hbm:s17], [sflag:s0] =	dma.local [spmem:s14], $0x800  }
0xb8: {  	_ =	swait.ge [sflag:s20], $0x800  }
0xb9: {  	[sflag:s20] =	ssyncset.done $0x0  }
0xba: {  	[sflag:s20] =	ssyncadd.s32 $0xFFFFF800  }
0xbb: {  	_ =	swait.ge [sflag:s20], $0x800  }
0xbc: {  	[sflag:s20] =	ssyncset.done $0x0  }
0xbd: {  	[sflag:s20] =	ssyncadd.s32 $0xFFFFF800  }
0xbe: {  	_ =	swait.ge [sflag:s20], $0x800  }
0xbf: {  	[sflag:s20] =	ssyncset.done $0x0  }
0xc0: {  	s3 =	sadd.s32 $0x1, s3;
	[sflag:s20] =	ssyncadd.s32 $0xFFFFF800  }
0xc1: {  	p0 =	sne.s32 s3, s18;
	_ =	swait.ge [sflag:s20], $0x800  }
.Ltmp3:
0xc2: {  	[sflag:s20] =	ssyncset.done $0x0;
	(pc) =	sbr.rel @p0 .LBB2_1-.Ltmp3, $4  }
0xc3: {  	[sflag:s20] =	ssyncadd.s32 $0xFFFFF800  }
0xc4: {  	_ =	swait.ge [sflag:s20], $0x800  }
0xc5: {  	[sflag:s20] =	ssyncset.done $0x0  }
0xc6: {  	[sflag:s20] =	ssyncadd.s32 $0xFFFFF800  }
0xc7: {  	_ =	sfence.sel $0x180000  }
0xc8: {  	[bflag:$0x0] =	sbarrier.arrive $0xFFFF  }
0xc9: {  	_ =	strace $0x9000004A  }
0xca: {  	s0 =	stileid.u32;
	[bflag:$0x2] =	sbarrier.arrive $0xFFFF  }
0xcb: {  	p0 =	sne.s32 s0, $0x0;
	s0 =	rddreg [dreg:$0x2]  }
0xcc: {  	s0 =	sadd.s32 @!p0 $0x100000, s0  }
0xcd: {  	[sflag:s0] =	ssyncadd.tile.s32 @!p0 $0x1;
	_ =	shalt  }
.Lfunc_end2:
_tile_overlayer_lowered:
.L_overlay_start_2:
0xce: {  	(tag) =	ssettag $0x2  }
0xcf: {  	s0 =	rddreg [dreg:$0x0];
	s2 =	stileid.u32  }
0xd0: {  	s1 =	rddreg [dreg:$0x1];
	p0 =	sne.s32 s2, $0x0  }
0xd1: {  	s3 =	rddreg [dreg:$0x2];
	[bflag:$0x3] =	sbarrier.arrive $0xFFFF;
	s2 =	simm.s32 @!p0 $0x1C03  }
0xd2: {  	[timem:s3], [sflag:s2] =	dma.local @!p0 [hbm:s0], s1  }
0xd3: {  	s0 =	simm.s32 @!p0 $0x3  }
0xd4: {  	_ =	swait.ge @!p0 [sflag:s0], s1  }
0xd5: {  	s1 =	ssub.s32 @!p0 $0x0, s1;
	[sflag:s0] =	ssyncset.done @!p0 $0x0  }
0xd6: {  	[sflag:s0] =	ssyncadd.s32 @!p0 s1  }
0xd7: {  	[bflag:$0x3] =	sbarrier.arrive $0xFFFF  }
0xd8: {  	_ =	shalt  }

// kernel: kernel.14.cloned.1.call-start
scs
__scs_entry_jumppad:
0x0: {  	(pc) =	sbr.rel $0x88, $3  }
0x1: {  	(tag) =	ssettag $0x0;
	lr =	simm.s32 $0x1  }
0x2: {  	[smem:$0x3F97] =	sst lr;
	_ =	strace $0xD0000000  }
0x3: {  	_ = 	snop  }
0x4: {  	_ = 	snop  }
0x5: {  	_ = 	snop  }
0x6: {  	_ = 	snop  }
0x7: {  	_ = 	snop  }
__scs_overlays_trampoline_lowered:
0x8: {  	[smem:$0x3FA6] =	sst s0  }
0x9: {  	[smem:$0x3FA7] =	sst s1  }
0xa: {  	[smem:$0x3FA8] =	sst s2  }
0xb: {  	[smem:$0x3FA9] =	sst s3  }
0xc: {  	[smem:$0x3FAA] =	sst s4  }
0xd: {  	[smem:$0x3FAB] =	sst s5  }
0xe: {  	[smem:$0x3FAC] =	sst s6  }
0xf: {  	[smem:$0x3FAD] =	sst s7  }
0x10: {  	[smem:$0x3FAE] =	sst s8  }
0x11: {  	[smem:$0x3FAF] =	sst s9;
	s0 =	simm.s32 @!p0 $0x0  }
0x12: {  	s1 =	sld [smem:$0x3F95];
	s0 =	simm.s32 @p0 $0x1  }
0x13: {  	[smem:$0x3FB0] =	sst s0;
	s0 =	simm.s32 @!p1 $0x0  }
0x14: {  	s2 =	sld [smem:$0x3F94];
	s0 =	simm.s32 @p1 $0x1  }
0x15: {  	[smem:$0x3FB1] =	sst s0;
	s0 =	simm.s32 @!p2 $0x0  }
0x16: {  	s3 =	sld [smem:$0x3FDB];
	s0 =	simm.s32 @p2 $0x1  }
0x17: {  	s4 =	simm.s32 $0x1BF5;
	[smem:$0x3FB3] =	sst s0  }
0x18: {  	s0 =	sld [smem:$0x3F96];
	_ =	swait.ge [sflag:s4], $0x0  }
0x19: {  	s7 =	sld [smem:$0x3F97]  }
0x1a: {  	s8 =	sadd.s32 $0xFFFFE003, lr  }
0x1b: {  	s9 =	sadd.s32 $0xFFFFFEF7, lr;
	s5 =	simm.s32 $0xFFFFFFFF;
	p2 =	slt.u32 s8, $0xFFFFF086  }
0x1c: {  	p1 =	slt.u32 s9, $0xF7A;
	s5 =	simm.s32 @!p2 $0x0  }
0x1d: {  	s5 =	simm.s32 @p1 $0x1;
	p0 =	seq.s32 s7, s2  }
0x1e: {  	s7 =	smul.u32 @!p0 $0xF7A, s2;
	p2 =	seq.s32 @!p0 s5, $0x0  }
0x1f: {  	s9 =	smul.u32 $0xF7A, s1;
	s8 =	simm.s32 @!p0 $0x1BF5;
	p2 =	por !p2, p0  }
0x20: {  	[sflag:s8] =	ssyncset.s32 @!p0 $0xFFFFF086;
	s6 =	sadd.s32 @!p0 s3, s7;
	s7 =	simm.s32 @!p0 $0x108  }
0x21: {  	s3 =	sadd.s32 s3, s9;
	s6 =	sadd.s32 @!p0 $0x88, s6;
	s7 =	simm.s32 @p2 $0x1082  }
0x22: {  	[simem:s7], [sflag:s8] =	dma.local @!p0 [hbm:s6], $0xF7A  }
0x23: {  	s9 =	sor.u32 $0xD0000000, s2;
	s6 =	simm.s32 $0x108;
	_ =	swait.ge @!p0 [sflag:s8], $0x0  }
0x24: {  	s3 =	sadd.s32 $0x88, s3;
	s6 =	simm.s32 @!p1 $0x1082;
	[sflag:s4] =	ssyncset.s32 $0xFFFFF086  }
0x25: {  	[simem:s6], [sflag:s4] =	dma.local [hbm:s3], $0xF7A  }
0x26: {  	[smem:$0x3F97] =	sst s1;
	(tag) =	ssettag s2;
	_ =	strace s9  }
0x27: {  	s1 =	sld [smem:$0x3FA7]  }
0x28: {  	s2 =	sld [smem:$0x3FA8]  }
0x29: {  	s4 =	sld [smem:$0x3FAA]  }
0x2a: {  	p0 =	seq.s32 s5, $0x0;
	s5 =	sld [smem:$0x3FAB]  }
0x2b: {  	s6 =	sld [smem:$0x3FAC]  }
0x2c: {  	s7 =	sld [smem:$0x3FAD]  }
0x2d: {  	s3 =	simm.s32 $0x108;
	s8 =	sld [smem:$0x3FAE]  }
0x2e: {  	s3 =	simm.s32 @!p0 $0x1082;
	s9 =	sld [smem:$0x3FAF]  }
0x2f: {  	lr =	sadd.s32 s0, s3;
	s0 =	sld [smem:$0x3FA6]  }
0x30: {  	s3 =	sld [smem:$0x3FA9]  }
0x31: {  	[smem:$0x3FB2] =	sst s10  }
0x32: {  	s10 =	sld [smem:$0x3FB0];
	_ =	sdelay $0x3  }
0x33: {  	p0 =	seq.s32 s10, $0x1;
	s10 =	sld [smem:$0x3FB2];
	_ =	sdelay $0x3  }
0x34: {  	[smem:$0x3FB2] =	sst s10  }
0x35: {  	s10 =	sld [smem:$0x3FB1];
	_ =	sdelay $0x3  }
0x36: {  	p1 =	seq.s32 s10, $0x1;
	s10 =	sld [smem:$0x3FB2];
	_ =	sdelay $0x3  }
0x37: {  	[smem:$0x3FB2] =	sst s10  }
0x38: {  	s10 =	sld [smem:$0x3FB3]  }
0x39: {  	_ = 	snop;
	(pc) =	sbr.ind lr, $3  }
0x3a: {  	_ = 	snop  }
0x3b: {  	_ = 	snop  }
0x3c: {  	p2 =	seq.s32 s10, $0x1;
	s10 =	sld [smem:$0x3FB2]  }
0x3d: {  	_ =	shalt  }
0x3e: {  	_ =	shalt  }
0x3f: {  	_ =	shalt  }
0x40: {  	_ =	shalt  }
0x41: {  	_ =	shalt  }
0x42: {  	_ =	shalt  }
0x43: {  	_ =	shalt  }
0x44: {  	_ =	shalt  }
0x45: {  	_ =	shalt  }
0x46: {  	_ =	shalt  }
0x47: {  	_ =	shalt  }
0x48: {  	_ =	shalt  }
0x49: {  	_ =	shalt  }
0x4a: {  	_ =	shalt  }
0x4b: {  	_ =	shalt  }
0x4c: {  	_ =	shalt  }
0x4d: {  	_ =	shalt  }
0x4e: {  	_ =	shalt  }
0x4f: {  	_ =	shalt  }
0x50: {  	_ =	shalt  }
0x51: {  	_ =	shalt  }
0x52: {  	_ =	shalt  }
0x53: {  	_ =	shalt  }
0x54: {  	_ =	shalt  }
0x55: {  	_ =	shalt  }
0x56: {  	_ =	shalt  }
0x57: {  	_ =	shalt  }
0x58: {  	_ =	shalt  }
0x59: {  	_ =	shalt  }
0x5a: {  	_ =	shalt  }
0x5b: {  	_ =	shalt  }
0x5c: {  	_ =	shalt  }
0x5d: {  	_ =	shalt  }
0x5e: {  	_ =	shalt  }
0x5f: {  	_ =	shalt  }
0x60: {  	_ =	shalt  }
0x61: {  	_ =	shalt  }
0x62: {  	_ =	shalt  }
0x63: {  	_ =	shalt  }
0x64: {  	_ =	shalt  }
0x65: {  	_ =	shalt  }
0x66: {  	_ =	shalt  }
0x67: {  	_ =	shalt  }
0x68: {  	_ =	shalt  }
0x69: {  	_ =	shalt  }
0x6a: {  	_ =	shalt  }
0x6b: {  	_ =	shalt  }
0x6c: {  	_ =	shalt  }
0x6d: {  	_ =	shalt  }
0x6e: {  	_ =	shalt  }
0x6f: {  	_ =	shalt  }
0x70: {  	_ =	shalt  }
0x71: {  	_ =	shalt  }
0x72: {  	_ =	shalt  }
0x73: {  	_ =	shalt  }
0x74: {  	_ =	shalt  }
0x75: {  	_ =	shalt  }
0x76: {  	_ =	shalt  }
0x77: {  	_ =	shalt  }
0x78: {  	_ =	shalt  }
0x79: {  	_ =	shalt  }
0x7a: {  	_ =	shalt  }
0x7b: {  	_ =	shalt  }
0x7c: {  	_ =	shalt  }
0x7d: {  	_ =	shalt  }
0x7e: {  	_ =	shalt  }
0x7f: {  	_ =	shalt  }
0x80: {  	_ =	shalt  }
0x81: {  	_ =	shalt  }
0x82: {  	_ =	shalt  }
0x83: {  	_ =	shalt  }
0x84: {  	_ =	shalt  }
0x85: {  	_ =	shalt  }
0x86: {  	_ =	shalt  }
0x87: {  	_ =	shalt  }
.Lfunc_end0:
.L_simem_size_0:
called_computation.2_lowered:
.L_overlay_start_0:
0x88: {  	s2 =	sld [smem:$0x3FD9]  }
0x89: {  	s3 =	sld [smem:$0x3FFE];
	_ =	sdelay $0x1  }
0x8a: {  	s1 =	srdreg.scid  }
0x8b: {  	s0 =	sand.u32 $0x1, s1  }
0x8c: {  	s16 =	sshll.u32 s0, $0xA;
	s2 =	sadd.s32 s3, s2  }
0x8d: {  	s2 =	sadd.s32 s2, s16  }
0x8e: {  	[smem:$0x3FBE] =	sst s2  }
0x8f: {  	_ = 	snop  }
0x90: {  	(tm) =	ssettm $0x1  }
0x91: {  	s17 =	sld [smem:$0x3FFB];
	_ =	sdelay $0x3  }
0x92: {  	_ =	strace s17  }
0x93: {  	s2 =	sld [smem:$0x3FFC];
	_ =	sdelay $0x3  }
0x94: {  	_ =	strace s2  }
0x95: {  	s2 =	sld [smem:$0x3FFD];
	_ =	sdelay $0x3  }
0x96: {  	_ =	strace s2  }
0x97: {  	_ =	strace $0x8FFFFFFF  }
0x98: {  	s18 =	sld [smem:$0x3FDB];
	_ =	sdelay $0x1  }
0x99: {  	s19 =	simm.s32 $_scs_section_size  }
0x9a: {  	s4 =	simm.s32 $_size__tile_overlayer_lowered;
	s5 =	simm.s32 $_tile_overlayer_lowered  }
0x9b: {  	s22 =	simm.s32 $0x1BFF;
	s21 =	sshll.u32 s5, $0x1;
	s2 =	sadd.s32 s19, s18  }
0x9c: {  	s6 =	simm.s32 $0x0;
	s20 =	sshll.u32 s4, $0x1;
	s4 =	sadd.s32 s21, s2  }
0x9d: {  	[timem:s6], [sflag:s22] =	dma.local [hbm:s4], s20  }
0x9e: {  	_ =	swait.ge [sflag:s22], s20  }
0x9f: {  	s3 =	ssub.s32 $0x0, s20;
	[sflag:s22] =	ssyncset.done $0x0  }
0xa0: {  	[sflag:s22] =	ssyncadd.s32 s3;
	_ =	sdelay $0x1  }
0xa1: {  	s23 =	simm.s32 $0x1B8B  }
0xa2: {  	_ =	swait.ge [sflag:s23], $0x1  }
0xa3: {  	[sflag:s23] =	ssyncset.done $0x0  }
0xa4: {  	s25 =	simm.s32 $0x1B8E;
	s24 =	sld [smem:$0x3FFE];
	[sflag:s23] =	ssyncadd.s32 $0xFFFFFFFF  }
0xa5: {  	s26 =	simm.s32 $execute0_lowered;
	[smem:$0x3FD2] =	sst s25  }
0xa6: {  	s4 =	sshll.u32 s26, $0x1;
	_ =	strace $0x8000004C;
	[dreg:$0x1] =	wrdreg $0xFFFFFFFF  }
0xa7: {  	s28 =	simm.s32 $_size_execute0_lowered;
	s2 =	sadd.s32 s2, s4;
	[dreg:$0x0] =	wrdreg $0x0  }
0xa8: {  	s4 =	sshll.u32 s28, $0x1;
	[dreg:$0x2] =	wrdreg s2  }
0xa9: {  	[dreg:$0x3] =	wrdreg s4  }
0xaa: {  	[dreg:$0x4] =	wrdreg $0xC0  }
0xab: {  	_ =	task [dreg:s6], $0x5FFFF  }
0xac: {  	[dreg:$0x1] =	wrdreg $0xFFFFFFFF  }
0xad: {  	[dreg:$0x0] =	wrdreg $0x60  }
0xae: {  	[dreg:$0x2] =	wrdreg s24  }
0xaf: {  	[dreg:$0x3] =	wrdreg $0xA8000  }
0xb0: {  	[dreg:$0x4] =	wrdreg $0x9  }
0xb1: {  	_ =	task.clear_ibuf [dreg:s6], $0x5FFFF;
	_ =	strace $0x9000004C  }
0xb2: {  	s29 =	simm.s32 $0x9;
	_ =	strace $0x8000004E  }
0xb3: {  	_ =	swait.ge [sflag:s29], $0x1  }
0xb4: {  	[sflag:s29] =	ssyncadd.s32 $0xFFFFFFFF  }
0xb5: {  	_ =	strace $0x9000004E  }
0xb6: {  	_ =	sfence  }
0xb7: {  	s30 =	sld [smem:$0x0];
	_ =	sdelay $0x2  }
0xb8: {  	s31 =	sshll.u32 s1, $0xD;
	s1 =	sshrl.u32 s1, $0x2  }
0xb9: {  	s3 =	sand.u32 $0x4000, s31;
	s1 =	sadd.s32 s1, s30  }
0xba: {  	s0 =	sor.u32 s3, s0;
	s1 =	sshll.u32 s1, $0x11  }
0xbb: {  	s0 =	sor.u32 s1, s0  }
0xbc: {  	s0 =	sadd.s32 $0x8F2B, s0  }
0xbd: {  	[sflag:s0] =	ssyncadd.remote.s32 $0x1  }
0xbe: {  	_ =	sfence.sel $0xFFFF  }
0xbf: {  	[dreg:$0x0] =	wrdreg $0xFFFFFFFF;
	(pc) =	sbr.abs _section_cstart, $3  }
0xc0: {  	[dreg:$0x1] =	wrdreg $0xFFFFFFFF  }
0xc1: {  	_ =	task.clear_ibuf [dreg:s6], $0x2FFFF;
	_ =	strace $0x9FFFFFFF  }
0xc2: {  	(tm) =	ssettm $0x7FFFFFFF  }
0xc3: {  	_ =	shalt  }
tec
execute0_lowered:
.L_overlay_start_1:
0x0: {  	(tag) =	ssettag $0x1  }
0x1: {  	s0 =	rddreg [dreg:$0x0]  }
0x2: {  	s1 =	rddreg [dreg:$0x1];
	s3 =	simm.s32 $0x0;
	s2 =	srdreg.scid  }
0x3: {  	s10 =	stileid.u32;
	s20 =	simm.s32 $0x2;
	s21 =	simm.s32 $0x3  }
0x4: {  	s22 =	simm.s32 $0x1400;
	s28 =	simm.s32 $0x2680;
	s29 =	simm.s32 $0x1380  }
0x5: {  	s30 =	simm.s32 $0x2700;
	s31 =	simm.s32 $0x2780;
	[smem:$0x7FF] =	sst s3  }
0x6: {  	s2 =	sand.u32 $0x1, s2;
	s4 =	sadd.s32 $0x20600, s0;
	s8 =	smul.u32 $0x50000, s10  }
0x7: {  	s5 =	sadd.s32 $0x16400, s0;
	s12 =	smul.u32 $0x14000, s10;
	s6 =	sadd.s32 $0xC200, s0  }
0x8: {  	s0 =	sadd.s32 $0x48600, s0;
	s23 =	sshll.u32 s10, $0x1;
	_ =	strace $0x8000004D  }
0x9: {  	s7 =	ssub.s32 $0x2, s2;
	s15 =	sor.u32 s2, s23;
	s2 =	smul.u32 $0x140000, s2  }
0xa: {  	s23 =	simm.s32 $0x80;
	s9 =	sshrl.u32 s7, $0x1;
	s8 =	sshrl.u32 s8, $0x2  }
0xb: {  	s14 =	sadd.s32 $0x4000, s12;
	s16 =	sadd.s32 $0x8000, s12;
	s17 =	sadd.s32 $0xC000, s12  }
0xc: {  	s18 =	sadd.s32 $0x10000, s12;
	s13 =	ssub.s32 s7, s9;
	s7 =	sadd.s32 s8, s1  }
0xd: {  	s8 =	sadd.s32 s14, s1;
	s9 =	sadd.s32 s16, s1;
	s10 =	sadd.s32 s17, s1  }
0xe: {  	s11 =	sadd.s32 s18, s1;
	s19 =	sadd.s32 s12, s2;
	s14 =	sadd.s32 s2, s14  }
0xf: {  	s12 =	smul.u32 $0x50, s15;
	s25 =	sadd.s32 s2, s16;
	s26 =	sadd.s32 s2, s17  }
0x10: {  	s2 =	sadd.s32 s2, s18;
	s24 =	sshrl.u32 s19, $0x3;
	s14 =	sshrl.u32 s14, $0x3  }
0x11: {  	s16 =	sshrl.u32 s26, $0x3;
	s2 =	sshrl.u32 s2, $0x3;
	s18 =	smax.u32 s13, $0x1  }
0x12: {  	s19 =	simm.s32 $0x2800;
	s26 =	simm.s32 $0x1300;
	s15 =	sadd.s32 s0, s24  }
0x13: {  	s14 =	sadd.s32 s0, s14;
	s16 =	sadd.s32 s0, s16;
	s17 =	sadd.s32 s0, s2  }
0x14: {  	s24 =	simm.s32 $0x6800;
	[dreg:$0x3] =	wrdreg s15;
	s15 =	sshrl.u32 s25, $0x3  }
0x15: {  	v0 =	vimm.f32 $0.0e+00;
	[dreg:$0x4] =	wrdreg s14;
	s25 =	simm.s32 $0x1;
	s15 =	sadd.s32 s0, s15  }
.LBB2_1:
0x16: {  	s0 =	simm.s32 $0x0;
	s2 =	simm.s32 $0x200  }
.LBB2_2:
0x17: {  	p0 =	sne.s32 s2, $0xFE00;
	[tilespmem:s0+$0x2870] =	vst v0  }
0x18: {  	[tilespmem:s0+$0x2800] =	vst v0  }
0x19: {  	[tilespmem:s0+$0x2810] =	vst v0  }
.Ltmp0:
0x1a: {  	[tilespmem:s0+$0x2820] =	vst v0;
	(pc) =	sbr.rel @p0 .LBB2_2-.Ltmp0, $4  }
0x1b: {  	[tilespmem:s0+$0x2830] =	vst v0  }
0x1c: {  	[tilespmem:s0+$0x2840] =	vst v0  }
0x1d: {  	[tilespmem:s0+$0x2850] =	vst v0  }
0x1e: {  	[tilespmem:s0+$0x2860] =	vst v0;
	s0 =	sshra.s32 s2, $0x2;
	s2 =	sadd.s32 $0x200, s2  }
0x1f: {  	[tilespmem:s0+$0x2870] =	vst v0  }
0x20: {  	[tilespmem:s0+$0x2800] =	vst v0  }
0x21: {  	[tilespmem:s0+$0x2810] =	vst v0  }
0x22: {  	[tilespmem:s0+$0x2820] =	vst v0  }
0x23: {  	[tilespmem:s0+$0x2830] =	vst v0  }
0x24: {  	[tilespmem:s0+$0x2840] =	vst v0  }
0x25: {  	[tilespmem:s0+$0x2850] =	vst v0  }
0x26: {  	[tilespmem:s0+$0x2860] =	vst v0  }
0x27: {  	[spmem:s7] =	stream.linear.scatter [tilespmem:s19], [sflag:$0x2], $0x4000, $0x38;
	[tilespmem:$0x1E800] =	vst v63  }
0x28: {  	_ = 	snop  }
0x29: {  	[spmem:s8] =	stream.linear.scatter [tilespmem:s19], [sflag:$0x2], $0x4000, $0x38;
	[tilespmem:$0x1E800] =	vst v63  }
0x2a: {  	_ = 	snop  }
0x2b: {  	[spmem:s9] =	stream.linear.scatter [tilespmem:s19], [sflag:$0x2], $0x4000, $0x38;
	[tilespmem:$0x1E800] =	vst v63  }
0x2c: {  	_ = 	snop  }
0x2d: {  	[spmem:s10] =	stream.linear.scatter [tilespmem:s19], [sflag:$0x2], $0x4000, $0x38;
	[tilespmem:$0x1E800] =	vst v63  }
0x2e: {  	_ = 	snop  }
0x2f: {  	[spmem:s11] =	stream.linear.scatter [tilespmem:s19], [sflag:$0x2], $0x4000, $0x38;
	[tilespmem:$0x1E800] =	vst v63  }
0x30: {  	_ =	swait.ge [sflag:s20], $0x4000  }
0x31: {  	[sflag:s20] =	ssyncset.done $0x0  }
0x32: {  	[sflag:s20] =	ssyncadd.s32 $0xFFFFC000  }
0x33: {  	_ =	swait.ge [sflag:s20], $0x4000  }
0x34: {  	[sflag:s20] =	ssyncset.done $0x0  }
0x35: {  	[sflag:s20] =	ssyncadd.s32 $0xFFFFC000  }
0x36: {  	_ =	swait.ge [sflag:s20], $0x4000  }
0x37: {  	[sflag:s20] =	ssyncset.done $0x0  }
0x38: {  	[sflag:s20] =	ssyncadd.s32 $0xFFFFC000  }
0x39: {  	_ =	swait.ge [sflag:s20], $0x4000  }
0x3a: {  	[sflag:s20] =	ssyncset.done $0x0  }
0x3b: {  	[sflag:s20] =	ssyncadd.s32 $0xFFFFC000  }
0x3c: {  	_ =	swait.ge [sflag:s20], $0x4000  }
0x3d: {  	[sflag:s20] =	ssyncset.done $0x0  }
0x3e: {  	s0 =	simm.s32 $0x0;
	[sflag:s20] =	ssyncadd.s32 $0xFFFFC000  }
0x3f: {  	p1 =	por $0x1, $0x1;
	s2 =	simm.s32 $0x0;
	[bflag:$0x0] =	sbarrier.arrive $0xFFFF  }
.LBB2_4:
0x40: {  	s2 =	sadd.s32 s12, s2  }
0x41: {  	s2 =	sshll.u32 s2, $0x4  }
0x42: {  	s13 =	sadd.s32 s5, s2  }
0x43: {  	[tilespmem:s0], [sflag:$0x3] =	stream.linear.gather [hbm4b:s13+s0], $0x1400, $0x38;
	[tilespmem:$0x1E800] =	vst v63  }
0x44: {  	_ =	swait.ge [sflag:s21], $0x1400  }
0x45: {  	[sflag:s21] =	ssyncset.done $0x0  }
0x46: {  	s2 =	sadd.s32 s6, s2;
	[sflag:s21] =	ssyncadd.s32 $0xFFFFEC00  }
0x47: {  	[tilespmem:s22], [sflag:$0x3] =	stream.linear.gather [hbm4b:s2+s0], $0x1400, $0x38;
	[tilespmem:$0x1E800] =	vst v63  }
0x48: {  	_ =	swait.ge [sflag:s21], $0x1400  }
0x49: {  	[sflag:s21] =	ssyncset.done $0x0  }
0x4a: {  	[sflag:s21] =	ssyncadd.s32 $0xFFFFEC00  }
0x4b: {  	[tilespmem:s19], [sflag:$0x1] =	stream.indirect.gather [hbm4b:s4+s23], $0x80, s0, s23, $0xb8;
	[tilespmem:$0x1E800] =	vst v63  }
0x4c: {  	_ = 	snop  }
0x4d: {  	[tilespmem:s24], [sflag:$0x1] =	stream.indirect.gather [hbm4b:s4+s23], $0x80, s23, s23, $0xb8;
	[tilespmem:$0x1E800] =	vst v63  }
0x4e: {  	_ =	swait.ge [sflag:s25], $0x4000  }
0x4f: {  	[sflag:s25] =	ssyncset.done $0x0  }
0x50: {  	[sflag:s25] =	ssyncadd.s32 $0xFFFFC000  }
0x51: {  	[spmem:s1] =	stream.indirect.scatter.add.f32 [tilespmem:s19], [sflag:$0x2], $0x80, s22, s23, $0xb8;
	[tilespmem:$0x1E800] =	vst v63  }
0x52: {  	_ =	swait.ge [sflag:s20], $0x4000  }
0x53: {  	[sflag:s20] =	ssyncset.done $0x0  }
0x54: {  	s14 =	simm.s32 $0x100;
	[sflag:s20] =	ssyncadd.s32 $0xFFFFC000  }
0x55: {  	[tilespmem:s19], [sflag:$0x1] =	stream.indirect.gather [hbm4b:s4+s23], $0x80, s14, s23, $0xb8;
	[tilespmem:$0x1E800] =	vst v63  }
0x56: {  	_ =	swait.ge [sflag:s25], $0x4000  }
0x57: {  	[sflag:s25] =	ssyncset.done $0x0  }
0x58: {  	s13 =	simm.s32 $0x1480;
	[sflag:s25] =	ssyncadd.s32 $0xFFFFC000  }
0x59: {  	[spmem:s1] =	stream.indirect.scatter.add.f32 [tilespmem:s24], [sflag:$0x2], $0x80, s13, s23, $0xb8;
	[tilespmem:$0x1E800] =	vst v63  }
0x5a: {  	_ =	swait.ge [sflag:s20], $0x4000  }
0x5b: {  	[sflag:s20] =	ssyncset.done $0x0  }
0x5c: {  	s14 =	simm.s32 $0x180;
	[sflag:s20] =	ssyncadd.s32 $0xFFFFC000  }
0x5d: {  	[tilespmem:s24], [sflag:$0x1] =	stream.indirect.gather [hbm4b:s4+s23], $0x80, s14, s23, $0xb8;
	[tilespmem:$0x1E800] =	vst v63  }
0x5e: {  	_ =	swait.ge [sflag:s25], $0x4000  }
0x5f: {  	[sflag:s25] =	ssyncset.done $0x0  }
0x60: {  	s13 =	simm.s32 $0x1500;
	[sflag:s25] =	ssyncadd.s32 $0xFFFFC000  }
0x61: {  	[spmem:s1] =	stream.indirect.scatter.add.f32 [tilespmem:s19], [sflag:$0x2], $0x80, s13, s23, $0xb8;
	[tilespmem:$0x1E800] =	vst v63  }
0x62: {  	_ =	swait.ge [sflag:s20], $0x4000  }
0x63: {  	[sflag:s20] =	ssyncset.done $0x0  }
0x64: {  	s14 =	simm.s32 $0x200;
	[sflag:s20] =	ssyncadd.s32 $0xFFFFC000  }
0x65: {  	[tilespmem:s19], [sflag:$0x1] =	stream.indirect.gather [hbm4b:s4+s23], $0x80, s14, s23, $0xb8;
	[tilespmem:$0x1E800] =	vst v63  }
0x66: {  	_ =	swait.ge [sflag:s25], $0x4000  }
0x67: {  	[sflag:s25] =	ssyncset.done $0x0  }
0x68: {  	s13 =	simm.s32 $0x1580;
	[sflag:s25] =	ssyncadd.s32 $0xFFFFC000  }
0x69: {  	[spmem:s1] =	stream.indirect.scatter.add.f32 [tilespmem:s24], [sflag:$0x2], $0x80, s13, s23, $0xb8;
	[tilespmem:$0x1E800] =	vst v63  }
0x6a: {  	_ =	swait.ge [sflag:s20], $0x4000  }
0x6b: {  	[sflag:s20] =	ssyncset.done $0x0  }
0x6c: {  	s14 =	simm.s32 $0x280;
	[sflag:s20] =	ssyncadd.s32 $0xFFFFC000  }
0x6d: {  	[tilespmem:s24], [sflag:$0x1] =	stream.indirect.gather [hbm4b:s4+s23], $0x80, s14, s23, $0xb8;
	[tilespmem:$0x1E800] =	vst v63  }
0x6e: {  	_ =	swait.ge [sflag:s25], $0x4000  }
0x6f: {  	p0 =	por p1, p1;
	[sflag:s25] =	ssyncset.done $0x0  }
0x70: {  	s2 =	simm.s32 $0x800;
	s13 =	simm.s32 $0x1600;
	[sflag:s25] =	ssyncadd.s32 $0xFFFFC000  }
.LBB2_5:
0x71: {  	[spmem:s1] =	stream.indirect.scatter.add.f32 [tilespmem:s19], [sflag:$0x2], $0x80, s13, s23, $0xb8;
	[tilespmem:$0x1E800] =	vst v63  }
0x72: {  	s13 =	smov.u32 s2  }
0x73: {  	p1 =	sne.s32 s2, $0x4000;
	s2 =	sadd.s32 $0x800, s2;
	_ =	swait.ge [sflag:s20], $0x4000  }
0x74: {  	s13 =	sshra.s32 s13, $0x2;
	[sflag:s20] =	ssyncset.done $0x0  }
0x75: {  	s14 =	sadd.s32 $0x100, s13;
	[sflag:s20] =	ssyncadd.s32 $0xFFFFC000  }
0x76: {  	[tilespmem:s19], [sflag:$0x1] =	stream.indirect.gather [hbm4b:s4+s23], $0x80, s14, s23, $0xb8;
	[tilespmem:$0x1E800] =	vst v63  }
0x77: {  	_ =	swait.ge [sflag:s25], $0x4000  }
0x78: {  	[sflag:s25] =	ssyncset.done $0x0  }
0x79: {  	s14 =	sadd.s32 $0x1480, s13;
	[sflag:s25] =	ssyncadd.s32 $0xFFFFC000  }
0x7a: {  	[spmem:s1] =	stream.indirect.scatter.add.f32 [tilespmem:s24], [sflag:$0x2], $0x80, s14, s23, $0xb8;
	[tilespmem:$0x1E800] =	vst v63  }
0x7b: {  	_ =	swait.ge [sflag:s20], $0x4000  }
0x7c: {  	[sflag:s20] =	ssyncset.done $0x0  }
0x7d: {  	s14 =	sadd.s32 $0x180, s13;
	[sflag:s20] =	ssyncadd.s32 $0xFFFFC000  }
0x7e: {  	[tilespmem:s24], [sflag:$0x1] =	stream.indirect.gather [hbm4b:s4+s23], $0x80, s14, s23, $0xb8;
	[tilespmem:$0x1E800] =	vst v63  }
0x7f: {  	_ =	swait.ge [sflag:s25], $0x4000  }
0x80: {  	[sflag:s25] =	ssyncset.done $0x0  }
0x81: {  	s14 =	sadd.s32 $0x1500, s13;
	[sflag:s25] =	ssyncadd.s32 $0xFFFFC000  }
0x82: {  	[spmem:s1] =	stream.indirect.scatter.add.f32 [tilespmem:s19], [sflag:$0x2], $0x80, s14, s23, $0xb8;
	[tilespmem:$0x1E800] =	vst v63  }
0x83: {  	_ =	swait.ge [sflag:s20], $0x4000  }
0x84: {  	[sflag:s20] =	ssyncset.done $0x0  }
0x85: {  	s14 =	sadd.s32 $0x200, s13;
	[sflag:s20] =	ssyncadd.s32 $0xFFFFC000  }
0x86: {  	[tilespmem:s19], [sflag:$0x1] =	stream.indirect.gather [hbm4b:s4+s23], $0x80, s14, s23, $0xb8;
	[tilespmem:$0x1E800] =	vst v63  }
0x87: {  	_ =	swait.ge [sflag:s25], $0x4000  }
0x88: {  	[sflag:s25] =	ssyncset.done $0x0  }
0x89: {  	s14 =	sadd.s32 $0x1580, s13;
	[sflag:s25] =	ssyncadd.s32 $0xFFFFC000  }
0x8a: {  	[spmem:s1] =	stream.indirect.scatter.add.f32 [tilespmem:s24], [sflag:$0x2], $0x80, s14, s23, $0xb8;
	[tilespmem:$0x1E800] =	vst v63  }
0x8b: {  	_ =	swait.ge [sflag:s20], $0x4000  }
0x8c: {  	[sflag:s20] =	ssyncset.done $0x0  }
.Ltmp1:
0x8d: {  	s14 =	sadd.s32 $0x280, s13;
	[sflag:s20] =	ssyncadd.s32 $0xFFFFC000;
	(pc) =	sbr.rel @p1 .LBB2_5-.Ltmp1, $4  }
0x8e: {  	[tilespmem:s24], [sflag:$0x1] =	stream.indirect.gather [hbm4b:s4+s23], $0x80, s14, s23, $0xb8;
	[tilespmem:$0x1E800] =	vst v63  }
0x8f: {  	_ =	swait.ge [sflag:s25], $0x4000  }
0x90: {  	[sflag:s25] =	ssyncset.done $0x0  }
0x91: {  	s13 =	sadd.s32 $0x1600, s13;
	[sflag:s25] =	ssyncadd.s32 $0xFFFFC000  }
0x92: {  	[spmem:s1] =	stream.indirect.scatter.add.f32 [tilespmem:s19], [sflag:$0x2], $0x80, s13, s23, $0xb8;
	[tilespmem:$0x1E800] =	vst v63  }
0x93: {  	_ =	swait.ge [sflag:s20], $0x4000  }
0x94: {  	[sflag:s20] =	ssyncset.done $0x0  }
0x95: {  	[sflag:s20] =	ssyncadd.s32 $0xFFFFC000  }
0x96: {  	[tilespmem:s19], [sflag:$0x1] =	stream.indirect.gather [hbm4b:s4+s23], $0x80, s26, s23, $0xb8;
	[tilespmem:$0x1E800] =	vst v63  }
0x97: {  	_ =	swait.ge [sflag:s25], $0x4000  }
0x98: {  	[sflag:s25] =	ssyncset.done $0x0  }
0x99: {  	[sflag:s25] =	ssyncadd.s32 $0xFFFFC000  }
0x9a: {  	[spmem:s1] =	stream.indirect.scatter.add.f32 [tilespmem:s24], [sflag:$0x2], $0x80, s28, s23, $0xb8;
	[tilespmem:$0x1E800] =	vst v63  }
0x9b: {  	_ =	swait.ge [sflag:s20], $0x4000  }
0x9c: {  	[sflag:s20] =	ssyncset.done $0x0  }
0x9d: {  	[sflag:s20] =	ssyncadd.s32 $0xFFFFC000  }
0x9e: {  	[tilespmem:s24], [sflag:$0x1] =	stream.indirect.gather [hbm4b:s4+s23], $0x80, s29, s23, $0xb8;
	[tilespmem:$0x1E800] =	vst v63  }
0x9f: {  	_ =	swait.ge [sflag:s25], $0x4000  }
0xa0: {  	[sflag:s25] =	ssyncset.done $0x0  }
0xa1: {  	[sflag:s25] =	ssyncadd.s32 $0xFFFFC000  }
0xa2: {  	[spmem:s1] =	stream.indirect.scatter.add.f32 [tilespmem:s19], [sflag:$0x2], $0x80, s30, s23, $0xb8;
	[tilespmem:$0x1E800] =	vst v63  }
0xa3: {  	_ =	swait.ge [sflag:s20], $0x4000  }
0xa4: {  	[sflag:s20] =	ssyncset.done $0x0  }
0xa5: {  	[sflag:s20] =	ssyncadd.s32 $0xFFFFC000  }
0xa6: {  	_ =	swait.ge [sflag:s25], $0x4000  }
0xa7: {  	[sflag:s25] =	ssyncset.done $0x0  }
.Ltmp2:
0xa8: {  	[sflag:s25] =	ssyncadd.s32 $0xFFFFC000;
	(pc) =	sbr.rel @p0 .LBB2_4-.Ltmp2, $4  }
0xa9: {  	[spmem:s1] =	stream.indirect.scatter.add.f32 [tilespmem:s24], [sflag:$0x2], $0x80, s31, s23, $0xb8;
	[tilespmem:$0x1E800] =	vst v63  }
0xaa: {  	_ =	swait.ge [sflag:s20], $0x4000  }
0xab: {  	[sflag:s20] =	ssyncset.done $0x0  }
0xac: {  	s2 =	simm.s32 $0x28;
	p1 =	por $0x0, $0x0;
	[sflag:s20] =	ssyncadd.s32 $0xFFFFC000  }
0xad: {  	s0 =	stileid.u32  }
0xae: {  	[bflag:$0x0] =	sbarrier.arrive $0xFFFF;
	s0 =	sshll.u32 s0, $0x6  }
0xaf: {  	s2 =	sshrl.u32 s7, $0x3;
	s13 =	rddreg [dreg:$0x3];
	s0 =	sor.u32 $0x1C02, s0  }
0xb0: {  	[hbm:s13], [sflag:s0] =	dma.local [spmem:s2], $0x800  }
0xb1: {  	s14 =	sshrl.u32 s8, $0x3;
	s13 =	rddreg [dreg:$0x4]  }
0xb2: {  	[hbm:s13], [sflag:s0] =	dma.local [spmem:s14], $0x800  }
0xb3: {  	s14 =	sshrl.u32 s9, $0x3  }
0xb4: {  	[hbm:s15], [sflag:s0] =	dma.local [spmem:s14], $0x800  }
0xb5: {  	s13 =	sshrl.u32 s10, $0x3;
	s14 =	sshrl.u32 s11, $0x3  }
0xb6: {  	[hbm:s16], [sflag:s0] =	dma.local [spmem:s13], $0x800  }
0xb7: {  	[hbm:s17], [sflag:s0] =	dma.local [spmem:s14], $0x800  }
0xb8: {  	_ =	swait.ge [sflag:s20], $0x800  }
0xb9: {  	[sflag:s20] =	ssyncset.done $0x0  }
0xba: {  	[sflag:s20] =	ssyncadd.s32 $0xFFFFF800  }
0xbb: {  	_ =	swait.ge [sflag:s20], $0x800  }
0xbc: {  	[sflag:s20] =	ssyncset.done $0x0  }
0xbd: {  	[sflag:s20] =	ssyncadd.s32 $0xFFFFF800  }
0xbe: {  	_ =	swait.ge [sflag:s20], $0x800  }
0xbf: {  	[sflag:s20] =	ssyncset.done $0x0  }
0xc0: {  	s3 =	sadd.s32 $0x1, s3;
	[sflag:s20] =	ssyncadd.s32 $0xFFFFF800  }
0xc1: {  	p0 =	sne.s32 s3, s18;
	_ =	swait.ge [sflag:s20], $0x800  }
.Ltmp3:
0xc2: {  	[sflag:s20] =	ssyncset.done $0x0;
	(pc) =	sbr.rel @p0 .LBB2_1-.Ltmp3, $4  }
0xc3: {  	[sflag:s20] =	ssyncadd.s32 $0xFFFFF800  }
0xc4: {  	_ =	swait.ge [sflag:s20], $0x800  }
0xc5: {  	[sflag:s20] =	ssyncset.done $0x0  }
0xc6: {  	[sflag:s20] =	ssyncadd.s32 $0xFFFFF800  }
0xc7: {  	_ =	sfence.sel $0x180000  }
0xc8: {  	[bflag:$0x0] =	sbarrier.arrive $0xFFFF  }
0xc9: {  	_ =	strace $0x9000004D  }
0xca: {  	s0 =	stileid.u32;
	[bflag:$0x2] =	sbarrier.arrive $0xFFFF  }
0xcb: {  	p0 =	sne.s32 s0, $0x0;
	s0 =	rddreg [dreg:$0x2]  }
0xcc: {  	s0 =	sadd.s32 @!p0 $0x100000, s0  }
0xcd: {  	[sflag:s0] =	ssyncadd.tile.s32 @!p0 $0x1;
	_ =	shalt  }
.Lfunc_end2:
_tile_overlayer_lowered:
.L_overlay_start_2:
0xce: {  	(tag) =	ssettag $0x2  }
0xcf: {  	s0 =	rddreg [dreg:$0x0];
	s2 =	stileid.u32  }
0xd0: {  	s1 =	rddreg [dreg:$0x1];
	p0 =	sne.s32 s2, $0x0  }
0xd1: {  	s3 =	rddreg [dreg:$0x2];
	[bflag:$0x3] =	sbarrier.arrive $0xFFFF;
	s2 =	simm.s32 @!p0 $0x1C03  }
0xd2: {  	[timem:s3], [sflag:s2] =	dma.local @!p0 [hbm:s0], s1  }
0xd3: {  	s0 =	simm.s32 @!p0 $0x3  }
0xd4: {  	_ =	swait.ge @!p0 [sflag:s0], s1  }
0xd5: {  	s1 =	ssub.s32 @!p0 $0x0, s1;
	[sflag:s0] =	ssyncset.done @!p0 $0x0  }
0xd6: {  	[sflag:s0] =	ssyncadd.s32 @!p0 s1  }
0xd7: {  	[bflag:$0x3] =	sbarrier.arrive $0xFFFF  }
0xd8: {  	_ =	shalt  }

// kernel: kernel.8.cloned.1.call-start
scs
__scs_entry_jumppad:
0x0: {  	(pc) =	sbr.rel $0x88, $3  }
0x1: {  	(tag) =	ssettag $0x0;
	lr =	simm.s32 $0x1  }
0x2: {  	[smem:$0x3F97] =	sst lr;
	_ =	strace $0xD0000000  }
0x3: {  	_ = 	snop  }
0x4: {  	_ = 	snop  }
0x5: {  	_ = 	snop  }
0x6: {  	_ = 	snop  }
0x7: {  	_ = 	snop  }
__scs_overlays_trampoline_lowered:
0x8: {  	[smem:$0x3FA6] =	sst s0  }
0x9: {  	[smem:$0x3FA7] =	sst s1  }
0xa: {  	[smem:$0x3FA8] =	sst s2  }
0xb: {  	[smem:$0x3FA9] =	sst s3  }
0xc: {  	[smem:$0x3FAA] =	sst s4  }
0xd: {  	[smem:$0x3FAB] =	sst s5  }
0xe: {  	[smem:$0x3FAC] =	sst s6  }
0xf: {  	[smem:$0x3FAD] =	sst s7  }
0x10: {  	[smem:$0x3FAE] =	sst s8  }
0x11: {  	[smem:$0x3FAF] =	sst s9;
	s0 =	simm.s32 @!p0 $0x0  }
0x12: {  	s1 =	sld [smem:$0x3F95];
	s0 =	simm.s32 @p0 $0x1  }
0x13: {  	[smem:$0x3FB0] =	sst s0;
	s0 =	simm.s32 @!p1 $0x0  }
0x14: {  	s2 =	sld [smem:$0x3F94];
	s0 =	simm.s32 @p1 $0x1  }
0x15: {  	[smem:$0x3FB1] =	sst s0;
	s0 =	simm.s32 @!p2 $0x0  }
0x16: {  	s3 =	sld [smem:$0x3FDB];
	s0 =	simm.s32 @p2 $0x1  }
0x17: {  	s4 =	simm.s32 $0x1BF5;
	[smem:$0x3FB3] =	sst s0  }
0x18: {  	s0 =	sld [smem:$0x3F96];
	_ =	swait.ge [sflag:s4], $0x0  }
0x19: {  	s7 =	sld [smem:$0x3F97]  }
0x1a: {  	s8 =	sadd.s32 $0xFFFFE003, lr  }
0x1b: {  	s9 =	sadd.s32 $0xFFFFFEF7, lr;
	s5 =	simm.s32 $0xFFFFFFFF;
	p2 =	slt.u32 s8, $0xFFFFF086  }
0x1c: {  	p1 =	slt.u32 s9, $0xF7A;
	s5 =	simm.s32 @!p2 $0x0  }
0x1d: {  	s5 =	simm.s32 @p1 $0x1;
	p0 =	seq.s32 s7, s2  }
0x1e: {  	s7 =	smul.u32 @!p0 $0xF7A, s2;
	p2 =	seq.s32 @!p0 s5, $0x0  }
0x1f: {  	s9 =	smul.u32 $0xF7A, s1;
	s8 =	simm.s32 @!p0 $0x1BF5;
	p2 =	por !p2, p0  }
0x20: {  	[sflag:s8] =	ssyncset.s32 @!p0 $0xFFFFF086;
	s6 =	sadd.s32 @!p0 s3, s7;
	s7 =	simm.s32 @!p0 $0x108  }
0x21: {  	s3 =	sadd.s32 s3, s9;
	s6 =	sadd.s32 @!p0 $0x88, s6;
	s7 =	simm.s32 @p2 $0x1082  }
0x22: {  	[simem:s7], [sflag:s8] =	dma.local @!p0 [hbm:s6], $0xF7A  }
0x23: {  	s9 =	sor.u32 $0xD0000000, s2;
	s6 =	simm.s32 $0x108;
	_ =	swait.ge @!p0 [sflag:s8], $0x0  }
0x24: {  	s3 =	sadd.s32 $0x88, s3;
	s6 =	simm.s32 @!p1 $0x1082;
	[sflag:s4] =	ssyncset.s32 $0xFFFFF086  }
0x25: {  	[simem:s6], [sflag:s4] =	dma.local [hbm:s3], $0xF7A  }
0x26: {  	[smem:$0x3F97] =	sst s1;
	(tag) =	ssettag s2;
	_ =	strace s9  }
0x27: {  	s1 =	sld [smem:$0x3FA7]  }
0x28: {  	s2 =	sld [smem:$0x3FA8]  }
0x29: {  	s4 =	sld [smem:$0x3FAA]  }
0x2a: {  	p0 =	seq.s32 s5, $0x0;
	s5 =	sld [smem:$0x3FAB]  }
0x2b: {  	s6 =	sld [smem:$0x3FAC]  }
0x2c: {  	s7 =	sld [smem:$0x3FAD]  }
0x2d: {  	s3 =	simm.s32 $0x108;
	s8 =	sld [smem:$0x3FAE]  }
0x2e: {  	s3 =	simm.s32 @!p0 $0x1082;
	s9 =	sld [smem:$0x3FAF]  }
0x2f: {  	lr =	sadd.s32 s0, s3;
	s0 =	sld [smem:$0x3FA6]  }
0x30: {  	s3 =	sld [smem:$0x3FA9]  }
0x31: {  	[smem:$0x3FB2] =	sst s10  }
0x32: {  	s10 =	sld [smem:$0x3FB0];
	_ =	sdelay $0x3  }
0x33: {  	p0 =	seq.s32 s10, $0x1;
	s10 =	sld [smem:$0x3FB2];
	_ =	sdelay $0x3  }
0x34: {  	[smem:$0x3FB2] =	sst s10  }
0x35: {  	s10 =	sld [smem:$0x3FB1];
	_ =	sdelay $0x3  }
0x36: {  	p1 =	seq.s32 s10, $0x1;
	s10 =	sld [smem:$0x3FB2];
	_ =	sdelay $0x3  }
0x37: {  	[smem:$0x3FB2] =	sst s10  }
0x38: {  	s10 =	sld [smem:$0x3FB3]  }
0x39: {  	_ = 	snop;
	(pc) =	sbr.ind lr, $3  }
0x3a: {  	_ = 	snop  }
0x3b: {  	_ = 	snop  }
0x3c: {  	p2 =	seq.s32 s10, $0x1;
	s10 =	sld [smem:$0x3FB2]  }
0x3d: {  	_ =	shalt  }
0x3e: {  	_ =	shalt  }
0x3f: {  	_ =	shalt  }
0x40: {  	_ =	shalt  }
0x41: {  	_ =	shalt  }
0x42: {  	_ =	shalt  }
0x43: {  	_ =	shalt  }
0x44: {  	_ =	shalt  }
0x45: {  	_ =	shalt  }
0x46: {  	_ =	shalt  }
0x47: {  	_ =	shalt  }
0x48: {  	_ =	shalt  }
0x49: {  	_ =	shalt  }
0x4a: {  	_ =	shalt  }
0x4b: {  	_ =	shalt  }
0x4c: {  	_ =	shalt  }
0x4d: {  	_ =	shalt  }
0x4e: {  	_ =	shalt  }
0x4f: {  	_ =	shalt  }
0x50: {  	_ =	shalt  }
0x51: {  	_ =	shalt  }
0x52: {  	_ =	shalt  }
0x53: {  	_ =	shalt  }
0x54: {  	_ =	shalt  }
0x55: {  	_ =	shalt  }
0x56: {  	_ =	shalt  }
0x57: {  	_ =	shalt  }
0x58: {  	_ =	shalt  }
0x59: {  	_ =	shalt  }
0x5a: {  	_ =	shalt  }
0x5b: {  	_ =	shalt  }
0x5c: {  	_ =	shalt  }
0x5d: {  	_ =	shalt  }
0x5e: {  	_ =	shalt  }
0x5f: {  	_ =	shalt  }
0x60: {  	_ =	shalt  }
0x61: {  	_ =	shalt  }
0x62: {  	_ =	shalt  }
0x63: {  	_ =	shalt  }
0x64: {  	_ =	shalt  }
0x65: {  	_ =	shalt  }
0x66: {  	_ =	shalt  }
0x67: {  	_ =	shalt  }
0x68: {  	_ =	shalt  }
0x69: {  	_ =	shalt  }
0x6a: {  	_ =	shalt  }
0x6b: {  	_ =	shalt  }
0x6c: {  	_ =	shalt  }
0x6d: {  	_ =	shalt  }
0x6e: {  	_ =	shalt  }
0x6f: {  	_ =	shalt  }
0x70: {  	_ =	shalt  }
0x71: {  	_ =	shalt  }
0x72: {  	_ =	shalt  }
0x73: {  	_ =	shalt  }
0x74: {  	_ =	shalt  }
0x75: {  	_ =	shalt  }
0x76: {  	_ =	shalt  }
0x77: {  	_ =	shalt  }
0x78: {  	_ =	shalt  }
0x79: {  	_ =	shalt  }
0x7a: {  	_ =	shalt  }
0x7b: {  	_ =	shalt  }
0x7c: {  	_ =	shalt  }
0x7d: {  	_ =	shalt  }
0x7e: {  	_ =	shalt  }
0x7f: {  	_ =	shalt  }
0x80: {  	_ =	shalt  }
0x81: {  	_ =	shalt  }
0x82: {  	_ =	shalt  }
0x83: {  	_ =	shalt  }
0x84: {  	_ =	shalt  }
0x85: {  	_ =	shalt  }
0x86: {  	_ =	shalt  }
0x87: {  	_ =	shalt  }
.Lfunc_end0:
.L_simem_size_0:
called_computation_lowered:
.L_overlay_start_0:
0x88: {  	s2 =	sld [smem:$0x3FD9]  }
0x89: {  	s3 =	sld [smem:$0x3FFE];
	_ =	sdelay $0x1  }
0x8a: {  	s1 =	srdreg.scid  }
0x8b: {  	s0 =	sand.u32 $0x1, s1  }
0x8c: {  	s16 =	sshll.u32 s0, $0xA;
	s2 =	sadd.s32 s3, s2  }
0x8d: {  	s2 =	sadd.s32 s2, s16  }
0x8e: {  	[smem:$0x3FBE] =	sst s2  }
0x8f: {  	_ = 	snop  }
0x90: {  	(tm) =	ssettm $0x1  }
0x91: {  	s17 =	sld [smem:$0x3FFB];
	_ =	sdelay $0x3  }
0x92: {  	_ =	strace s17  }
0x93: {  	s2 =	sld [smem:$0x3FFC];
	_ =	sdelay $0x3  }
0x94: {  	_ =	strace s2  }
0x95: {  	s2 =	sld [smem:$0x3FFD];
	_ =	sdelay $0x3  }
0x96: {  	_ =	strace s2  }
0x97: {  	_ =	strace $0x8FFFFFFF  }
0x98: {  	s18 =	sld [smem:$0x3FDB];
	_ =	sdelay $0x1  }
0x99: {  	s19 =	simm.s32 $_scs_section_size  }
0x9a: {  	s4 =	simm.s32 $_size__tile_overlayer_lowered;
	s5 =	simm.s32 $_tile_overlayer_lowered  }
0x9b: {  	s22 =	simm.s32 $0x1BFF;
	s21 =	sshll.u32 s5, $0x1;
	s2 =	sadd.s32 s19, s18  }
0x9c: {  	s6 =	simm.s32 $0x0;
	s20 =	sshll.u32 s4, $0x1;
	s4 =	sadd.s32 s21, s2  }
0x9d: {  	[timem:s6], [sflag:s22] =	dma.local [hbm:s4], s20  }
0x9e: {  	_ =	swait.ge [sflag:s22], s20  }
0x9f: {  	s3 =	ssub.s32 $0x0, s20;
	[sflag:s22] =	ssyncset.done $0x0  }
0xa0: {  	[sflag:s22] =	ssyncadd.s32 s3;
	_ =	sdelay $0x1  }
0xa1: {  	s23 =	simm.s32 $0x1B8B  }
0xa2: {  	_ =	swait.ge [sflag:s23], $0x1  }
0xa3: {  	[sflag:s23] =	ssyncset.done $0x0  }
0xa4: {  	s25 =	simm.s32 $0x1B8E;
	s24 =	sld [smem:$0x3FFE];
	[sflag:s23] =	ssyncadd.s32 $0xFFFFFFFF  }
0xa5: {  	s26 =	simm.s32 $execute0_lowered;
	[smem:$0x3FD2] =	sst s25  }
0xa6: {  	s4 =	sshll.u32 s26, $0x1;
	_ =	strace $0x80000046;
	[dreg:$0x1] =	wrdreg $0xFFFFFFFF  }
0xa7: {  	s28 =	simm.s32 $_size_execute0_lowered;
	s2 =	sadd.s32 s2, s4;
	[dreg:$0x0] =	wrdreg $0x0  }
0xa8: {  	s4 =	sshll.u32 s28, $0x1;
	[dreg:$0x2] =	wrdreg s2  }
0xa9: {  	[dreg:$0x3] =	wrdreg s4  }
0xaa: {  	[dreg:$0x4] =	wrdreg $0xC0  }
0xab: {  	_ =	task [dreg:s6], $0x5FFFF  }
0xac: {  	[dreg:$0x1] =	wrdreg $0xFFFFFFFF  }
0xad: {  	[dreg:$0x0] =	wrdreg $0x60  }
0xae: {  	[dreg:$0x2] =	wrdreg s24  }
0xaf: {  	[dreg:$0x3] =	wrdreg $0x52800  }
0xb0: {  	[dreg:$0x4] =	wrdreg $0x9  }
0xb1: {  	_ =	task.clear_ibuf [dreg:s6], $0x5FFFF;
	_ =	strace $0x90000046  }
0xb2: {  	s29 =	simm.s32 $0x9;
	_ =	strace $0x80000048  }
0xb3: {  	_ =	swait.ge [sflag:s29], $0x1  }
0xb4: {  	[sflag:s29] =	ssyncadd.s32 $0xFFFFFFFF  }
0xb5: {  	_ =	strace $0x90000048  }
0xb6: {  	_ =	sfence  }
0xb7: {  	s30 =	sld [smem:$0x0];
	_ =	sdelay $0x2  }
0xb8: {  	s31 =	sshll.u32 s1, $0xD;
	s1 =	sshrl.u32 s1, $0x2  }
0xb9: {  	s3 =	sand.u32 $0x4000, s31;
	s1 =	sadd.s32 s1, s30  }
0xba: {  	s0 =	sor.u32 s3, s0;
	s1 =	sshll.u32 s1, $0x11  }
0xbb: {  	s0 =	sor.u32 s1, s0  }
0xbc: {  	s0 =	sadd.s32 $0x8F2B, s0  }
0xbd: {  	[sflag:s0] =	ssyncadd.remote.s32 $0x1  }
0xbe: {  	_ =	sfence.sel $0xFFFF  }
0xbf: {  	[dreg:$0x0] =	wrdreg $0xFFFFFFFF;
	(pc) =	sbr.abs _section_cstart, $3  }
0xc0: {  	[dreg:$0x1] =	wrdreg $0xFFFFFFFF  }
0xc1: {  	_ =	task.clear_ibuf [dreg:s6], $0x2FFFF;
	_ =	strace $0x9FFFFFFF  }
0xc2: {  	(tm) =	ssettm $0x7FFFFFFF  }
0xc3: {  	_ =	shalt  }
tec
execute0_lowered:
.L_overlay_start_1:
0x0: {  	(tag) =	ssettag $0x1  }
0x1: {  	s1 =	srdreg.scid  }
0x2: {  	s0 =	stileid.u32;
	s4 =	rddreg [dreg:$0x0]  }
0x3: {  	s2 =	rddreg [dreg:$0x1];
	s3 =	simm.s32 $0x0;
	s10 =	simm.s32 $0x2  }
0x4: {  	s11 =	simm.s32 $0x2800;
	s12 =	simm.s32 $0x80;
	s13 =	simm.s32 $0x1  }
0x5: {  	s16 =	simm.s32 $0x20;
	s17 =	simm.s32 $0x10;
	s18 =	simm.s32 $0x0  }
0x6: {  	s5 =	sand.u32 $0x1, s1;
	s1 =	rddreg [dreg:$0x2];
	s7 =	smul.u32 $0x500, s0  }
0x7: {  	s30 =	sshll.u32 s0, $0x1;
	[smem:$0x7FF] =	sst s3;
	s9 =	smul.u32 $0xA00, s0  }
0x8: {  	s14 =	sshll.u32 s0, $0x6;
	s6 =	sor.u32 s5, s30;
	_ =	strace $0x80000047  }
0x9: {  	s8 =	sshll.u32 s5, $0x7;
	s5 =	ssub.s32 $0x2, s5;
	s14 =	sor.u32 $0x1C02, s14  }
0xa: {  	s6 =	smul.u32 $0x500, s6;
	s7 =	sor.u32 s8, s7;
	s31 =	sshrl.u32 s5, $0x1  }
0xb: {  	s9 =	sshrl.u32 s9, $0x2;
	s7 =	sshrl.u32 s7, $0x3;
	s8 =	ssub.s32 s5, s31  }
0xc: {  	s6 =	sadd.s32 s6, s4;
	s7 =	sadd.s32 s7, s4;
	s4 =	sadd.s32 s9, s2  }
0xd: {  	s8 =	smax.u32 s8, $0x1;
	s9 =	simm.s32 $0x5000;
	s5 =	sadd.s32 $0x16400, s6  }
0xe: {  	v0 =	vimm.f32 $0.0e+00;
	s6 =	sadd.s32 $0x2000, s6;
	s7 =	sadd.s32 $0x20600, s7;
	s15 =	sshrl.u32 s4, $0x3  }
.LBB2_1:
0xf: {  	[tilespmem:$0x5000] =	vst v0  }
0x10: {  	[tilespmem:$0x5010] =	vst v0  }
0x11: {  	[tilespmem:$0x5020] =	vst v0  }
0x12: {  	[tilespmem:$0x5030] =	vst v0  }
0x13: {  	[tilespmem:$0x5040] =	vst v0  }
0x14: {  	[tilespmem:$0x5050] =	vst v0  }
0x15: {  	[tilespmem:$0x5060] =	vst v0  }
0x16: {  	[tilespmem:$0x5070] =	vst v0  }
0x17: {  	[tilespmem:$0x5080] =	vst v0  }
0x18: {  	[tilespmem:$0x5090] =	vst v0  }
0x19: {  	[tilespmem:$0x50A0] =	vst v0  }
0x1a: {  	[tilespmem:$0x50B0] =	vst v0  }
0x1b: {  	[tilespmem:$0x50C0] =	vst v0  }
0x1c: {  	[tilespmem:$0x50D0] =	vst v0  }
0x1d: {  	[tilespmem:$0x50E0] =	vst v0  }
0x1e: {  	[tilespmem:$0x50F0] =	vst v0  }
0x1f: {  	[tilespmem:$0x5100] =	vst v0  }
0x20: {  	[tilespmem:$0x5110] =	vst v0  }
0x21: {  	[tilespmem:$0x5120] =	vst v0  }
0x22: {  	[tilespmem:$0x5130] =	vst v0  }
0x23: {  	[tilespmem:$0x5140] =	vst v0  }
0x24: {  	[tilespmem:$0x5150] =	vst v0  }
0x25: {  	[tilespmem:$0x5160] =	vst v0  }
0x26: {  	[tilespmem:$0x5170] =	vst v0  }
0x27: {  	[tilespmem:$0x5180] =	vst v0  }
0x28: {  	[tilespmem:$0x5190] =	vst v0  }
0x29: {  	[tilespmem:$0x51A0] =	vst v0  }
0x2a: {  	[tilespmem:$0x51B0] =	vst v0  }
0x2b: {  	[tilespmem:$0x51C0] =	vst v0  }
0x2c: {  	[tilespmem:$0x51D0] =	vst v0  }
0x2d: {  	[tilespmem:$0x51E0] =	vst v0  }
0x2e: {  	[tilespmem:$0x51F0] =	vst v0  }
0x2f: {  	[tilespmem:$0x5200] =	vst v0  }
0x30: {  	[tilespmem:$0x5210] =	vst v0  }
0x31: {  	[tilespmem:$0x5220] =	vst v0  }
0x32: {  	[tilespmem:$0x5230] =	vst v0  }
0x33: {  	[tilespmem:$0x5240] =	vst v0  }
0x34: {  	[tilespmem:$0x5250] =	vst v0  }
0x35: {  	[tilespmem:$0x5260] =	vst v0  }
0x36: {  	[tilespmem:$0x5270] =	vst v0  }
0x37: {  	[spmem:s4] =	stream.linear.scatter [tilespmem:s9], [sflag:$0x2], $0x280, $0x38;
	[tilespmem:$0x5500] =	vst v63  }
0x38: {  	_ =	swait.ge [sflag:s10], $0x280  }
0x39: {  	[sflag:s10] =	ssyncset.done $0x0  }
0x3a: {  	[sflag:s10] =	ssyncadd.s32 $0xFFFFFD80  }
0x3b: {  	[tilespmem:s3], [sflag:$0x2] =	stream.linear.gather [hbm4b:s5+s3], $0x2800, $0x38;
	[tilespmem:$0x5500] =	vst v63  }
0x3c: {  	_ =	swait.ge [sflag:s10], $0x2800  }
0x3d: {  	[sflag:s10] =	ssyncset.done $0x0  }
0x3e: {  	[sflag:s10] =	ssyncadd.s32 $0xFFFFD800  }
0x3f: {  	[tilespmem:s11], [sflag:$0x2] =	stream.linear.gather [hbm4b:s6+s3], $0x2800, $0x38;
	[tilespmem:$0x5500] =	vst v63  }
0x40: {  	_ =	swait.ge [sflag:s10], $0x2800  }
0x41: {  	[sflag:s10] =	ssyncset.done $0x0  }
0x42: {  	s19 =	simm.s32 $0x0;
	[sflag:s10] =	ssyncadd.s32 $0xFFFFD800  }
0x43: {  	v3 =	vld [tilespmem:s19+$0x2800]  }
0x44: {  	v5 =	vld [tilespmem:s19+$0x2810]  }
0x45: {  	v4 =	vld [tilespmem:s19+$0x2820]  }
0x46: {  	v2 =	vld [tilespmem:s19+$0x2830]  }
0x47: {  	v1 =	vld [tilespmem:s19+$0x2840]  }
0x48: {  	v6 =	vand.u32 $0x7FFFFFFF, v3;
	v3 =	vld [tilespmem:s19+$0x2850]  }
0x49: {  	s20 =	simm.s32 $0x200;
	[tilespmem:s19+$0x2800] =	vst v6;
	v6 =	vand.u32 $0x7FFFFFFF, v5;
	v5 =	vld [tilespmem:s19+$0x2860]  }
.LBB2_2:
0x4a: {  	s21 =	sshra.s32 s20, $0x2;
	p0 =	sne.s32 s20, $0x9E00;
	[tilespmem:s19+$0x2810] =	vst v6;
	v4 =	vand.u32 $0x7FFFFFFF, v4;
	v6 =	vld [tilespmem:s19+$0x2870]  }
0x4b: {  	v7 =	vld [tilespmem:s21+$0x2800];
	[tilespmem:s19+$0x2820] =	vst v4;
	v2 =	vand.u32 $0x7FFFFFFF, v2  }
0x4c: {  	v8 =	vld [tilespmem:s21+$0x2810];
	[tilespmem:s19+$0x2830] =	vst v2;
	v1 =	vand.u32 $0x7FFFFFFF, v1  }
.Ltmp0:
0x4d: {  	v4 =	vld [tilespmem:s21+$0x2820];
	[tilespmem:s19+$0x2840] =	vst v1;
	v1 =	vand.u32 $0x7FFFFFFF, v3;
	(pc) =	sbr.rel @p0 .LBB2_2-.Ltmp0, $4  }
0x4e: {  	v2 =	vld [tilespmem:s21+$0x2830];
	[tilespmem:s19+$0x2850] =	vst v1;
	v3 =	vand.u32 $0x7FFFFFFF, v5  }
0x4f: {  	v1 =	vld [tilespmem:s21+$0x2840];
	[tilespmem:s19+$0x2860] =	vst v3;
	v5 =	vand.u32 $0x7FFFFFFF, v6  }
0x50: {  	v6 =	vand.u32 $0x7FFFFFFF, v7;
	v3 =	vld [tilespmem:s21+$0x2850];
	[tilespmem:s19+$0x2870] =	vst v5;
	s19 =	smov.u32 s21  }
0x51: {  	s20 =	sadd.s32 $0x200, s20;
	[tilespmem:s19+$0x2800] =	vst v6;
	v6 =	vand.u32 $0x7FFFFFFF, v8;
	v5 =	vld [tilespmem:s19+$0x2860]  }
0x52: {  	[tilespmem:s19+$0x2810] =	vst v6;
	v4 =	vand.u32 $0x7FFFFFFF, v4;
	v63 =	vld [tilespmem:s19+$0x2870]  }
0x53: {  	[tilespmem:s19+$0x2820] =	vst v4;
	v2 =	vand.u32 $0x7FFFFFFF, v2  }
0x54: {  	[tilespmem:s19+$0x2830] =	vst v2;
	v1 =	vand.u32 $0x7FFFFFFF, v1  }
0x55: {  	[tilespmem:s19+$0x2840] =	vst v1;
	v1 =	vand.u32 $0x7FFFFFFF, v3  }
0x56: {  	[tilespmem:s19+$0x2850] =	vst v1;
	v1 =	vand.u32 $0x7FFFFFFF, v5  }
0x57: {  	[tilespmem:s19+$0x2860] =	vst v1;
	v1 =	vand.u32 $0x7FFFFFFF, v63  }
0x58: {  	[tilespmem:s19+$0x2870] =	vst v1  }
0x59: {  	s26 =	simm.s32 $0x0;
	s20 =	simm.s32 $0x2800;
	[bflag:$0x0] =	sbarrier.arrive $0xFFFF  }
0x5a: {  	[spmem:s2] =	stream.indirect.scatter.add.f32 [tilespmem:s20], [sflag:$0x1], $0x1, s26, s12, $0xb8;
	[tilespmem:$0x5500] =	vst v63  }
0x5b: {  	s28 =	simm.s32 $0x2880;
	s29 =	simm.s32 $0x80  }
0x5c: {  	[spmem:s2] =	stream.indirect.scatter.add.f32 [tilespmem:s28], [sflag:$0x1], $0x1, s29, s12, $0xb8;
	[tilespmem:$0x5500] =	vst v63  }
0x5d: {  	s30 =	simm.s32 $0x2900;
	s31 =	simm.s32 $0x100  }
0x5e: {  	[spmem:s2] =	stream.indirect.scatter.add.f32 [tilespmem:s30], [sflag:$0x1], $0x1, s31, s12, $0xb8;
	[tilespmem:$0x5500] =	vst v63  }
0x5f: {  	s21 =	simm.s32 $0x2980;
	s22 =	simm.s32 $0x180  }
0x60: {  	[spmem:s2] =	stream.indirect.scatter.add.f32 [tilespmem:s21], [sflag:$0x1], $0x1, s22, s12, $0xb8;
	[tilespmem:$0x5500] =	vst v63  }
0x61: {  	s23 =	simm.s32 $0x2A00;
	s24 =	simm.s32 $0x200  }
0x62: {  	[spmem:s2] =	stream.indirect.scatter.add.f32 [tilespmem:s23], [sflag:$0x1], $0x1, s24, s12, $0xb8;
	[tilespmem:$0x5500] =	vst v63  }
0x63: {  	s25 =	simm.s32 $0x2A80;
	s26 =	simm.s32 $0x280  }
0x64: {  	[spmem:s2] =	stream.indirect.scatter.add.f32 [tilespmem:s25], [sflag:$0x1], $0x1, s26, s12, $0xb8;
	[tilespmem:$0x5500] =	vst v63  }
0x65: {  	s28 =	simm.s32 $0x2B00;
	s29 =	simm.s32 $0x300  }
0x66: {  	[spmem:s2] =	stream.indirect.scatter.add.f32 [tilespmem:s28], [sflag:$0x1], $0x1, s29, s12, $0xb8;
	[tilespmem:$0x5500] =	vst v63  }
0x67: {  	s30 =	simm.s32 $0x2B80;
	s31 =	simm.s32 $0x380  }
0x68: {  	[spmem:s2] =	stream.indirect.scatter.add.f32 [tilespmem:s30], [sflag:$0x1], $0x1, s31, s12, $0xb8;
	[tilespmem:$0x5500] =	vst v63  }
0x69: {  	_ =	swait.ge [sflag:s13], $0x80  }
0x6a: {  	[sflag:s13] =	ssyncset.done $0x0  }
0x6b: {  	[sflag:s13] =	ssyncadd.s32 $0xFFFFFF80  }
0x6c: {  	_ =	swait.ge [sflag:s13], $0x80  }
0x6d: {  	[sflag:s13] =	ssyncset.done $0x0  }
0x6e: {  	[sflag:s13] =	ssyncadd.s32 $0xFFFFFF80  }
0x6f: {  	_ =	swait.ge [sflag:s13], $0x80  }
0x70: {  	[sflag:s13] =	ssyncset.done $0x0  }
0x71: {  	[sflag:s13] =	ssyncadd.s32 $0xFFFFFF80  }
0x72: {  	_ =	swait.ge [sflag:s13], $0x80  }
0x73: {  	[sflag:s13] =	ssyncset.done $0x0  }
0x74: {  	[sflag:s13] =	ssyncadd.s32 $0xFFFFFF80  }
0x75: {  	_ =	swait.ge [sflag:s13], $0x80  }
0x76: {  	[sflag:s13] =	ssyncset.done $0x0  }
0x77: {  	[sflag:s13] =	ssyncadd.s32 $0xFFFFFF80  }
0x78: {  	_ =	swait.ge [sflag:s13], $0x80  }
0x79: {  	[sflag:s13] =	ssyncset.done $0x0  }
0x7a: {  	[sflag:s13] =	ssyncadd.s32 $0xFFFFFF80  }
0x7b: {  	_ =	swait.ge [sflag:s13], $0x80  }
0x7c: {  	[sflag:s13] =	ssyncset.done $0x0  }
0x7d: {  	[sflag:s13] =	ssyncadd.s32 $0xFFFFFF80  }
0x7e: {  	_ =	swait.ge [sflag:s13], $0x80  }
0x7f: {  	s22 =	simm.s32 $0x2000;
	s21 =	simm.s32 $0x400;
	[sflag:s13] =	ssyncset.done $0x0  }
.LBB2_4:
0x80: {  	s23 =	sadd.s32 $0x2800, s21  }
0x81: {  	[sflag:s13] =	ssyncadd.s32 $0xFFFFFF80;
	s20 =	smov.u32 s22;
	s19 =	sadd.s32 $0x1000, s22  }
0x82: {  	[spmem:s2] =	stream.indirect.scatter.add.f32 [tilespmem:s23], [sflag:$0x1], $0x1, s21, s12, $0xb8;
	[tilespmem:$0x5500] =	vst v63  }
0x83: {  	p0 =	sne.s32 s22, $0x9000;
	s22 =	sadd.s32 $0x2880, s21;
	s23 =	sadd.s32 $0x80, s21  }
0x84: {  	[spmem:s2] =	stream.indirect.scatter.add.f32 [tilespmem:s22], [sflag:$0x1], $0x1, s23, s12, $0xb8;
	[tilespmem:$0x5500] =	vst v63  }
0x85: {  	s22 =	sadd.s32 $0x2900, s21;
	s23 =	sadd.s32 $0x100, s21  }
0x86: {  	[spmem:s2] =	stream.indirect.scatter.add.f32 [tilespmem:s22], [sflag:$0x1], $0x1, s23, s12, $0xb8;
	[tilespmem:$0x5500] =	vst v63  }
0x87: {  	s22 =	sadd.s32 $0x2980, s21;
	s23 =	sadd.s32 $0x180, s21  }
0x88: {  	[spmem:s2] =	stream.indirect.scatter.add.f32 [tilespmem:s22], [sflag:$0x1], $0x1, s23, s12, $0xb8;
	[tilespmem:$0x5500] =	vst v63  }
0x89: {  	s22 =	sadd.s32 $0x2A00, s21;
	s23 =	sadd.s32 $0x200, s21  }
0x8a: {  	[spmem:s2] =	stream.indirect.scatter.add.f32 [tilespmem:s22], [sflag:$0x1], $0x1, s23, s12, $0xb8;
	[tilespmem:$0x5500] =	vst v63  }
0x8b: {  	s22 =	sadd.s32 $0x2A80, s21;
	s23 =	sadd.s32 $0x280, s21  }
0x8c: {  	[spmem:s2] =	stream.indirect.scatter.add.f32 [tilespmem:s22], [sflag:$0x1], $0x1, s23, s12, $0xb8;
	[tilespmem:$0x5500] =	vst v63  }
0x8d: {  	s22 =	sadd.s32 $0x2B00, s21;
	s23 =	sadd.s32 $0x300, s21  }
0x8e: {  	[spmem:s2] =	stream.indirect.scatter.add.f32 [tilespmem:s22], [sflag:$0x1], $0x1, s23, s12, $0xb8;
	[tilespmem:$0x5500] =	vst v63  }
0x8f: {  	s22 =	sadd.s32 $0x2B80, s21;
	s21 =	sadd.s32 $0x380, s21  }
0x90: {  	[spmem:s2] =	stream.indirect.scatter.add.f32 [tilespmem:s22], [sflag:$0x1], $0x1, s21, s12, $0xb8;
	[tilespmem:$0x5500] =	vst v63  }
0x91: {  	_ =	swait.ge [sflag:s13], $0x80  }
0x92: {  	[sflag:s13] =	ssyncset.done $0x0  }
0x93: {  	[sflag:s13] =	ssyncadd.s32 $0xFFFFFF80  }
0x94: {  	_ =	swait.ge [sflag:s13], $0x80  }
0x95: {  	[sflag:s13] =	ssyncset.done $0x0  }
0x96: {  	[sflag:s13] =	ssyncadd.s32 $0xFFFFFF80  }
0x97: {  	_ =	swait.ge [sflag:s13], $0x80  }
0x98: {  	[sflag:s13] =	ssyncset.done $0x0  }
0x99: {  	[sflag:s13] =	ssyncadd.s32 $0xFFFFFF80  }
0x9a: {  	_ =	swait.ge [sflag:s13], $0x80  }
0x9b: {  	[sflag:s13] =	ssyncset.done $0x0  }
0x9c: {  	[sflag:s13] =	ssyncadd.s32 $0xFFFFFF80  }
0x9d: {  	_ =	swait.ge [sflag:s13], $0x80  }
0x9e: {  	[sflag:s13] =	ssyncset.done $0x0  }
0x9f: {  	[sflag:s13] =	ssyncadd.s32 $0xFFFFFF80  }
0xa0: {  	_ =	swait.ge [sflag:s13], $0x80  }
0xa1: {  	[sflag:s13] =	ssyncset.done $0x0  }
0xa2: {  	[sflag:s13] =	ssyncadd.s32 $0xFFFFFF80  }
.Ltmp1:
0xa3: {  	_ =	swait.ge [sflag:s13], $0x80;
	(pc) =	sbr.rel @p0 .LBB2_4-.Ltmp1, $4  }
0xa4: {  	[sflag:s13] =	ssyncset.done $0x0  }
0xa5: {  	[sflag:s13] =	ssyncadd.s32 $0xFFFFFF80  }
0xa6: {  	_ =	swait.ge [sflag:s13], $0x80  }
0xa7: {  	s21 =	sshra.s32 s20, $0x2;
	s22 =	smov.u32 s19;
	[sflag:s13] =	ssyncset.done $0x0  }
0xa8: {  	s19 =	sadd.s32 $0x2800, s21;
	[sflag:s13] =	ssyncadd.s32 $0xFFFFFF80  }
0xa9: {  	[spmem:s2] =	stream.indirect.scatter.add.f32 [tilespmem:s19], [sflag:$0x1], $0x1, s21, s12, $0xb8;
	[tilespmem:$0x5500] =	vst v63  }
0xaa: {  	s29 =	sadd.s32 $0x2880, s21;
	s20 =	sadd.s32 $0x80, s21  }
0xab: {  	[spmem:s2] =	stream.indirect.scatter.add.f32 [tilespmem:s29], [sflag:$0x1], $0x1, s20, s12, $0xb8;
	[tilespmem:$0x5500] =	vst v63  }
0xac: {  	s30 =	sadd.s32 $0x2900, s21;
	s31 =	sadd.s32 $0x100, s21  }
0xad: {  	[spmem:s2] =	stream.indirect.scatter.add.f32 [tilespmem:s30], [sflag:$0x1], $0x1, s31, s12, $0xb8;
	[tilespmem:$0x5500] =	vst v63  }
0xae: {  	s22 =	sadd.s32 $0x180, s21;
	s20 =	sadd.s32 $0x2980, s21  }
0xaf: {  	[spmem:s2] =	stream.indirect.scatter.add.f32 [tilespmem:s20], [sflag:$0x1], $0x1, s22, s12, $0xb8;
	[tilespmem:$0x5500] =	vst v63  }
0xb0: {  	s23 =	sadd.s32 $0x2A00, s21;
	s24 =	sadd.s32 $0x200, s21  }
0xb1: {  	[spmem:s2] =	stream.indirect.scatter.add.f32 [tilespmem:s23], [sflag:$0x1], $0x1, s24, s12, $0xb8;
	[tilespmem:$0x5500] =	vst v63  }
0xb2: {  	s25 =	sadd.s32 $0x2A80, s21;
	s26 =	sadd.s32 $0x280, s21  }
0xb3: {  	[spmem:s2] =	stream.indirect.scatter.add.f32 [tilespmem:s25], [sflag:$0x1], $0x1, s26, s12, $0xb8;
	[tilespmem:$0x5500] =	vst v63  }
0xb4: {  	s28 =	sadd.s32 $0x2B00, s21;
	s29 =	sadd.s32 $0x300, s21  }
0xb5: {  	[spmem:s2] =	stream.indirect.scatter.add.f32 [tilespmem:s28], [sflag:$0x1], $0x1, s29, s12, $0xb8;
	[tilespmem:$0x5500] =	vst v63  }
0xb6: {  	s30 =	sadd.s32 $0x2B80, s21;
	s31 =	sadd.s32 $0x380, s21  }
0xb7: {  	[spmem:s2] =	stream.indirect.scatter.add.f32 [tilespmem:s30], [sflag:$0x1], $0x1, s31, s12, $0xb8;
	[tilespmem:$0x5500] =	vst v63  }
0xb8: {  	_ =	swait.ge [sflag:s13], $0x80  }
0xb9: {  	[sflag:s13] =	ssyncset.done $0x0  }
0xba: {  	[sflag:s13] =	ssyncadd.s32 $0xFFFFFF80  }
0xbb: {  	_ =	swait.ge [sflag:s13], $0x80  }
0xbc: {  	[sflag:s13] =	ssyncset.done $0x0  }
0xbd: {  	[sflag:s13] =	ssyncadd.s32 $0xFFFFFF80  }
0xbe: {  	_ =	swait.ge [sflag:s13], $0x80  }
0xbf: {  	[sflag:s13] =	ssyncset.done $0x0  }
0xc0: {  	[sflag:s13] =	ssyncadd.s32 $0xFFFFFF80  }
0xc1: {  	_ =	swait.ge [sflag:s13], $0x80  }
0xc2: {  	[sflag:s13] =	ssyncset.done $0x0  }
0xc3: {  	[sflag:s13] =	ssyncadd.s32 $0xFFFFFF80  }
0xc4: {  	_ =	swait.ge [sflag:s13], $0x80  }
0xc5: {  	[sflag:s13] =	ssyncset.done $0x0  }
0xc6: {  	[sflag:s13] =	ssyncadd.s32 $0xFFFFFF80  }
0xc7: {  	_ =	swait.ge [sflag:s13], $0x80  }
0xc8: {  	[sflag:s13] =	ssyncset.done $0x0  }
0xc9: {  	[sflag:s13] =	ssyncadd.s32 $0xFFFFFF80  }
0xca: {  	_ =	swait.ge [sflag:s13], $0x80  }
0xcb: {  	[sflag:s13] =	ssyncset.done $0x0  }
0xcc: {  	[sflag:s13] =	ssyncadd.s32 $0xFFFFFF80  }
0xcd: {  	_ =	swait.ge [sflag:s13], $0x80  }
0xce: {  	s18 =	sadd.s32 $0x1, s18;
	[sflag:s13] =	ssyncset.done $0x0  }
0xcf: {  	p0 =	sne.s32 s18, s8;
	[sflag:s13] =	ssyncadd.s32 $0xFFFFFF80  }
.Ltmp2:
0xd0: {  	[bflag:$0x0] =	sbarrier.arrive $0xFFFF;
	(pc) =	sbr.rel @p0 .LBB2_1-.Ltmp2, $4  }
0xd1: {  	[hbm:s7@s16], [sflag:s14] =	dma.strided [spmem:s15@s17], $0x50, s13, $0x10   }
0xd2: {  	_ =	swait.ge [sflag:s10], $0x50  }
0xd3: {  	[sflag:s10] =	ssyncset.done $0x0  }
0xd4: {  	[sflag:s10] =	ssyncadd.s32 $0xFFFFFFB0  }
0xd5: {  	_ =	sfence.sel $0x180000  }
0xd6: {  	[bflag:$0x0] =	sbarrier.arrive $0xFFFF  }
0xd7: {  	p0 =	sne.s32 s0, $0x0;
	_ =	strace $0x90000047  }
0xd8: {  	s0 =	sadd.s32 @!p0 $0x100000, s1;
	[bflag:$0x2] =	sbarrier.arrive $0xFFFF  }
0xd9: {  	[sflag:s0] =	ssyncadd.tile.s32 @!p0 $0x1;
	_ =	shalt  }
.Lfunc_end2:
_tile_overlayer_lowered:
.L_overlay_start_2:
0xda: {  	(tag) =	ssettag $0x2  }
0xdb: {  	s0 =	rddreg [dreg:$0x0];
	s2 =	stileid.u32  }
0xdc: {  	s1 =	rddreg [dreg:$0x1];
	p0 =	sne.s32 s2, $0x0  }
0xdd: {  	s3 =	rddreg [dreg:$0x2];
	[bflag:$0x3] =	sbarrier.arrive $0xFFFF;
	s2 =	simm.s32 @!p0 $0x1C02  }
0xde: {  	[timem:s3], [sflag:s2] =	dma.local @!p0 [hbm:s0], s1  }
0xdf: {  	s0 =	simm.s32 @!p0 $0x2  }
0xe0: {  	_ =	swait.ge @!p0 [sflag:s0], s1  }
0xe1: {  	s1 =	ssub.s32 @!p0 $0x0, s1;
	[sflag:s0] =	ssyncset.done @!p0 $0x0  }
0xe2: {  	[sflag:s0] =	ssyncadd.s32 @!p0 s1  }
0xe3: {  	[bflag:$0x3] =	sbarrier.arrive $0xFFFF  }
0xe4: {  	_ =	shalt  }

</sc_bundles>
